<compile_context>
chip_gen: v7x
topology: tpu7x:2x2x1
jax: 0.10.2.dev20260603
libtpu: 0.0.44.dev20260713+nightly
codegen_flags: <defaults>
</compile_context>

<pallas_src>
import functools

import jax
import jax.numpy as jnp
from jax import lax
from jax.experimental import pallas as pl
from jax.experimental.pallas import tpu as pltpu
from jax.experimental.pallas import tpu_sc as plsc

N = 10000
E = 320000
D = 128

NC, NS, L = 2, 16, 16
NW = NC * NS
EPW = E // NW
C = 80
NCHUNK = EPW // C
NPAIR = (NCHUNK - 1) // 2
NP = 10240
RPT = NP // NS

_mesh = plsc.VectorSubcoreMesh(core_axis_name="c", subcore_axis_name="s")
_params = pltpu.CompilerParams(needs_layout_passes=False)


@functools.partial(
    pl.kernel,
    out_type=jax.ShapeDtypeStruct((NW, 1, NP), jnp.float32),
    mesh=_mesh,
    compiler_params=_params,
    scratch_types=[
        pltpu.VMEM((1, EPW), jnp.int32),
        pltpu.VMEM((1, NP), jnp.float32),
    ],
)
def _deg_kernel(dst_hbm, out_hbm, idxv, acc):
    cid = lax.axis_index("c")
    sid = lax.axis_index("s")
    wid = sid * NC + cid
    pltpu.sync_copy(dst_hbm.at[wid], idxv)
    zf = jnp.zeros((L,), jnp.float32)

    def zinit(i, _):
        acc[0, pl.ds(i * L, L)] = zf
        return 0

    lax.fori_loop(0, NP // L, zinit, 0)

    row0 = jnp.zeros((L,), jnp.int32)
    onesv = jnp.ones((L,), jnp.float32)

    def body(j, _):
        iv = idxv[0, pl.ds(j * L, L)]
        plsc.addupdate_scatter(acc, [row0, iv], onesv)
        return 0

    lax.fori_loop(0, EPW // L, body, 0)
    pltpu.sync_copy(acc, out_hbm.at[wid])


@functools.partial(
    pl.kernel,
    out_type=jax.ShapeDtypeStruct((NC, NP, D), jnp.float32),
    mesh=_mesh,
    compiler_params=_params,
    scratch_types=(
        [pltpu.VMEM((C,), jnp.int32)] * 8 +
        [pltpu.VMEM((C, D), jnp.float32)] * 2 +
        [pltpu.VMEM_SHARED((NP, D), jnp.float32)] +
        [pltpu.SemaphoreType.DMA] * 8
    ),
)
def _agg_kernel(z_hbm, src_hbm, dst_hbm, zeros_hbm, out_hbm,
                is0, is1, is2, is3, id0, id1, id2, id3, rows0, rows1, acc,
                semi0, semi1, semi2, semi3, semr0, semr1, sems0, sems1):
    cid = lax.axis_index("c")
    sid = lax.axis_index("s")
    wid = sid * NC + cid
    sl = pl.ds(sid * RPT, RPT)
    @pl.when(cid == 0)
    def _():
        pltpu.sync_copy(z_hbm.at[sl], acc.at[sl])

    @pl.when(cid != 0)
    def _():
        pltpu.sync_copy(zeros_hbm.at[sl], acc.at[sl])

    isb = (is0, is1, is2, is3)
    idb = (id0, id1, id2, id3)
    rows = (rows0, rows1)
    semi = (semi0, semi1, semi2, semi3)
    semr = (semr0, semr1)
    sems = (sems0, sems1)
    e0 = wid * EPW

    plsc.subcore_barrier()

    pltpu.sync_copy(src_hbm.at[pl.ds(e0, C)], is0)
    pltpu.sync_copy(dst_hbm.at[pl.ds(e0, C)], id0)
    pltpu.async_copy(src_hbm.at[pl.ds(e0 + C, C)], is1, semi1)
    pltpu.async_copy(dst_hbm.at[pl.ds(e0 + C, C)], id1, semi1)
    pltpu.async_copy(z_hbm.at[is0], rows0, semr0)

    def step(g, j, wait_prev_scatter=True, gather_next=True, prefetch2=True):
        b = j % 2
        nb = 1 - b
        nj = (j + 1) % 4
        if gather_next:
            pltpu.make_async_copy(src_hbm.at[pl.ds(e0, C)], isb[nj], semi[nj]).wait()
            pltpu.make_async_copy(dst_hbm.at[pl.ds(e0, C)], idb[nj], semi[nj]).wait()
            if wait_prev_scatter:
                pltpu.make_async_copy(rows[nb], acc.at[idb[(j + 3) % 4]],
                                      sems[nb]).wait()
            pltpu.async_copy(z_hbm.at[isb[nj]], rows[nb], semr[nb])
        pltpu.make_async_copy(z_hbm.at[isb[j]], rows[b], semr[b]).wait()
        pltpu.async_copy(rows[b], acc.at[idb[j]], sems[b], add=True)
        if prefetch2:
            base = e0 + (g + 2) * C
            pltpu.async_copy(src_hbm.at[pl.ds(base, C)], isb[(j + 2) % 4],
                             semi[(j + 2) % 4])
            pltpu.async_copy(dst_hbm.at[pl.ds(base, C)], idb[(j + 2) % 4],
                             semi[(j + 2) % 4])

    step(0, 0, wait_prev_scatter=False)

    NQ = (NCHUNK - 1 - 4) // 4

    def body(i, _):
        for j2 in range(4):
            step(4 * i + 1 + j2, (1 + j2) % 4)
        return 0

    lax.fori_loop(0, NQ, body, 0)
    for g in range(4 * NQ + 1, NCHUNK):
        step(g, g % 4, gather_next=(g + 1 < NCHUNK),
             prefetch2=(g + 2 < NCHUNK))
    pltpu.make_async_copy(rows[(NCHUNK - 1) % 2], acc.at[id0],
                          sems[(NCHUNK - 1) % 2]).wait()
    pltpu.make_async_copy(rows[NCHUNK % 2], acc.at[id1],
                          sems[NCHUNK % 2]).wait()

    plsc.subcore_barrier()
    pltpu.sync_copy(acc.at[sl], out_hbm.at[cid, sl])


@functools.partial(
    pl.kernel,
    out_type=(jax.ShapeDtypeStruct((NC, NP, D), jnp.float32),
              jax.ShapeDtypeStruct((NW, 1, NP), jnp.float32)),
    mesh=_mesh,
    compiler_params=_params,
    scratch_types=(
        [pltpu.VMEM((C,), jnp.int32)] * 8 +
        [pltpu.VMEM((C, D), jnp.float32)] * 2 +
        [pltpu.VMEM((N,), jnp.float32)] +
        [pltpu.VMEM((1, NP), jnp.float32)] +
        [pltpu.VMEM_SHARED((NP, D), jnp.float32)] +
        [pltpu.SemaphoreType.DMA] * 8
    ),
)
def _agg_w_kernel(z_hbm, src_hbm, dst_hbm, dinv_hbm, zeros_hbm,
                  out_hbm, wout_hbm,
                  is0, is1, is2, is3, id0, id1, id2, id3, rows0, rows1,
                  dinv_v, wacc, acc,
                  semi0, semi1, semi2, semi3, semr0, semr1, sems0, sems1):
    cid = lax.axis_index("c")
    sid = lax.axis_index("s")
    wid = sid * NC + cid
    sl = pl.ds(sid * RPT, RPT)
    @pl.when(cid == 0)
    def _():
        pltpu.sync_copy(z_hbm.at[sl], acc.at[sl])

    @pl.when(cid != 0)
    def _():
        pltpu.sync_copy(zeros_hbm.at[sl], acc.at[sl])

    pltpu.sync_copy(dinv_hbm, dinv_v)
    zf = jnp.zeros((L,), jnp.float32)

    def zinit(i, _):
        wacc[0, pl.ds(i * L, L)] = zf
        return 0

    lax.fori_loop(0, NP // L, zinit, 0)

    isb = (is0, is1, is2, is3)
    idb = (id0, id1, id2, id3)
    rows = (rows0, rows1)
    semi = (semi0, semi1, semi2, semi3)
    semr = (semr0, semr1)
    sems = (sems0, sems1)
    e0 = wid * EPW
    row0 = jnp.zeros((L,), jnp.int32)

    plsc.subcore_barrier()

    pltpu.sync_copy(src_hbm.at[pl.ds(e0, C)], is0)
    pltpu.sync_copy(dst_hbm.at[pl.ds(e0, C)], id0)
    pltpu.async_copy(src_hbm.at[pl.ds(e0 + C, C)], is1, semi1)
    pltpu.async_copy(dst_hbm.at[pl.ds(e0 + C, C)], id1, semi1)
    pltpu.async_copy(z_hbm.at[is0], rows0, semr0)

    def chunk_w(j):
        for k in range(C // L):
            iv_d = idb[j][pl.ds(k * L, L)]
            iv_s = isb[j][pl.ds(k * L, L)]
            dv = plsc.load_gather(dinv_v, [iv_d])
            plsc.addupdate_scatter(wacc, [row0, iv_s], dv)

    def step(g, j, wait_prev_scatter=True, gather_next=True, prefetch2=True):
        b = j % 2
        nb = 1 - b
        nj = (j + 1) % 4
        if gather_next:
            pltpu.make_async_copy(src_hbm.at[pl.ds(e0, C)], isb[nj], semi[nj]).wait()
            pltpu.make_async_copy(dst_hbm.at[pl.ds(e0, C)], idb[nj], semi[nj]).wait()
            if wait_prev_scatter:
                pltpu.make_async_copy(rows[nb], acc.at[idb[(j + 3) % 4]],
                                      sems[nb]).wait()
            pltpu.async_copy(z_hbm.at[isb[nj]], rows[nb], semr[nb])
        pltpu.make_async_copy(z_hbm.at[isb[j]], rows[b], semr[b]).wait()
        pltpu.async_copy(rows[b], acc.at[idb[j]], sems[b], add=True)
        chunk_w(j)
        if prefetch2:
            base = e0 + (g + 2) * C
            pltpu.async_copy(src_hbm.at[pl.ds(base, C)], isb[(j + 2) % 4],
                             semi[(j + 2) % 4])
            pltpu.async_copy(dst_hbm.at[pl.ds(base, C)], idb[(j + 2) % 4],
                             semi[(j + 2) % 4])

    step(0, 0, wait_prev_scatter=False)

    NQ = (NCHUNK - 1 - 4) // 4

    def body(i, _):
        for j2 in range(4):
            step(4 * i + 1 + j2, (1 + j2) % 4)
        return 0

    lax.fori_loop(0, NQ, body, 0)
    for g in range(4 * NQ + 1, NCHUNK):
        step(g, g % 4, gather_next=(g + 1 < NCHUNK),
             prefetch2=(g + 2 < NCHUNK))
    pltpu.make_async_copy(rows[(NCHUNK - 1) % 2], acc.at[id0],
                          sems[(NCHUNK - 1) % 2]).wait()
    pltpu.make_async_copy(rows[NCHUNK % 2], acc.at[id1],
                          sems[NCHUNK % 2]).wait()

    plsc.subcore_barrier()
    pltpu.sync_copy(acc.at[sl], out_hbm.at[cid, sl])
    pltpu.sync_copy(wacc, wout_hbm.at[wid])


BR = 640
GRID = NP // BR
_HI = lax.Precision.HIGHEST


def _mm1_body(x_ref, degp_ref, w_ref, z_ref, dinv_ref):
    d = lax.rsqrt(jnp.sum(degp_ref[...], axis=0) + 1.0)[:, None]
    z_ref[...] = jnp.dot(x_ref[...], w_ref[...], precision=_HI,
                         preferred_element_type=jnp.float32) * d
    dinv_ref[...] = d


_mm1 = pl.pallas_call(
    _mm1_body,
    grid=(GRID,),
    in_specs=[pl.BlockSpec((BR, D), lambda i: (i, 0)),
              pl.BlockSpec((NW, BR), lambda i: (0, i)),
              pl.BlockSpec((D, D), lambda i: (0, 0))],
    out_specs=[pl.BlockSpec((BR, D), lambda i: (i, 0)),
               pl.BlockSpec((BR, 1), lambda i: (i, 0))],
    out_shape=[jax.ShapeDtypeStruct((NP, D), jnp.float32),
               jax.ShapeDtypeStruct((NP, 1), jnp.float32)],
)


def _mm2_body(p_ref, dinv_ref, b1_ref, w_ref, z_ref):
    d = dinv_ref[...]
    h1 = jnp.maximum((p_ref[0] + p_ref[1]) * d + b1_ref[...], 0.0)
    z_ref[...] = jnp.dot(h1, w_ref[...], precision=_HI,
                         preferred_element_type=jnp.float32) * d


_mm2 = pl.pallas_call(
    _mm2_body,
    grid=(GRID,),
    in_specs=[pl.BlockSpec((NC, BR, D), lambda i: (0, i, 0)),
              pl.BlockSpec((BR, 1), lambda i: (i, 0)),
              pl.BlockSpec((1, D), lambda i: (0, 0)),
              pl.BlockSpec((D, D), lambda i: (0, 0))],
    out_specs=pl.BlockSpec((BR, D), lambda i: (i, 0)),
    out_shape=jax.ShapeDtypeStruct((NP, D), jnp.float32),
)


def _final_body(q_ref, dinv_ref, b2_ref, wp_ref, w3_ref, wp2_ref, wc_ref,
                b3_ref, bp_ref, bc_ref, out_ref, acc_ref):
    i = pl.program_id(0)
    d = dinv_ref[...]
    h2 = jnp.maximum((q_ref[0] + q_ref[1]) * d + b2_ref[...], 0.0)
    wsum = jnp.sum(wp_ref[...], axis=0)[:, None]
    u = d * (d + wsum)
    mask = (lax.broadcasted_iota(jnp.int32, (BR, 1), 0) + i * BR) < N
    u = jnp.where(mask, u, 0.0)
    contr = jnp.sum(u * h2, axis=0, keepdims=True)

    @pl.when(i == 0)
    def _():
        acc_ref[...] = contr

    @pl.when(i > 0)
    def _():
        acc_ref[...] += contr

    @pl.when(i == GRID - 1)
    def _():
        t = acc_ref[...]
        g0 = jnp.dot(t, w3_ref[...], precision=_HI,
                     preferred_element_type=jnp.float32) * (1.0 / N) + b3_ref[...]
        g1 = jnp.maximum(jnp.dot(g0, wp2_ref[...], precision=_HI,
                                 preferred_element_type=jnp.float32) + bp_ref[...], 0.0)
        out_ref[...] = jnp.dot(g1, wc_ref[...], precision=_HI,
                               preferred_element_type=jnp.float32) + bc_ref[...]


_final = pl.pallas_call(
    _final_body,
    grid=(GRID,),
    in_specs=[pl.BlockSpec((NC, BR, D), lambda i: (0, i, 0)),
              pl.BlockSpec((BR, 1), lambda i: (i, 0)),
              pl.BlockSpec((1, D), lambda i: (0, 0)),
              pl.BlockSpec((NW, BR), lambda i: (0, i)),
              pl.BlockSpec((D, D), lambda i: (0, 0)),
              pl.BlockSpec((D, D), lambda i: (0, 0)),
              pl.BlockSpec((D, 1), lambda i: (0, 0)),
              pl.BlockSpec((1, D), lambda i: (0, 0)),
              pl.BlockSpec((1, D), lambda i: (0, 0)),
              pl.BlockSpec((1, 1), lambda i: (0, 0))],
    out_specs=pl.BlockSpec((1, 1), lambda i: (0, 0)),
    out_shape=jax.ShapeDtypeStruct((1, 1), jnp.float32),
    scratch_shapes=[pltpu.VMEM((1, D), jnp.float32)],
)


def kernel(x, edge_index, W1, b1, W2, b2, W3, b3, Wp, bp, Wc, bc):
    src = edge_index[0]
    dst = edge_index[1]
    dst1 = dst.reshape(NW, 1, EPW)
    zerosd = jnp.zeros((NP, D), jnp.float32)

    x_pad = jnp.pad(x, ((0, NP - N), (0, 0)))
    degp = _deg_kernel(dst1)[:, 0, :]

    z1, dinvc = _mm1(x_pad, degp, W1)
    dinv = dinvc[:N, 0]

    p, wp_ = _agg_w_kernel(z1, src, dst, dinv, zerosd)
    z2 = _mm2(p, dinvc, b1.reshape(1, D), W2)
    q = _agg_kernel(z2, src, dst, zerosd)

    return _final(q, dinvc, b2.reshape(1, D), wp_[:, 0, :], W3, Wp, Wc,
                  b3.reshape(1, D), bp.reshape(1, D), bc.reshape(1, 1))

# --- scband reference (transcript-rebuilt; emitter-appended) ---
"""Pipeline reference for scband-query-plan-gnn-58334245814498 (READ-ONLY COPY).

The authoritative reference and input builder live on the scoring server;
editing this copy changes nothing except your own understanding.
"""

import jax, jax.numpy as jnp
import numpy as np

N_NODES = 10000
N_EDGES = 320000
D_FEAT = 128
HIDDEN = 128


def _glorot(k, shape):
    lim = float(np.sqrt(6.0 / (shape[0] + shape[1])))
    return jax.random.uniform(k, shape, minval=-lim, maxval=lim, dtype=jnp.float32)


def setup_inputs(seed: int = 0) -> dict:
    key = jax.random.key(seed)
    ks = jax.random.split(key, 8)
    x = jax.random.normal(ks[0], (N_NODES, D_FEAT), dtype=jnp.float32)
    edge_index = jax.random.randint(ks[1], (2, N_EDGES), 0, N_NODES, dtype=jnp.int32)
    W1 = _glorot(ks[2], (D_FEAT, HIDDEN))
    b1 = jnp.zeros((HIDDEN,), jnp.float32)
    W2 = _glorot(ks[3], (HIDDEN, HIDDEN))
    b2 = jnp.zeros((HIDDEN,), jnp.float32)
    W3 = _glorot(ks[4], (HIDDEN, HIDDEN))
    b3 = jnp.zeros((HIDDEN,), jnp.float32)
    Wp = _glorot(ks[5], (HIDDEN, HIDDEN))
    bp = jnp.zeros((HIDDEN,), jnp.float32)
    Wc = _glorot(ks[6], (HIDDEN, 1))
    bc = jnp.zeros((1,), jnp.float32)
    return {"x": x, "edge_index": edge_index, "W1": W1, "b1": b1, "W2": W2, "b2": b2,
            "W3": W3, "b3": b3, "Wp": Wp, "bp": bp, "Wc": Wc, "bc": bc}


def gcn_conv(x, edge_index, W, b):
    # Faithful PyG GCNConv: add self-loops, symmetric normalization, scatter-add aggregation.
    n = x.shape[0]
    loop = jnp.arange(n, dtype=edge_index.dtype)
    src = jnp.concatenate([edge_index[0], loop])
    dst = jnp.concatenate([edge_index[1], loop])
    h = x @ W
    deg = jnp.zeros((n,), h.dtype).at[dst].add(1.0)
    dinv = jax.lax.rsqrt(deg)
    norm = dinv[src] * dinv[dst]
    msg = jnp.take(h, src, axis=0) * norm[:, None]
    out = jnp.zeros((n, h.shape[1]), h.dtype).at[dst].add(msg)
    return out + b


def reference(x, edge_index, W1, b1, W2, b2, W3, b3, Wp, bp, Wc, bc):
    # Dropout is identity in eval mode.
    h = jax.nn.relu(gcn_conv(x, edge_index, W1, b1))
    h = jax.nn.relu(gcn_conv(h, edge_index, W2, b2))
    h = gcn_conv(h, edge_index, W3, b3)
    g = jnp.mean(h, axis=0, keepdims=True)  # batch=None path: global mean pool over all nodes
    g = jax.nn.relu(g @ Wp + bp)
    cost = g @ Wc + bc
    return cost

if __name__ == "__main__":
    import jax
    _d = setup_inputs()
    print(jax.jit(kernel)(*tuple(_d.values())))

</pallas_src>

<mosaic_0001>
#map = affine_map<(d0, d1) -> (0, 0, 0)>
module attributes {stable_mosaic.version = 14 : i64} {
  func.func @_deg_kernel(%arg0: i32, %arg1: i32, %arg2: memref<32x1x10000xi32, #tpu.memory_space<hbm>>, %arg3: memref<32x1x10240xf32, #tpu.memory_space<hbm>>, %arg4: memref<1x10000xi32, #tpu.memory_space<vmem>>, %arg5: memref<1x10240xf32, #tpu.memory_space<vmem>>) attributes {dimension_semantics = [#tpu.dimension_semantics<core_parallel>, #tpu.dimension_semantics<subcore_parallel>], iteration_bounds = array<i64: 2, 16>, scalar_prefetch = 0 : i64, scratch_operands = 2 : i64, tpu.core_type = #tpu.core_type<sc_vector_subcore>, window_params = [{transform_indices = #map}, {transform_indices = #map}]} {
    %mul3A = arith.constant 2 : i32
    %mul3A_0 = arith.muli %arg1, %mul3A : i32
    %add3A = arith.addi %mul3A_0, %arg0 : i32
    "tpu.region"() ({
      %run_scoped3A = tpu.sem_alloc : memref<!tpu.dma_semaphore, #tpu.memory_space<semaphore_mem>>
      %dma_start3A = arith.constant 0 : i32
      %dma_start3A_19 = arith.constant 0 : i32
      %dma_start3A_20 = tpu.memref_slice %arg2[%add3A, %dma_start3A, %dma_start3A_19] : memref<32x1x10000xi32, #tpu.memory_space<hbm>> -> memref<1x1x10000xi32, #tpu.memory_space<hbm>>
      %dma_start3A_21 = tpu.memref_squeeze %dma_start3A_20 : memref<1x1x10000xi32, #tpu.memory_space<hbm>> -> memref<1x10000xi32, #tpu.memory_space<hbm>>
      %dma_start3A_22 = arith.constant 0 : i32
      %dma_start3A_23 = arith.constant 0 : i32
      %dma_start3A_24 = tpu.memref_slice %arg2[%add3A, %dma_start3A_22, %dma_start3A_23] : memref<32x1x10000xi32, #tpu.memory_space<hbm>> -> memref<1x1x10000xi32, #tpu.memory_space<hbm>>
      %dma_start3A_25 = tpu.memref_squeeze %dma_start3A_24 : memref<1x1x10000xi32, #tpu.memory_space<hbm>> -> memref<1x10000xi32, #tpu.memory_space<hbm>>
      tpu.enqueue_dma source(%dma_start3A_25 : memref<1x10000xi32, #tpu.memory_space<hbm>>) target(%arg4 : memref<1x10000xi32, #tpu.memory_space<vmem>>) target_semaphore(%run_scoped3A : memref<!tpu.dma_semaphore, #tpu.memory_space<semaphore_mem>>)
      %dma_wait3A = arith.constant 0 : i32
      %dma_wait3A_26 = arith.constant 0 : i32
      %dma_wait3A_27 = tpu.memref_slice %arg2[%add3A, %dma_wait3A, %dma_wait3A_26] : memref<32x1x10000xi32, #tpu.memory_space<hbm>> -> memref<1x1x10000xi32, #tpu.memory_space<hbm>>
      %dma_wait3A_28 = tpu.memref_squeeze %dma_wait3A_27 : memref<1x1x10000xi32, #tpu.memory_space<hbm>> -> memref<1x10000xi32, #tpu.memory_space<hbm>>
      %dma_wait3A_29 = arith.constant 0 : i32
      %dma_wait3A_30 = arith.constant 0 : i32
      %dma_wait3A_31 = tpu.memref_slice %arg2[%add3A, %dma_wait3A_29, %dma_wait3A_30] : memref<32x1x10000xi32, #tpu.memory_space<hbm>> -> memref<1x1x10000xi32, #tpu.memory_space<hbm>>
      %dma_wait3A_32 = tpu.memref_squeeze %dma_wait3A_31 : memref<1x1x10000xi32, #tpu.memory_space<hbm>> -> memref<1x10000xi32, #tpu.memory_space<hbm>>
      tpu.wait_dma2 semaphore(%run_scoped3A : memref<!tpu.dma_semaphore, #tpu.memory_space<semaphore_mem>>) src(%dma_wait3A_32 : memref<1x10000xi32, #tpu.memory_space<hbm>>) dst(%arg4 : memref<1x10000xi32, #tpu.memory_space<vmem>>)
      tpu.yield
    }) : () -> ()
    %broadcast_in_dim3A = arith.constant 0.000000e+00 : f32
    %broadcast_in_dim3A_1 = vector.broadcast %broadcast_in_dim3A : f32 to vector<16xf32>
    %scan3A = arith.constant 0 : i32
    %scan3A_2 = arith.constant 0 : i32
    %scan3A_3 = arith.constant 640 : i32
    %scan3A_4 = arith.addi %scan3A_2, %scan3A_3 : i32
    %scan3A_5 = arith.constant 1 : i32
    %scan3A_6 = scf.for %scan3A_19 = %scan3A_2 to %scan3A_4 step %scan3A_5 iter_args(%scan3A_20 = %scan3A) -> (i32)  : i32 {
      %mul3A_21 = arith.constant 16 : i32
      %mul3A_22 = arith.muli %scan3A_19, %mul3A_21 : i32
      %swap3A = arith.constant 0 : i32
      %swap3A_23 = arith.index_cast %swap3A : i32 to index
      %swap3A_24 = arith.index_cast %mul3A_22 : i32 to index
      %swap3A_25 = tpu.vector_load %arg5[%swap3A_23, %swap3A_24] {strides = array<i32>} : memref<1x10240xf32, #tpu.memory_space<vmem>>, vector<16xf32>,
      tpu.vector_store %arg5[%swap3A_23, %swap3A_24], %broadcast_in_dim3A_1 {strides = array<i32>} : memref<1x10240xf32, #tpu.memory_space<vmem>>, vector<16xf32>,
      %scan3A_26 = arith.constant 0 : i32
      scf.yield %scan3A_26 : i32
    }
    %scan3A_7 = arith.constant 640 : i32
    %broadcast_in_dim3A_8 = arith.constant 0 : i32
    %broadcast_in_dim3A_9 = vector.broadcast %broadcast_in_dim3A_8 : i32 to vector<16xi32>
    %broadcast_in_dim3A_10 = arith.constant 1.000000e+00 : f32
    %broadcast_in_dim3A_11 = vector.broadcast %broadcast_in_dim3A_10 : f32 to vector<16xf32>
    %scan3A_12 = arith.constant 0 : i32
    %scan3A_13 = arith.constant 0 : i32
    %scan3A_14 = arith.constant 625 : i32
    %scan3A_15 = arith.addi %scan3A_13, %scan3A_14 : i32
    %scan3A_16 = arith.constant 1 : i32
    %scan3A_17 = scf.for %scan3A_19 = %scan3A_13 to %scan3A_15 step %scan3A_16 iter_args(%scan3A_20 = %scan3A_12) -> (i32)  : i32 {
      %mul3A_21 = arith.constant 16 : i32
      %mul3A_22 = arith.muli %scan3A_19, %mul3A_21 : i32
      %get3A = arith.constant 0 : i32
      %get3A_23 = arith.index_cast %get3A : i32 to index
      %get3A_24 = arith.index_cast %mul3A_22 : i32 to index
      %get3A_25 = tpu.vector_load %arg4[%get3A_23, %get3A_24] {strides = array<i32>} : memref<1x10000xi32, #tpu.memory_space<vmem>>, vector<16xi32>,
      tpu.vector_store_idx %arg5[%broadcast_in_dim3A_9, %get3A_25], %broadcast_in_dim3A_11 {add = true} : memref<1x10240xf32, #tpu.memory_space<vmem>>[vector<16xi32>, vector<16xi32>], vector<16xf32>,
      %scan3A_26 = arith.constant 0 : i32
      scf.yield %scan3A_26 : i32
    }
    %scan3A_18 = arith.constant 625 : i32
    "tpu.region"() ({
      %run_scoped3A = tpu.sem_alloc : memref<!tpu.dma_semaphore, #tpu.memory_space<semaphore_mem>>
      %dma_start3A = arith.constant 0 : i32
      %dma_start3A_19 = arith.constant 0 : i32
      %dma_start3A_20 = tpu.memref_slice %arg3[%add3A, %dma_start3A, %dma_start3A_19] : memref<32x1x10240xf32, #tpu.memory_space<hbm>> -> memref<1x1x10240xf32, #tpu.memory_space<hbm>>
      %dma_start3A_21 = tpu.memref_squeeze %dma_start3A_20 : memref<1x1x10240xf32, #tpu.memory_space<hbm>> -> memref<1x10240xf32, #tpu.memory_space<hbm>>
      %dma_start3A_22 = arith.constant 0 : i32
      %dma_start3A_23 = arith.constant 0 : i32
      %dma_start3A_24 = tpu.memref_slice %arg3[%add3A, %dma_start3A_22, %dma_start3A_23] : memref<32x1x10240xf32, #tpu.memory_space<hbm>> -> memref<1x1x10240xf32, #tpu.memory_space<hbm>>
      %dma_start3A_25 = tpu.memref_squeeze %dma_start3A_24 : memref<1x1x10240xf32, #tpu.memory_space<hbm>> -> memref<1x10240xf32, #tpu.memory_space<hbm>>
      tpu.enqueue_dma source(%arg5 : memref<1x10240xf32, #tpu.memory_space<vmem>>) target(%dma_start3A_25 : memref<1x10240xf32, #tpu.memory_space<hbm>>) target_semaphore(%run_scoped3A : memref<!tpu.dma_semaphore, #tpu.memory_space<semaphore_mem>>)
      %dma_wait3A = arith.constant 0 : i32
      %dma_wait3A_26 = arith.constant 0 : i32
      %dma_wait3A_27 = tpu.memref_slice %arg3[%add3A, %dma_wait3A, %dma_wait3A_26] : memref<32x1x10240xf32, #tpu.memory_space<hbm>> -> memref<1x1x10240xf32, #tpu.memory_space<hbm>>
      %dma_wait3A_28 = tpu.memref_squeeze %dma_wait3A_27 : memref<1x1x10240xf32, #tpu.memory_space<hbm>> -> memref<1x10240xf32, #tpu.memory_space<hbm>>
      %dma_wait3A_29 = arith.constant 0 : i32
      %dma_wait3A_30 = arith.constant 0 : i32
      %dma_wait3A_31 = tpu.memref_slice %arg3[%add3A, %dma_wait3A_29, %dma_wait3A_30] : memref<32x1x10240xf32, #tpu.memory_space<hbm>> -> memref<1x1x10240xf32, #tpu.memory_space<hbm>>
      %dma_wait3A_32 = tpu.memref_squeeze %dma_wait3A_31 : memref<1x1x10240xf32, #tpu.memory_space<hbm>> -> memref<1x10240xf32, #tpu.memory_space<hbm>>
      tpu.wait_dma2 semaphore(%run_scoped3A : memref<!tpu.dma_semaphore, #tpu.memory_space<semaphore_mem>>) src(%arg5 : memref<1x10240xf32, #tpu.memory_space<vmem>>) dst(%dma_wait3A_32 : memref<1x10240xf32, #tpu.memory_space<hbm>>)
      tpu.yield
    }) : () -> ()
    return
  }
}

#map = affine_map<(d0, d1) -> (0, 0)>
#map1 = affine_map<(d0, d1) -> (0)>
#map2 = affine_map<(d0, d1) -> (0, 0, 0)>
module attributes {stable_mosaic.version = 14 : i64} {
  func.func @_agg_w_kernel(%arg0: i32, %arg1: i32, %arg2: memref<10240x128xf32, #tpu.memory_space<hbm>>, %arg3: memref<320000xi32, #tpu.memory_space<hbm>>, %arg4: memref<320000xi32, #tpu.memory_space<hbm>>, %arg5: memref<10000xf32, #tpu.memory_space<hbm>>, %arg6: memref<10240x128xf32, #tpu.memory_space<hbm>>, %arg7: memref<2x10240x128xf32, #tpu.memory_space<hbm>>, %arg8: memref<32x1x10240xf32, #tpu.memory_space<hbm>>, %arg9: memref<80xi32, #tpu.memory_space<vmem>>, %arg10: memref<80xi32, #tpu.memory_space<vmem>>, %arg11: memref<80xi32, #tpu.memory_space<vmem>>, %arg12: memref<80xi32, #tpu.memory_space<vmem>>, %arg13: memref<80xi32, #tpu.memory_space<vmem>>, %arg14: memref<80xi32, #tpu.memory_space<vmem>>, %arg15: memref<80xi32, #tpu.memory_space<vmem>>, %arg16: memref<80xi32, #tpu.memory_space<vmem>>, %arg17: memref<80x128xf32, #tpu.memory_space<vmem>>, %arg18: memref<80x128xf32, #tpu.memory_space<vmem>>, %arg19: memref<10000xf32, #tpu.memory_space<vmem>>, %arg20: memref<1x10240xf32, #tpu.memory_space<vmem>>, %arg21: memref<10240x128xf32, #tpu.memory_space<vmem_shared>>, %arg22: memref<!tpu.dma_semaphore, #tpu.memory_space<semaphore_mem>>, %arg23: memref<!tpu.dma_semaphore, #tpu.memory_space<semaphore_mem>>, %arg24: memref<!tpu.dma_semaphore, #tpu.memory_space<semaphore_mem>>, %arg25: memref<!tpu.dma_semaphore, #tpu.memory_space<semaphore_mem>>, %arg26: memref<!tpu.dma_semaphore, #tpu.memory_space<semaphore_mem>>, %arg27: memref<!tpu.dma_semaphore, #tpu.memory_space<semaphore_mem>>, %arg28: memref<!tpu.dma_semaphore, #tpu.memory_space<semaphore_mem>>, %arg29: memref<!tpu.dma_semaphore, #tpu.memory_space<semaphore_mem>>) attributes {dimension_semantics = [#tpu.dimension_semantics<core_parallel>, #tpu.dimension_semantics<subcore_parallel>], iteration_bounds = array<i64: 2, 16>, scalar_prefetch = 0 : i64, scratch_operands = 21 : i64, tpu.core_type = #tpu.core_type<sc_vector_subcore>, window_params = [{transform_indices = #map}, {transform_indices = #map1}, {transform_indices = #map1}, {transform_indices = #map1}, {transform_indices = #map}, {transform_indices = #map2}, {transform_indices = #map2}]} {
    %mul3A = arith.constant 2 : i32
    %mul3A_0 = arith.muli %arg1, %mul3A : i32
    %add3A = arith.addi %mul3A_0, %arg0 : i32
    %mul3A_1 = arith.constant 640 : i32
    %mul3A_2 = arith.muli %arg1, %mul3A_1 : i32
    %eq3A = arith.constant 0 : i32
    %eq3A_3 = arith.cmpi eq, %arg0, %eq3A : i32
    %convert_element_type3A = arith.extui %eq3A_3 : i1 to i32
    %cond3A = arith.constant 0 : i32
    %cond3A_4 = arith.cmpi ne, %convert_element_type3A, %cond3A : i32
    scf.if %cond3A_4 {
      "tpu.region"() ({
        %run_scoped3A = tpu.sem_alloc : memref<!tpu.dma_semaphore, #tpu.memory_space<semaphore_mem>>
        %dma_start3A_251 = arith.constant 0 : i32
        %dma_start3A_252 = tpu.memref_slice %arg21[%mul3A_2, %dma_start3A_251] : memref<10240x128xf32, #tpu.memory_space<vmem_shared>> -> memref<640x128xf32, #tpu.memory_space<vmem_shared>>
        %dma_start3A_253 = arith.constant 0 : i32
        %dma_start3A_254 = tpu.memref_slice %arg2[%mul3A_2, %dma_start3A_253] : memref<10240x128xf32, #tpu.memory_space<hbm>> -> memref<640x128xf32, #tpu.memory_space<hbm>>
        tpu.enqueue_dma source(%dma_start3A_254 : memref<640x128xf32, #tpu.memory_space<hbm>>) target(%dma_start3A_252 : memref<640x128xf32, #tpu.memory_space<vmem_shared>>) target_semaphore(%run_scoped3A : memref<!tpu.dma_semaphore, #tpu.memory_space<semaphore_mem>>)
        %dma_wait3A_255 = arith.constant 0 : i32
        %dma_wait3A_256 = tpu.memref_slice %arg21[%mul3A_2, %dma_wait3A_255] : memref<10240x128xf32, #tpu.memory_space<vmem_shared>> -> memref<640x128xf32, #tpu.memory_space<vmem_shared>>
        %dma_wait3A_257 = arith.constant 0 : i32
        %dma_wait3A_258 = tpu.memref_slice %arg2[%mul3A_2, %dma_wait3A_257] : memref<10240x128xf32, #tpu.memory_space<hbm>> -> memref<640x128xf32, #tpu.memory_space<hbm>>
        tpu.wait_dma2 semaphore(%run_scoped3A : memref<!tpu.dma_semaphore, #tpu.memory_space<semaphore_mem>>) src(%dma_wait3A_258 : memref<640x128xf32, #tpu.memory_space<hbm>>) dst(%dma_wait3A_256 : memref<640x128xf32, #tpu.memory_space<vmem_shared>>)
        tpu.yield
      }) : () -> ()
    } else {
    }
    %ne3A = arith.constant 0 : i32
    %ne3A_5 = arith.cmpi ne, %arg0, %ne3A : i32
    %convert_element_type3A_6 = arith.extui %ne3A_5 : i1 to i32
    %cond3A_7 = arith.constant 0 : i32
    %cond3A_8 = arith.cmpi ne, %convert_element_type3A_6, %cond3A_7 : i32
    scf.if %cond3A_8 {
      "tpu.region"() ({
        %run_scoped3A = tpu.sem_alloc : memref<!tpu.dma_semaphore, #tpu.memory_space<semaphore_mem>>
        %dma_start3A_251 = arith.constant 0 : i32
        %dma_start3A_252 = tpu.memref_slice %arg21[%mul3A_2, %dma_start3A_251] : memref<10240x128xf32, #tpu.memory_space<vmem_shared>> -> memref<640x128xf32, #tpu.memory_space<vmem_shared>>
        %dma_start3A_253 = arith.constant 0 : i32
        %dma_start3A_254 = tpu.memref_slice %arg6[%mul3A_2, %dma_start3A_253] : memref<10240x128xf32, #tpu.memory_space<hbm>> -> memref<640x128xf32, #tpu.memory_space<hbm>>
        tpu.enqueue_dma source(%dma_start3A_254 : memref<640x128xf32, #tpu.memory_space<hbm>>) target(%dma_start3A_252 : memref<640x128xf32, #tpu.memory_space<vmem_shared>>) target_semaphore(%run_scoped3A : memref<!tpu.dma_semaphore, #tpu.memory_space<semaphore_mem>>)
        %dma_wait3A_255 = arith.constant 0 : i32
        %dma_wait3A_256 = tpu.memref_slice %arg21[%mul3A_2, %dma_wait3A_255] : memref<10240x128xf32, #tpu.memory_space<vmem_shared>> -> memref<640x128xf32, #tpu.memory_space<vmem_shared>>
        %dma_wait3A_257 = arith.constant 0 : i32
        %dma_wait3A_258 = tpu.memref_slice %arg6[%mul3A_2, %dma_wait3A_257] : memref<10240x128xf32, #tpu.memory_space<hbm>> -> memref<640x128xf32, #tpu.memory_space<hbm>>
        tpu.wait_dma2 semaphore(%run_scoped3A : memref<!tpu.dma_semaphore, #tpu.memory_space<semaphore_mem>>) src(%dma_wait3A_258 : memref<640x128xf32, #tpu.memory_space<hbm>>) dst(%dma_wait3A_256 : memref<640x128xf32, #tpu.memory_space<vmem_shared>>)
        tpu.yield
      }) : () -> ()
    } else {
    }
    "tpu.region"() ({
      %run_scoped3A = tpu.sem_alloc : memref<!tpu.dma_semaphore, #tpu.memory_space<semaphore_mem>>
      tpu.enqueue_dma source(%arg5 : memref<10000xf32, #tpu.memory_space<hbm>>) target(%arg19 : memref<10000xf32, #tpu.memory_space<vmem>>) target_semaphore(%run_scoped3A : memref<!tpu.dma_semaphore, #tpu.memory_space<semaphore_mem>>)
      tpu.wait_dma2 semaphore(%run_scoped3A : memref<!tpu.dma_semaphore, #tpu.memory_space<semaphore_mem>>) src(%arg5 : memref<10000xf32, #tpu.memory_space<hbm>>) dst(%arg19 : memref<10000xf32, #tpu.memory_space<vmem>>)
      tpu.yield
    }) : () -> ()
    %broadcast_in_dim3A = arith.constant 0.000000e+00 : f32
    %broadcast_in_dim3A_9 = vector.broadcast %broadcast_in_dim3A : f32 to vector<16xf32>
    %scan3A = arith.constant 0 : i32
    %scan3A_10 = arith.constant 0 : i32
    %scan3A_11 = arith.constant 640 : i32
    %scan3A_12 = arith.addi %scan3A_10, %scan3A_11 : i32
    %scan3A_13 = arith.constant 1 : i32
    %scan3A_14 = scf.for %scan3A_251 = %scan3A_10 to %scan3A_12 step %scan3A_13 iter_args(%scan3A_252 = %scan3A) -> (i32)  : i32 {
      %mul3A_253 = arith.constant 16 : i32
      %mul3A_254 = arith.muli %scan3A_251, %mul3A_253 : i32
      %swap3A = arith.constant 0 : i32
      %swap3A_255 = arith.index_cast %swap3A : i32 to index
      %swap3A_256 = arith.index_cast %mul3A_254 : i32 to index
      %swap3A_257 = tpu.vector_load %arg20[%swap3A_255, %swap3A_256] {strides = array<i32>} : memref<1x10240xf32, #tpu.memory_space<vmem>>, vector<16xf32>,
      tpu.vector_store %arg20[%swap3A_255, %swap3A_256], %broadcast_in_dim3A_9 {strides = array<i32>} : memref<1x10240xf32, #tpu.memory_space<vmem>>, vector<16xf32>,
      %scan3A_258 = arith.constant 0 : i32
      scf.yield %scan3A_258 : i32
    }
    %scan3A_15 = arith.constant 640 : i32
    %mul3A_16 = arith.constant 10000 : i32
    %mul3A_17 = arith.muli %add3A, %mul3A_16 : i32
    %broadcast_in_dim3A_18 = arith.constant 0 : i32
    %broadcast_in_dim3A_19 = vector.broadcast %broadcast_in_dim3A_18 : i32 to vector<16xi32>
    %barrier3A = arith.constant 0 : index
    tpu.barrier barrier_id(%barrier3A)
    "tpu.region"() ({
      %run_scoped3A = tpu.sem_alloc : memref<!tpu.dma_semaphore, #tpu.memory_space<semaphore_mem>>
      %dma_start3A_251 = tpu.memref_slice %arg3[%mul3A_17] : memref<320000xi32, #tpu.memory_space<hbm>> -> memref<80xi32, #tpu.memory_space<hbm>>
      %dma_start3A_252 = tpu.memref_slice %arg3[%mul3A_17] : memref<320000xi32, #tpu.memory_space<hbm>> -> memref<80xi32, #tpu.memory_space<hbm>>
      tpu.enqueue_dma source(%dma_start3A_252 : memref<80xi32, #tpu.memory_space<hbm>>) target(%arg9 : memref<80xi32, #tpu.memory_space<vmem>>) target_semaphore(%run_scoped3A : memref<!tpu.dma_semaphore, #tpu.memory_space<semaphore_mem>>)
      %dma_wait3A_253 = tpu.memref_slice %arg3[%mul3A_17] : memref<320000xi32, #tpu.memory_space<hbm>> -> memref<80xi32, #tpu.memory_space<hbm>>
      %dma_wait3A_254 = tpu.memref_slice %arg3[%mul3A_17] : memref<320000xi32, #tpu.memory_space<hbm>> -> memref<80xi32, #tpu.memory_space<hbm>>
      tpu.wait_dma2 semaphore(%run_scoped3A : memref<!tpu.dma_semaphore, #tpu.memory_space<semaphore_mem>>) src(%dma_wait3A_254 : memref<80xi32, #tpu.memory_space<hbm>>) dst(%arg9 : memref<80xi32, #tpu.memory_space<vmem>>)
      tpu.yield
    }) : () -> ()
    "tpu.region"() ({
      %run_scoped3A = tpu.sem_alloc : memref<!tpu.dma_semaphore, #tpu.memory_space<semaphore_mem>>
      %dma_start3A_251 = tpu.memref_slice %arg4[%mul3A_17] : memref<320000xi32, #tpu.memory_space<hbm>> -> memref<80xi32, #tpu.memory_space<hbm>>
      %dma_start3A_252 = tpu.memref_slice %arg4[%mul3A_17] : memref<320000xi32, #tpu.memory_space<hbm>> -> memref<80xi32, #tpu.memory_space<hbm>>
      tpu.enqueue_dma source(%dma_start3A_252 : memref<80xi32, #tpu.memory_space<hbm>>) target(%arg13 : memref<80xi32, #tpu.memory_space<vmem>>) target_semaphore(%run_scoped3A : memref<!tpu.dma_semaphore, #tpu.memory_space<semaphore_mem>>)
      %dma_wait3A_253 = tpu.memref_slice %arg4[%mul3A_17] : memref<320000xi32, #tpu.memory_space<hbm>> -> memref<80xi32, #tpu.memory_space<hbm>>
      %dma_wait3A_254 = tpu.memref_slice %arg4[%mul3A_17] : memref<320000xi32, #tpu.memory_space<hbm>> -> memref<80xi32, #tpu.memory_space<hbm>>
      tpu.wait_dma2 semaphore(%run_scoped3A : memref<!tpu.dma_semaphore, #tpu.memory_space<semaphore_mem>>) src(%dma_wait3A_254 : memref<80xi32, #tpu.memory_space<hbm>>) dst(%arg13 : memref<80xi32, #tpu.memory_space<vmem>>)
      tpu.yield
    }) : () -> ()
    %add3A_20 = arith.constant 80 : i32
    %add3A_21 = arith.addi %mul3A_17, %add3A_20 : i32
    %dma_start3A = tpu.memref_slice %arg3[%add3A_21] : memref<320000xi32, #tpu.memory_space<hbm>> -> memref<80xi32, #tpu.memory_space<hbm>>
    %dma_start3A_22 = tpu.memref_slice %arg3[%add3A_21] : memref<320000xi32, #tpu.memory_space<hbm>> -> memref<80xi32, #tpu.memory_space<hbm>>
    tpu.enqueue_dma source(%dma_start3A_22 : memref<80xi32, #tpu.memory_space<hbm>>) target(%arg10 : memref<80xi32, #tpu.memory_space<vmem>>) target_semaphore(%arg23 : memref<!tpu.dma_semaphore, #tpu.memory_space<semaphore_mem>>)
    %add3A_23 = arith.constant 80 : i32
    %add3A_24 = arith.addi %mul3A_17, %add3A_23 : i32
    %dma_start3A_25 = tpu.memref_slice %arg4[%add3A_24] : memref<320000xi32, #tpu.memory_space<hbm>> -> memref<80xi32, #tpu.memory_space<hbm>>
    %dma_start3A_26 = tpu.memref_slice %arg4[%add3A_24] : memref<320000xi32, #tpu.memory_space<hbm>> -> memref<80xi32, #tpu.memory_space<hbm>>
    tpu.enqueue_dma source(%dma_start3A_26 : memref<80xi32, #tpu.memory_space<hbm>>) target(%arg14 : memref<80xi32, #tpu.memory_space<vmem>>) target_semaphore(%arg23 : memref<!tpu.dma_semaphore, #tpu.memory_space<semaphore_mem>>)
    %dma_start3A_27 = arith.constant 0 : i32
    %dma_start3A_28 = arith.constant 0 : i32
    %dma_start3A_29 = tpu.memref_slice %arg2[%dma_start3A_27, %dma_start3A_28] : memref<10240x128xf32, #tpu.memory_space<hbm>> -> memref<10240x128xf32, #tpu.memory_space<hbm>>
    tpu.enqueue_indirect_dma source(%dma_start3A_29 : memref<10240x128xf32, #tpu.memory_space<hbm>>) target(%arg17 : memref<80x128xf32, #tpu.memory_space<vmem>>) offsets(%arg9 : memref<80xi32, #tpu.memory_space<vmem>>) semaphore(%arg26 : memref<!tpu.dma_semaphore, #tpu.memory_space<semaphore_mem>>)
    %dma_wait3A = tpu.memref_slice %arg3[%mul3A_17] : memref<320000xi32, #tpu.memory_space<hbm>> -> memref<80xi32, #tpu.memory_space<hbm>>
    %dma_wait3A_30 = tpu.memref_slice %arg3[%mul3A_17] : memref<320000xi32, #tpu.memory_space<hbm>> -> memref<80xi32, #tpu.memory_space<hbm>>
    tpu.wait_dma2 semaphore(%arg23 : memref<!tpu.dma_semaphore, #tpu.memory_space<semaphore_mem>>) src(%dma_wait3A_30 : memref<80xi32, #tpu.memory_space<hbm>>) dst(%arg10 : memref<80xi32, #tpu.memory_space<vmem>>)
    %dma_wait3A_31 = tpu.memref_slice %arg4[%mul3A_17] : memref<320000xi32, #tpu.memory_space<hbm>> -> memref<80xi32, #tpu.memory_space<hbm>>
    %dma_wait3A_32 = tpu.memref_slice %arg4[%mul3A_17] : memref<320000xi32, #tpu.memory_space<hbm>> -> memref<80xi32, #tpu.memory_space<hbm>>
    tpu.wait_dma2 semaphore(%arg23 : memref<!tpu.dma_semaphore, #tpu.memory_space<semaphore_mem>>) src(%dma_wait3A_32 : memref<80xi32, #tpu.memory_space<hbm>>) dst(%arg14 : memref<80xi32, #tpu.memory_space<vmem>>)
    %dma_start3A_33 = arith.constant 0 : i32
    %dma_start3A_34 = arith.constant 0 : i32
    %dma_start3A_35 = tpu.memref_slice %arg2[%dma_start3A_33, %dma_start3A_34] : memref<10240x128xf32, #tpu.memory_space<hbm>> -> memref<10240x128xf32, #tpu.memory_space<hbm>>
    tpu.enqueue_indirect_dma source(%dma_start3A_35 : memref<10240x128xf32, #tpu.memory_space<hbm>>) target(%arg18 : memref<80x128xf32, #tpu.memory_space<vmem>>) offsets(%arg10 : memref<80xi32, #tpu.memory_space<vmem>>) semaphore(%arg27 : memref<!tpu.dma_semaphore, #tpu.memory_space<semaphore_mem>>)
    %dma_wait3A_36 = arith.constant 0 : i32
    %dma_wait3A_37 = arith.constant 0 : i32
    %dma_wait3A_38 = tpu.memref_slice %arg2[%dma_wait3A_36, %dma_wait3A_37] : memref<10240x128xf32, #tpu.memory_space<hbm>> -> memref<10240x128xf32, #tpu.memory_space<hbm>>
    tpu.wait_indirect_dma semaphore(%arg26 : memref<!tpu.dma_semaphore, #tpu.memory_space<semaphore_mem>>) src(%dma_wait3A_38 : memref<10240x128xf32, #tpu.memory_space<hbm>>) dst(%arg17 : memref<80x128xf32, #tpu.memory_space<vmem>>)
    %dma_start3A_39 = arith.constant 0 : i32
    %dma_start3A_40 = arith.constant 0 : i32
    %dma_start3A_41 = tpu.memref_slice %arg21[%dma_start3A_39, %dma_start3A_40] : memref<10240x128xf32, #tpu.memory_space<vmem_shared>> -> memref<10240x128xf32, #tpu.memory_space<vmem_shared>>
    tpu.enqueue_indirect_dma source(%arg17 : memref<80x128xf32, #tpu.memory_space<vmem>>) target(%dma_start3A_41 : memref<10240x128xf32, #tpu.memory_space<vmem_shared>>) offsets(%arg13 : memref<80xi32, #tpu.memory_space<vmem>>) semaphore(%arg28 : memref<!tpu.dma_semaphore, #tpu.memory_space<semaphore_mem>>) {add = true}
    %get3A = arith.constant 0 : index
    %get3A_42 = tpu.vector_load %arg13[%get3A] {strides = array<i32>} : memref<80xi32, #tpu.memory_space<vmem>>, vector<16xi32>,
    %get3A_43 = arith.constant 0 : index
    %get3A_44 = tpu.vector_load %arg9[%get3A_43] {strides = array<i32>} : memref<80xi32, #tpu.memory_space<vmem>>, vector<16xi32>,
    %gather3A = tpu.vector_load_idx %arg19[%get3A_42] : memref<10000xf32, #tpu.memory_space<vmem>>[vector<16xi32>], vector<16xf32>,
    tpu.vector_store_idx %arg20[%broadcast_in_dim3A_19, %get3A_44], %gather3A {add = true} : memref<1x10240xf32, #tpu.memory_space<vmem>>[vector<16xi32>, vector<16xi32>], vector<16xf32>,
    %get3A_45 = arith.constant 16 : index
    %get3A_46 = tpu.vector_load %arg13[%get3A_45] {strides = array<i32>} : memref<80xi32, #tpu.memory_space<vmem>>, vector<16xi32>,
    %get3A_47 = arith.constant 16 : index
    %get3A_48 = tpu.vector_load %arg9[%get3A_47] {strides = array<i32>} : memref<80xi32, #tpu.memory_space<vmem>>, vector<16xi32>,
    %gather3A_49 = tpu.vector_load_idx %arg19[%get3A_46] : memref<10000xf32, #tpu.memory_space<vmem>>[vector<16xi32>], vector<16xf32>,
    tpu.vector_store_idx %arg20[%broadcast_in_dim3A_19, %get3A_48], %gather3A_49 {add = true} : memref<1x10240xf32, #tpu.memory_space<vmem>>[vector<16xi32>, vector<16xi32>], vector<16xf32>,
    %get3A_50 = arith.constant 32 : index
    %get3A_51 = tpu.vector_load %arg13[%get3A_50] {strides = array<i32>} : memref<80xi32, #tpu.memory_space<vmem>>, vector<16xi32>,
    %get3A_52 = arith.constant 32 : index
    %get3A_53 = tpu.vector_load %arg9[%get3A_52] {strides = array<i32>} : memref<80xi32, #tpu.memory_space<vmem>>, vector<16xi32>,
    %gather3A_54 = tpu.vector_load_idx %arg19[%get3A_51] : memref<10000xf32, #tpu.memory_space<vmem>>[vector<16xi32>], vector<16xf32>,
    tpu.vector_store_idx %arg20[%broadcast_in_dim3A_19, %get3A_53], %gather3A_54 {add = true} : memref<1x10240xf32, #tpu.memory_space<vmem>>[vector<16xi32>, vector<16xi32>], vector<16xf32>,
    %get3A_55 = arith.constant 48 : index
    %get3A_56 = tpu.vector_load %arg13[%get3A_55] {strides = array<i32>} : memref<80xi32, #tpu.memory_space<vmem>>, vector<16xi32>,
    %get3A_57 = arith.constant 48 : index
    %get3A_58 = tpu.vector_load %arg9[%get3A_57] {strides = array<i32>} : memref<80xi32, #tpu.memory_space<vmem>>, vector<16xi32>,
    %gather3A_59 = tpu.vector_load_idx %arg19[%get3A_56] : memref<10000xf32, #tpu.memory_space<vmem>>[vector<16xi32>], vector<16xf32>,
    tpu.vector_store_idx %arg20[%broadcast_in_dim3A_19, %get3A_58], %gather3A_59 {add = true} : memref<1x10240xf32, #tpu.memory_space<vmem>>[vector<16xi32>, vector<16xi32>], vector<16xf32>,
    %get3A_60 = arith.constant 64 : index
    %get3A_61 = tpu.vector_load %arg13[%get3A_60] {strides = array<i32>} : memref<80xi32, #tpu.memory_space<vmem>>, vector<16xi32>,
    %get3A_62 = arith.constant 64 : index
    %get3A_63 = tpu.vector_load %arg9[%get3A_62] {strides = array<i32>} : memref<80xi32, #tpu.memory_space<vmem>>, vector<16xi32>,
    %gather3A_64 = tpu.vector_load_idx %arg19[%get3A_61] : memref<10000xf32, #tpu.memory_space<vmem>>[vector<16xi32>], vector<16xf32>,
    tpu.vector_store_idx %arg20[%broadcast_in_dim3A_19, %get3A_63], %gather3A_64 {add = true} : memref<1x10240xf32, #tpu.memory_space<vmem>>[vector<16xi32>, vector<16xi32>], vector<16xf32>,
    %add3A_65 = arith.constant 160 : i32
    %add3A_66 = arith.addi %mul3A_17, %add3A_65 : i32
    %dma_start3A_67 = tpu.memref_slice %arg3[%add3A_66] : memref<320000xi32, #tpu.memory_space<hbm>> -> memref<80xi32, #tpu.memory_space<hbm>>
    %dma_start3A_68 = tpu.memref_slice %arg3[%add3A_66] : memref<320000xi32, #tpu.memory_space<hbm>> -> memref<80xi32, #tpu.memory_space<hbm>>
    tpu.enqueue_dma source(%dma_start3A_68 : memref<80xi32, #tpu.memory_space<hbm>>) target(%arg11 : memref<80xi32, #tpu.memory_space<vmem>>) target_semaphore(%arg24 : memref<!tpu.dma_semaphore, #tpu.memory_space<semaphore_mem>>)
    %dma_start3A_69 = tpu.memref_slice %arg4[%add3A_66] : memref<320000xi32, #tpu.memory_space<hbm>> -> memref<80xi32, #tpu.memory_space<hbm>>
    %dma_start3A_70 = tpu.memref_slice %arg4[%add3A_66] : memref<320000xi32, #tpu.memory_space<hbm>> -> memref<80xi32, #tpu.memory_space<hbm>>
    tpu.enqueue_dma source(%dma_start3A_70 : memref<80xi32, #tpu.memory_space<hbm>>) target(%arg15 : memref<80xi32, #tpu.memory_space<vmem>>) target_semaphore(%arg24 : memref<!tpu.dma_semaphore, #tpu.memory_space<semaphore_mem>>)
    %scan3A_71 = arith.constant 0 : i32
    %scan3A_72 = arith.constant 0 : i32
    %scan3A_73 = arith.constant 30 : i32
    %scan3A_74 = arith.addi %scan3A_72, %scan3A_73 : i32
    %scan3A_75 = arith.constant 1 : i32
    %scan3A_76 = scf.for %scan3A_251 = %scan3A_72 to %scan3A_74 step %scan3A_75 iter_args(%scan3A_252 = %scan3A_71) -> (i32)  : i32 {
      %mul3A_253 = arith.constant 4 : i32
      %mul3A_254 = arith.muli %mul3A_253, %scan3A_251 : i32
      %add3A_255 = arith.constant 1 : i32
      %add3A_256 = arith.addi %mul3A_254, %add3A_255 : i32
      %add3A_257 = arith.constant 0 : i32
      %add3A_258 = arith.addi %add3A_256, %add3A_257 : i32
      %dma_wait3A_259 = tpu.memref_slice %arg3[%mul3A_17] : memref<320000xi32, #tpu.memory_space<hbm>> -> memref<80xi32, #tpu.memory_space<hbm>>
      %dma_wait3A_260 = tpu.memref_slice %arg3[%mul3A_17] : memref<320000xi32, #tpu.memory_space<hbm>> -> memref<80xi32, #tpu.memory_space<hbm>>
      tpu.wait_dma2 semaphore(%arg24 : memref<!tpu.dma_semaphore, #tpu.memory_space<semaphore_mem>>) src(%dma_wait3A_260 : memref<80xi32, #tpu.memory_space<hbm>>) dst(%arg11 : memref<80xi32, #tpu.memory_space<vmem>>)
      %dma_wait3A_261 = tpu.memref_slice %arg4[%mul3A_17] : memref<320000xi32, #tpu.memory_space<hbm>> -> memref<80xi32, #tpu.memory_space<hbm>>
      %dma_wait3A_262 = tpu.memref_slice %arg4[%mul3A_17] : memref<320000xi32, #tpu.memory_space<hbm>> -> memref<80xi32, #tpu.memory_space<hbm>>
      tpu.wait_dma2 semaphore(%arg24 : memref<!tpu.dma_semaphore, #tpu.memory_space<semaphore_mem>>) src(%dma_wait3A_262 : memref<80xi32, #tpu.memory_space<hbm>>) dst(%arg15 : memref<80xi32, #tpu.memory_space<vmem>>)
      %dma_wait3A_263 = arith.constant 0 : i32
      %dma_wait3A_264 = arith.constant 0 : i32
      %dma_wait3A_265 = tpu.memref_slice %arg21[%dma_wait3A_263, %dma_wait3A_264] : memref<10240x128xf32, #tpu.memory_space<vmem_shared>> -> memref<10240x128xf32, #tpu.memory_space<vmem_shared>>
      tpu.wait_indirect_dma semaphore(%arg28 : memref<!tpu.dma_semaphore, #tpu.memory_space<semaphore_mem>>) src(%arg17 : memref<80x128xf32, #tpu.memory_space<vmem>>) dst(%dma_wait3A_265 : memref<10240x128xf32, #tpu.memory_space<vmem_shared>>)
      %dma_start3A_266 = arith.constant 0 : i32
      %dma_start3A_267 = arith.constant 0 : i32
      %dma_start3A_268 = tpu.memref_slice %arg2[%dma_start3A_266, %dma_start3A_267] : memref<10240x128xf32, #tpu.memory_space<hbm>> -> memref<10240x128xf32, #tpu.memory_space<hbm>>
      tpu.enqueue_indirect_dma source(%dma_start3A_268 : memref<10240x128xf32, #tpu.memory_space<hbm>>) target(%arg17 : memref<80x128xf32, #tpu.memory_space<vmem>>) offsets(%arg11 : memref<80xi32, #tpu.memory_space<vmem>>) semaphore(%arg26 : memref<!tpu.dma_semaphore, #tpu.memory_space<semaphore_mem>>)
      %dma_wait3A_269 = arith.constant 0 : i32
      %dma_wait3A_270 = arith.constant 0 : i32
      %dma_wait3A_271 = tpu.memref_slice %arg2[%dma_wait3A_269, %dma_wait3A_270] : memref<10240x128xf32, #tpu.memory_space<hbm>> -> memref<10240x128xf32, #tpu.memory_space<hbm>>
      tpu.wait_indirect_dma semaphore(%arg27 : memref<!tpu.dma_semaphore, #tpu.memory_space<semaphore_mem>>) src(%dma_wait3A_271 : memref<10240x128xf32, #tpu.memory_space<hbm>>) dst(%arg18 : memref<80x128xf32, #tpu.memory_space<vmem>>)
      %dma_start3A_272 = arith.constant 0 : i32
      %dma_start3A_273 = arith.constant 0 : i32
      %dma_start3A_274 = tpu.memref_slice %arg21[%dma_start3A_272, %dma_start3A_273] : memref<10240x128xf32, #tpu.memory_space<vmem_shared>> -> memref<10240x128xf32, #tpu.memory_space<vmem_shared>>
      tpu.enqueue_indirect_dma source(%arg18 : memref<80x128xf32, #tpu.memory_space<vmem>>) target(%dma_start3A_274 : memref<10240x128xf32, #tpu.memory_space<vmem_shared>>) offsets(%arg14 : memref<80xi32, #tpu.memory_space<vmem>>) semaphore(%arg29 : memref<!tpu.dma_semaphore, #tpu.memory_space<semaphore_mem>>) {add = true}
      %get3A_275 = arith.constant 0 : index
      %get3A_276 = tpu.vector_load %arg14[%get3A_275] {strides = array<i32>} : memref<80xi32, #tpu.memory_space<vmem>>, vector<16xi32>,
      %get3A_277 = arith.constant 0 : index
      %get3A_278 = tpu.vector_load %arg10[%get3A_277] {strides = array<i32>} : memref<80xi32, #tpu.memory_space<vmem>>, vector<16xi32>,
      %gather3A_279 = tpu.vector_load_idx %arg19[%get3A_276] : memref<10000xf32, #tpu.memory_space<vmem>>[vector<16xi32>], vector<16xf32>,
      tpu.vector_store_idx %arg20[%broadcast_in_dim3A_19, %get3A_278], %gather3A_279 {add = true} : memref<1x10240xf32, #tpu.memory_space<vmem>>[vector<16xi32>, vector<16xi32>], vector<16xf32>,
      %get3A_280 = arith.constant 16 : index
      %get3A_281 = tpu.vector_load %arg14[%get3A_280] {strides = array<i32>} : memref<80xi32, #tpu.memory_space<vmem>>, vector<16xi32>,
      %get3A_282 = arith.constant 16 : index
      %get3A_283 = tpu.vector_load %arg10[%get3A_282] {strides = array<i32>} : memref<80xi32, #tpu.memory_space<vmem>>, vector<16xi32>,
      %gather3A_284 = tpu.vector_load_idx %arg19[%get3A_281] : memref<10000xf32, #tpu.memory_space<vmem>>[vector<16xi32>], vector<16xf32>,
      tpu.vector_store_idx %arg20[%broadcast_in_dim3A_19, %get3A_283], %gather3A_284 {add = true} : memref<1x10240xf32, #tpu.memory_space<vmem>>[vector<16xi32>, vector<16xi32>], vector<16xf32>,
      %get3A_285 = arith.constant 32 : index
      %get3A_286 = tpu.vector_load %arg14[%get3A_285] {strides = array<i32>} : memref<80xi32, #tpu.memory_space<vmem>>, vector<16xi32>,
      %get3A_287 = arith.constant 32 : index
      %get3A_288 = tpu.vector_load %arg10[%get3A_287] {strides = array<i32>} : memref<80xi32, #tpu.memory_space<vmem>>, vector<16xi32>,
      %gather3A_289 = tpu.vector_load_idx %arg19[%get3A_286] : memref<10000xf32, #tpu.memory_space<vmem>>[vector<16xi32>], vector<16xf32>,
      tpu.vector_store_idx %arg20[%broadcast_in_dim3A_19, %get3A_288], %gather3A_289 {add = true} : memref<1x10240xf32, #tpu.memory_space<vmem>>[vector<16xi32>, vector<16xi32>], vector<16xf32>,
      %get3A_290 = arith.constant 48 : index
      %get3A_291 = tpu.vector_load %arg14[%get3A_290] {strides = array<i32>} : memref<80xi32, #tpu.memory_space<vmem>>, vector<16xi32>,
      %get3A_292 = arith.constant 48 : index
      %get3A_293 = tpu.vector_load %arg10[%get3A_292] {strides = array<i32>} : memref<80xi32, #tpu.memory_space<vmem>>, vector<16xi32>,
      %gather3A_294 = tpu.vector_load_idx %arg19[%get3A_291] : memref<10000xf32, #tpu.memory_space<vmem>>[vector<16xi32>], vector<16xf32>,
      tpu.vector_store_idx %arg20[%broadcast_in_dim3A_19, %get3A_293], %gather3A_294 {add = true} : memref<1x10240xf32, #tpu.memory_space<vmem>>[vector<16xi32>, vector<16xi32>], vector<16xf32>,
      %get3A_295 = arith.constant 64 : index
      %get3A_296 = tpu.vector_load %arg14[%get3A_295] {strides = array<i32>} : memref<80xi32, #tpu.memory_space<vmem>>, vector<16xi32>,
      %get3A_297 = arith.constant 64 : index
      %get3A_298 = tpu.vector_load %arg10[%get3A_297] {strides = array<i32>} : memref<80xi32, #tpu.memory_space<vmem>>, vector<16xi32>,
      %gather3A_299 = tpu.vector_load_idx %arg19[%get3A_296] : memref<10000xf32, #tpu.memory_space<vmem>>[vector<16xi32>], vector<16xf32>,
      tpu.vector_store_idx %arg20[%broadcast_in_dim3A_19, %get3A_298], %gather3A_299 {add = true} : memref<1x10240xf32, #tpu.memory_space<vmem>>[vector<16xi32>, vector<16xi32>], vector<16xf32>,
      %add3A_300 = arith.constant 2 : i32
      %add3A_301 = arith.addi %add3A_258, %add3A_300 : i32
      %mul3A_302 = arith.constant 80 : i32
      %mul3A_303 = arith.muli %add3A_301, %mul3A_302 : i32
      %add3A_304 = arith.addi %mul3A_17, %mul3A_303 : i32
      %dma_start3A_305 = tpu.memref_slice %arg3[%add3A_304] : memref<320000xi32, #tpu.memory_space<hbm>> -> memref<80xi32, #tpu.memory_space<hbm>>
      %dma_start3A_306 = tpu.memref_slice %arg3[%add3A_304] : memref<320000xi32, #tpu.memory_space<hbm>> -> memref<80xi32, #tpu.memory_space<hbm>>
      tpu.enqueue_dma source(%dma_start3A_306 : memref<80xi32, #tpu.memory_space<hbm>>) target(%arg12 : memref<80xi32, #tpu.memory_space<vmem>>) target_semaphore(%arg25 : memref<!tpu.dma_semaphore, #tpu.memory_space<semaphore_mem>>)
      %dma_start3A_307 = tpu.memref_slice %arg4[%add3A_304] : memref<320000xi32, #tpu.memory_space<hbm>> -> memref<80xi32, #tpu.memory_space<hbm>>
      %dma_start3A_308 = tpu.memref_slice %arg4[%add3A_304] : memref<320000xi32, #tpu.memory_space<hbm>> -> memref<80xi32, #tpu.memory_space<hbm>>
      tpu.enqueue_dma source(%dma_start3A_308 : memref<80xi32, #tpu.memory_space<hbm>>) target(%arg16 : memref<80xi32, #tpu.memory_space<vmem>>) target_semaphore(%arg25 : memref<!tpu.dma_semaphore, #tpu.memory_space<semaphore_mem>>)
      %mul3A_309 = arith.constant 4 : i32
      %mul3A_310 = arith.muli %mul3A_309, %scan3A_251 : i32
      %add3A_311 = arith.constant 1 : i32
      %add3A_312 = arith.addi %mul3A_310, %add3A_311 : i32
      %add3A_313 = arith.constant 1 : i32
      %add3A_314 = arith.addi %add3A_312, %add3A_313 : i32
      %dma_wait3A_315 = tpu.memref_slice %arg3[%mul3A_17] : memref<320000xi32, #tpu.memory_space<hbm>> -> memref<80xi32, #tpu.memory_space<hbm>>
      %dma_wait3A_316 = tpu.memref_slice %arg3[%mul3A_17] : memref<320000xi32, #tpu.memory_space<hbm>> -> memref<80xi32, #tpu.memory_space<hbm>>
      tpu.wait_dma2 semaphore(%arg25 : memref<!tpu.dma_semaphore, #tpu.memory_space<semaphore_mem>>) src(%dma_wait3A_316 : memref<80xi32, #tpu.memory_space<hbm>>) dst(%arg12 : memref<80xi32, #tpu.memory_space<vmem>>)
      %dma_wait3A_317 = tpu.memref_slice %arg4[%mul3A_17] : memref<320000xi32, #tpu.memory_space<hbm>> -> memref<80xi32, #tpu.memory_space<hbm>>
      %dma_wait3A_318 = tpu.memref_slice %arg4[%mul3A_17] : memref<320000xi32, #tpu.memory_space<hbm>> -> memref<80xi32, #tpu.memory_space<hbm>>
      tpu.wait_dma2 semaphore(%arg25 : memref<!tpu.dma_semaphore, #tpu.memory_space<semaphore_mem>>) src(%dma_wait3A_318 : memref<80xi32, #tpu.memory_space<hbm>>) dst(%arg16 : memref<80xi32, #tpu.memory_space<vmem>>)
      %dma_wait3A_319 = arith.constant 0 : i32
      %dma_wait3A_320 = arith.constant 0 : i32
      %dma_wait3A_321 = tpu.memref_slice %arg21[%dma_wait3A_319, %dma_wait3A_320] : memref<10240x128xf32, #tpu.memory_space<vmem_shared>> -> memref<10240x128xf32, #tpu.memory_space<vmem_shared>>
      tpu.wait_indirect_dma semaphore(%arg29 : memref<!tpu.dma_semaphore, #tpu.memory_space<semaphore_mem>>) src(%arg18 : memref<80x128xf32, #tpu.memory_space<vmem>>) dst(%dma_wait3A_321 : memref<10240x128xf32, #tpu.memory_space<vmem_shared>>)
      %dma_start3A_322 = arith.constant 0 : i32
      %dma_start3A_323 = arith.constant 0 : i32
      %dma_start3A_324 = tpu.memref_slice %arg2[%dma_start3A_322, %dma_start3A_323] : memref<10240x128xf32, #tpu.memory_space<hbm>> -> memref<10240x128xf32, #tpu.memory_space<hbm>>
      tpu.enqueue_indirect_dma source(%dma_start3A_324 : memref<10240x128xf32, #tpu.memory_space<hbm>>) target(%arg18 : memref<80x128xf32, #tpu.memory_space<vmem>>) offsets(%arg12 : memref<80xi32, #tpu.memory_space<vmem>>) semaphore(%arg27 : memref<!tpu.dma_semaphore, #tpu.memory_space<semaphore_mem>>)
      %dma_wait3A_325 = arith.constant 0 : i32
      %dma_wait3A_326 = arith.constant 0 : i32
      %dma_wait3A_327 = tpu.memref_slice %arg2[%dma_wait3A_325, %dma_wait3A_326] : memref<10240x128xf32, #tpu.memory_space<hbm>> -> memref<10240x128xf32, #tpu.memory_space<hbm>>
      tpu.wait_indirect_dma semaphore(%arg26 : memref<!tpu.dma_semaphore, #tpu.memory_space<semaphore_mem>>) src(%dma_wait3A_327 : memref<10240x128xf32, #tpu.memory_space<hbm>>) dst(%arg17 : memref<80x128xf32, #tpu.memory_space<vmem>>)
      %dma_start3A_328 = arith.constant 0 : i32
      %dma_start3A_329 = arith.constant 0 : i32
      %dma_start3A_330 = tpu.memref_slice %arg21[%dma_start3A_328, %dma_start3A_329] : memref<10240x128xf32, #tpu.memory_space<vmem_shared>> -> memref<10240x128xf32, #tpu.memory_space<vmem_shared>>
      tpu.enqueue_indirect_dma source(%arg17 : memref<80x128xf32, #tpu.memory_space<vmem>>) target(%dma_start3A_330 : memref<10240x128xf32, #tpu.memory_space<vmem_shared>>) offsets(%arg15 : memref<80xi32, #tpu.memory_space<vmem>>) semaphore(%arg28 : memref<!tpu.dma_semaphore, #tpu.memory_space<semaphore_mem>>) {add = true}
      %get3A_331 = arith.constant 0 : index
      %get3A_332 = tpu.vector_load %arg15[%get3A_331] {strides = array<i32>} : memref<80xi32, #tpu.memory_space<vmem>>, vector<16xi32>,
      %get3A_333 = arith.constant 0 : index
      %get3A_334 = tpu.vector_load %arg11[%get3A_333] {strides = array<i32>} : memref<80xi32, #tpu.memory_space<vmem>>, vector<16xi32>,
      %gather3A_335 = tpu.vector_load_idx %arg19[%get3A_332] : memref<10000xf32, #tpu.memory_space<vmem>>[vector<16xi32>], vector<16xf32>,
      tpu.vector_store_idx %arg20[%broadcast_in_dim3A_19, %get3A_334], %gather3A_335 {add = true} : memref<1x10240xf32, #tpu.memory_space<vmem>>[vector<16xi32>, vector<16xi32>], vector<16xf32>,
      %get3A_336 = arith.constant 16 : index
      %get3A_337 = tpu.vector_load %arg15[%get3A_336] {strides = array<i32>} : memref<80xi32, #tpu.memory_space<vmem>>, vector<16xi32>,
      %get3A_338 = arith.constant 16 : index
      %get3A_339 = tpu.vector_load %arg11[%get3A_338] {strides = array<i32>} : memref<80xi32, #tpu.memory_space<vmem>>, vector<16xi32>,
      %gather3A_340 = tpu.vector_load_idx %arg19[%get3A_337] : memref<10000xf32, #tpu.memory_space<vmem>>[vector<16xi32>], vector<16xf32>,
      tpu.vector_store_idx %arg20[%broadcast_in_dim3A_19, %get3A_339], %gather3A_340 {add = true} : memref<1x10240xf32, #tpu.memory_space<vmem>>[vector<16xi32>, vector<16xi32>], vector<16xf32>,
      %get3A_341 = arith.constant 32 : index
      %get3A_342 = tpu.vector_load %arg15[%get3A_341] {strides = array<i32>} : memref<80xi32, #tpu.memory_space<vmem>>, vector<16xi32>,
      %get3A_343 = arith.constant 32 : index
      %get3A_344 = tpu.vector_load %arg11[%get3A_343] {strides = array<i32>} : memref<80xi32, #tpu.memory_space<vmem>>, vector<16xi32>,
      %gather3A_345 = tpu.vector_load_idx %arg19[%get3A_342] : memref<10000xf32, #tpu.memory_space<vmem>>[vector<16xi32>], vector<16xf32>,
      tpu.vector_store_idx %arg20[%broadcast_in_dim3A_19, %get3A_344], %gather3A_345 {add = true} : memref<1x10240xf32, #tpu.memory_space<vmem>>[vector<16xi32>, vector<16xi32>], vector<16xf32>,
      %get3A_346 = arith.constant 48 : index
      %get3A_347 = tpu.vector_load %arg15[%get3A_346] {strides = array<i32>} : memref<80xi32, #tpu.memory_space<vmem>>, vector<16xi32>,
      %get3A_348 = arith.constant 48 : index
      %get3A_349 = tpu.vector_load %arg11[%get3A_348] {strides = array<i32>} : memref<80xi32, #tpu.memory_space<vmem>>, vector<16xi32>,
      %gather3A_350 = tpu.vector_load_idx %arg19[%get3A_347] : memref<10000xf32, #tpu.memory_space<vmem>>[vector<16xi32>], vector<16xf32>,
      tpu.vector_store_idx %arg20[%broadcast_in_dim3A_19, %get3A_349], %gather3A_350 {add = true} : memref<1x10240xf32, #tpu.memory_space<vmem>>[vector<16xi32>, vector<16xi32>], vector<16xf32>,
      %get3A_351 = arith.constant 64 : index
      %get3A_352 = tpu.vector_load %arg15[%get3A_351] {strides = array<i32>} : memref<80xi32, #tpu.memory_space<vmem>>, vector<16xi32>,
      %get3A_353 = arith.constant 64 : index
      %get3A_354 = tpu.vector_load %arg11[%get3A_353] {strides = array<i32>} : memref<80xi32, #tpu.memory_space<vmem>>, vector<16xi32>,
      %gather3A_355 = tpu.vector_load_idx %arg19[%get3A_352] : memref<10000xf32, #tpu.memory_space<vmem>>[vector<16xi32>], vector<16xf32>,
      tpu.vector_store_idx %arg20[%broadcast_in_dim3A_19, %get3A_354], %gather3A_355 {add = true} : memref<1x10240xf32, #tpu.memory_space<vmem>>[vector<16xi32>, vector<16xi32>], vector<16xf32>,
      %add3A_356 = arith.constant 2 : i32
      %add3A_357 = arith.addi %add3A_314, %add3A_356 : i32
      %mul3A_358 = arith.constant 80 : i32
      %mul3A_359 = arith.muli %add3A_357, %mul3A_358 : i32
      %add3A_360 = arith.addi %mul3A_17, %mul3A_359 : i32
      %dma_start3A_361 = tpu.memref_slice %arg3[%add3A_360] : memref<320000xi32, #tpu.memory_space<hbm>> -> memref<80xi32, #tpu.memory_space<hbm>>
      %dma_start3A_362 = tpu.memref_slice %arg3[%add3A_360] : memref<320000xi32, #tpu.memory_space<hbm>> -> memref<80xi32, #tpu.memory_space<hbm>>
      tpu.enqueue_dma source(%dma_start3A_362 : memref<80xi32, #tpu.memory_space<hbm>>) target(%arg9 : memref<80xi32, #tpu.memory_space<vmem>>) target_semaphore(%arg22 : memref<!tpu.dma_semaphore, #tpu.memory_space<semaphore_mem>>)
      %dma_start3A_363 = tpu.memref_slice %arg4[%add3A_360] : memref<320000xi32, #tpu.memory_space<hbm>> -> memref<80xi32, #tpu.memory_space<hbm>>
      %dma_start3A_364 = tpu.memref_slice %arg4[%add3A_360] : memref<320000xi32, #tpu.memory_space<hbm>> -> memref<80xi32, #tpu.memory_space<hbm>>
      tpu.enqueue_dma source(%dma_start3A_364 : memref<80xi32, #tpu.memory_space<hbm>>) target(%arg13 : memref<80xi32, #tpu.memory_space<vmem>>) target_semaphore(%arg22 : memref<!tpu.dma_semaphore, #tpu.memory_space<semaphore_mem>>)
      %mul3A_365 = arith.constant 4 : i32
      %mul3A_366 = arith.muli %mul3A_365, %scan3A_251 : i32
      %add3A_367 = arith.constant 1 : i32
      %add3A_368 = arith.addi %mul3A_366, %add3A_367 : i32
      %add3A_369 = arith.constant 2 : i32
      %add3A_370 = arith.addi %add3A_368, %add3A_369 : i32
      %dma_wait3A_371 = tpu.memref_slice %arg3[%mul3A_17] : memref<320000xi32, #tpu.memory_space<hbm>> -> memref<80xi32, #tpu.memory_space<hbm>>
      %dma_wait3A_372 = tpu.memref_slice %arg3[%mul3A_17] : memref<320000xi32, #tpu.memory_space<hbm>> -> memref<80xi32, #tpu.memory_space<hbm>>
      tpu.wait_dma2 semaphore(%arg22 : memref<!tpu.dma_semaphore, #tpu.memory_space<semaphore_mem>>) src(%dma_wait3A_372 : memref<80xi32, #tpu.memory_space<hbm>>) dst(%arg9 : memref<80xi32, #tpu.memory_space<vmem>>)
      %dma_wait3A_373 = tpu.memref_slice %arg4[%mul3A_17] : memref<320000xi32, #tpu.memory_space<hbm>> -> memref<80xi32, #tpu.memory_space<hbm>>
      %dma_wait3A_374 = tpu.memref_slice %arg4[%mul3A_17] : memref<320000xi32, #tpu.memory_space<hbm>> -> memref<80xi32, #tpu.memory_space<hbm>>
      tpu.wait_dma2 semaphore(%arg22 : memref<!tpu.dma_semaphore, #tpu.memory_space<semaphore_mem>>) src(%dma_wait3A_374 : memref<80xi32, #tpu.memory_space<hbm>>) dst(%arg13 : memref<80xi32, #tpu.memory_space<vmem>>)
      %dma_wait3A_375 = arith.constant 0 : i32
      %dma_wait3A_376 = arith.constant 0 : i32
      %dma_wait3A_377 = tpu.memref_slice %arg21[%dma_wait3A_375, %dma_wait3A_376] : memref<10240x128xf32, #tpu.memory_space<vmem_shared>> -> memref<10240x128xf32, #tpu.memory_space<vmem_shared>>
      tpu.wait_indirect_dma semaphore(%arg28 : memref<!tpu.dma_semaphore, #tpu.memory_space<semaphore_mem>>) src(%arg17 : memref<80x128xf32, #tpu.memory_space<vmem>>) dst(%dma_wait3A_377 : memref<10240x128xf32, #tpu.memory_space<vmem_shared>>)
      %dma_start3A_378 = arith.constant 0 : i32
      %dma_start3A_379 = arith.constant 0 : i32
      %dma_start3A_380 = tpu.memref_slice %arg2[%dma_start3A_378, %dma_start3A_379] : memref<10240x128xf32, #tpu.memory_space<hbm>> -> memref<10240x128xf32, #tpu.memory_space<hbm>>
      tpu.enqueue_indirect_dma source(%dma_start3A_380 : memref<10240x128xf32, #tpu.memory_space<hbm>>) target(%arg17 : memref<80x128xf32, #tpu.memory_space<vmem>>) offsets(%arg9 : memref<80xi32, #tpu.memory_space<vmem>>) semaphore(%arg26 : memref<!tpu.dma_semaphore, #tpu.memory_space<semaphore_mem>>)
      %dma_wait3A_381 = arith.constant 0 : i32
      %dma_wait3A_382 = arith.constant 0 : i32
      %dma_wait3A_383 = tpu.memref_slice %arg2[%dma_wait3A_381, %dma_wait3A_382] : memref<10240x128xf32, #tpu.memory_space<hbm>> -> memref<10240x128xf32, #tpu.memory_space<hbm>>
      tpu.wait_indirect_dma semaphore(%arg27 : memref<!tpu.dma_semaphore, #tpu.memory_space<semaphore_mem>>) src(%dma_wait3A_383 : memref<10240x128xf32, #tpu.memory_space<hbm>>) dst(%arg18 : memref<80x128xf32, #tpu.memory_space<vmem>>)
      %dma_start3A_384 = arith.constant 0 : i32
      %dma_start3A_385 = arith.constant 0 : i32
      %dma_start3A_386 = tpu.memref_slice %arg21[%dma_start3A_384, %dma_start3A_385] : memref<10240x128xf32, #tpu.memory_space<vmem_shared>> -> memref<10240x128xf32, #tpu.memory_space<vmem_shared>>
      tpu.enqueue_indirect_dma source(%arg18 : memref<80x128xf32, #tpu.memory_space<vmem>>) target(%dma_start3A_386 : memref<10240x128xf32, #tpu.memory_space<vmem_shared>>) offsets(%arg16 : memref<80xi32, #tpu.memory_space<vmem>>) semaphore(%arg29 : memref<!tpu.dma_semaphore, #tpu.memory_space<semaphore_mem>>) {add = true}
      %get3A_387 = arith.constant 0 : index
      %get3A_388 = tpu.vector_load %arg16[%get3A_387] {strides = array<i32>} : memref<80xi32, #tpu.memory_space<vmem>>, vector<16xi32>,
      %get3A_389 = arith.constant 0 : index
      %get3A_390 = tpu.vector_load %arg12[%get3A_389] {strides = array<i32>} : memref<80xi32, #tpu.memory_space<vmem>>, vector<16xi32>,
      %gather3A_391 = tpu.vector_load_idx %arg19[%get3A_388] : memref<10000xf32, #tpu.memory_space<vmem>>[vector<16xi32>], vector<16xf32>,
      tpu.vector_store_idx %arg20[%broadcast_in_dim3A_19, %get3A_390], %gather3A_391 {add = true} : memref<1x10240xf32, #tpu.memory_space<vmem>>[vector<16xi32>, vector<16xi32>], vector<16xf32>,
      %get3A_392 = arith.constant 16 : index
      %get3A_393 = tpu.vector_load %arg16[%get3A_392] {strides = array<i32>} : memref<80xi32, #tpu.memory_space<vmem>>, vector<16xi32>,
      %get3A_394 = arith.constant 16 : index
      %get3A_395 = tpu.vector_load %arg12[%get3A_394] {strides = array<i32>} : memref<80xi32, #tpu.memory_space<vmem>>, vector<16xi32>,
      %gather3A_396 = tpu.vector_load_idx %arg19[%get3A_393] : memref<10000xf32, #tpu.memory_space<vmem>>[vector<16xi32>], vector<16xf32>,
      tpu.vector_store_idx %arg20[%broadcast_in_dim3A_19, %get3A_395], %gather3A_396 {add = true} : memref<1x10240xf32, #tpu.memory_space<vmem>>[vector<16xi32>, vector<16xi32>], vector<16xf32>,
      %get3A_397 = arith.constant 32 : index
      %get3A_398 = tpu.vector_load %arg16[%get3A_397] {strides = array<i32>} : memref<80xi32, #tpu.memory_space<vmem>>, vector<16xi32>,
      %get3A_399 = arith.constant 32 : index
      %get3A_400 = tpu.vector_load %arg12[%get3A_399] {strides = array<i32>} : memref<80xi32, #tpu.memory_space<vmem>>, vector<16xi32>,
      %gather3A_401 = tpu.vector_load_idx %arg19[%get3A_398] : memref<10000xf32, #tpu.memory_space<vmem>>[vector<16xi32>], vector<16xf32>,
      tpu.vector_store_idx %arg20[%broadcast_in_dim3A_19, %get3A_400], %gather3A_401 {add = true} : memref<1x10240xf32, #tpu.memory_space<vmem>>[vector<16xi32>, vector<16xi32>], vector<16xf32>,
      %get3A_402 = arith.constant 48 : index
      %get3A_403 = tpu.vector_load %arg16[%get3A_402] {strides = array<i32>} : memref<80xi32, #tpu.memory_space<vmem>>, vector<16xi32>,
      %get3A_404 = arith.constant 48 : index
      %get3A_405 = tpu.vector_load %arg12[%get3A_404] {strides = array<i32>} : memref<80xi32, #tpu.memory_space<vmem>>, vector<16xi32>,
      %gather3A_406 = tpu.vector_load_idx %arg19[%get3A_403] : memref<10000xf32, #tpu.memory_space<vmem>>[vector<16xi32>], vector<16xf32>,
      tpu.vector_store_idx %arg20[%broadcast_in_dim3A_19, %get3A_405], %gather3A_406 {add = true} : memref<1x10240xf32, #tpu.memory_space<vmem>>[vector<16xi32>, vector<16xi32>], vector<16xf32>,
      %get3A_407 = arith.constant 64 : index
      %get3A_408 = tpu.vector_load %arg16[%get3A_407] {strides = array<i32>} : memref<80xi32, #tpu.memory_space<vmem>>, vector<16xi32>,
      %get3A_409 = arith.constant 64 : index
      %get3A_410 = tpu.vector_load %arg12[%get3A_409] {strides = array<i32>} : memref<80xi32, #tpu.memory_space<vmem>>, vector<16xi32>,
      %gather3A_411 = tpu.vector_load_idx %arg19[%get3A_408] : memref<10000xf32, #tpu.memory_space<vmem>>[vector<16xi32>], vector<16xf32>,
      tpu.vector_store_idx %arg20[%broadcast_in_dim3A_19, %get3A_410], %gather3A_411 {add = true} : memref<1x10240xf32, #tpu.memory_space<vmem>>[vector<16xi32>, vector<16xi32>], vector<16xf32>,
      %add3A_412 = arith.constant 2 : i32
      %add3A_413 = arith.addi %add3A_370, %add3A_412 : i32
      %mul3A_414 = arith.constant 80 : i32
      %mul3A_415 = arith.muli %add3A_413, %mul3A_414 : i32
      %add3A_416 = arith.addi %mul3A_17, %mul3A_415 : i32
      %dma_start3A_417 = tpu.memref_slice %arg3[%add3A_416] : memref<320000xi32, #tpu.memory_space<hbm>> -> memref<80xi32, #tpu.memory_space<hbm>>
      %dma_start3A_418 = tpu.memref_slice %arg3[%add3A_416] : memref<320000xi32, #tpu.memory_space<hbm>> -> memref<80xi32, #tpu.memory_space<hbm>>
      tpu.enqueue_dma source(%dma_start3A_418 : memref<80xi32, #tpu.memory_space<hbm>>) target(%arg10 : memref<80xi32, #tpu.memory_space<vmem>>) target_semaphore(%arg23 : memref<!tpu.dma_semaphore, #tpu.memory_space<semaphore_mem>>)
      %dma_start3A_419 = tpu.memref_slice %arg4[%add3A_416] : memref<320000xi32, #tpu.memory_space<hbm>> -> memref<80xi32, #tpu.memory_space<hbm>>
      %dma_start3A_420 = tpu.memref_slice %arg4[%add3A_416] : memref<320000xi32, #tpu.memory_space<hbm>> -> memref<80xi32, #tpu.memory_space<hbm>>
      tpu.enqueue_dma source(%dma_start3A_420 : memref<80xi32, #tpu.memory_space<hbm>>) target(%arg14 : memref<80xi32, #tpu.memory_space<vmem>>) target_semaphore(%arg23 : memref<!tpu.dma_semaphore, #tpu.memory_space<semaphore_mem>>)
      %mul3A_421 = arith.constant 4 : i32
      %mul3A_422 = arith.muli %mul3A_421, %scan3A_251 : i32
      %add3A_423 = arith.constant 1 : i32
      %add3A_424 = arith.addi %mul3A_422, %add3A_423 : i32
      %add3A_425 = arith.constant 3 : i32
      %add3A_426 = arith.addi %add3A_424, %add3A_425 : i32
      %dma_wait3A_427 = tpu.memref_slice %arg3[%mul3A_17] : memref<320000xi32, #tpu.memory_space<hbm>> -> memref<80xi32, #tpu.memory_space<hbm>>
      %dma_wait3A_428 = tpu.memref_slice %arg3[%mul3A_17] : memref<320000xi32, #tpu.memory_space<hbm>> -> memref<80xi32, #tpu.memory_space<hbm>>
      tpu.wait_dma2 semaphore(%arg23 : memref<!tpu.dma_semaphore, #tpu.memory_space<semaphore_mem>>) src(%dma_wait3A_428 : memref<80xi32, #tpu.memory_space<hbm>>) dst(%arg10 : memref<80xi32, #tpu.memory_space<vmem>>)
      %dma_wait3A_429 = tpu.memref_slice %arg4[%mul3A_17] : memref<320000xi32, #tpu.memory_space<hbm>> -> memref<80xi32, #tpu.memory_space<hbm>>
      %dma_wait3A_430 = tpu.memref_slice %arg4[%mul3A_17] : memref<320000xi32, #tpu.memory_space<hbm>> -> memref<80xi32, #tpu.memory_space<hbm>>
      tpu.wait_dma2 semaphore(%arg23 : memref<!tpu.dma_semaphore, #tpu.memory_space<semaphore_mem>>) src(%dma_wait3A_430 : memref<80xi32, #tpu.memory_space<hbm>>) dst(%arg14 : memref<80xi32, #tpu.memory_space<vmem>>)
      %dma_wait3A_431 = arith.constant 0 : i32
      %dma_wait3A_432 = arith.constant 0 : i32
      %dma_wait3A_433 = tpu.memref_slice %arg21[%dma_wait3A_431, %dma_wait3A_432] : memref<10240x128xf32, #tpu.memory_space<vmem_shared>> -> memref<10240x128xf32, #tpu.memory_space<vmem_shared>>
      tpu.wait_indirect_dma semaphore(%arg29 : memref<!tpu.dma_semaphore, #tpu.memory_space<semaphore_mem>>) src(%arg18 : memref<80x128xf32, #tpu.memory_space<vmem>>) dst(%dma_wait3A_433 : memref<10240x128xf32, #tpu.memory_space<vmem_shared>>)
      %dma_start3A_434 = arith.constant 0 : i32
      %dma_start3A_435 = arith.constant 0 : i32
      %dma_start3A_436 = tpu.memref_slice %arg2[%dma_start3A_434, %dma_start3A_435] : memref<10240x128xf32, #tpu.memory_space<hbm>> -> memref<10240x128xf32, #tpu.memory_space<hbm>>
      tpu.enqueue_indirect_dma source(%dma_start3A_436 : memref<10240x128xf32, #tpu.memory_space<hbm>>) target(%arg18 : memref<80x128xf32, #tpu.memory_space<vmem>>) offsets(%arg10 : memref<80xi32, #tpu.memory_space<vmem>>) semaphore(%arg27 : memref<!tpu.dma_semaphore, #tpu.memory_space<semaphore_mem>>)
      %dma_wait3A_437 = arith.constant 0 : i32
      %dma_wait3A_438 = arith.constant 0 : i32
      %dma_wait3A_439 = tpu.memref_slice %arg2[%dma_wait3A_437, %dma_wait3A_438] : memref<10240x128xf32, #tpu.memory_space<hbm>> -> memref<10240x128xf32, #tpu.memory_space<hbm>>
      tpu.wait_indirect_dma semaphore(%arg26 : memref<!tpu.dma_semaphore, #tpu.memory_space<semaphore_mem>>) src(%dma_wait3A_439 : memref<10240x128xf32, #tpu.memory_space<hbm>>) dst(%arg17 : memref<80x128xf32, #tpu.memory_space<vmem>>)
      %dma_start3A_440 = arith.constant 0 : i32
      %dma_start3A_441 = arith.constant 0 : i32
      %dma_start3A_442 = tpu.memref_slice %arg21[%dma_start3A_440, %dma_start3A_441] : memref<10240x128xf32, #tpu.memory_space<vmem_shared>> -> memref<10240x128xf32, #tpu.memory_space<vmem_shared>>
      tpu.enqueue_indirect_dma source(%arg17 : memref<80x128xf32, #tpu.memory_space<vmem>>) target(%dma_start3A_442 : memref<10240x128xf32, #tpu.memory_space<vmem_shared>>) offsets(%arg13 : memref<80xi32, #tpu.memory_space<vmem>>) semaphore(%arg28 : memref<!tpu.dma_semaphore, #tpu.memory_space<semaphore_mem>>) {add = true}
      %get3A_443 = arith.constant 0 : index
      %get3A_444 = tpu.vector_load %arg13[%get3A_443] {strides = array<i32>} : memref<80xi32, #tpu.memory_space<vmem>>, vector<16xi32>,
      %get3A_445 = arith.constant 0 : index
      %get3A_446 = tpu.vector_load %arg9[%get3A_445] {strides = array<i32>} : memref<80xi32, #tpu.memory_space<vmem>>, vector<16xi32>,
      %gather3A_447 = tpu.vector_load_idx %arg19[%get3A_444] : memref<10000xf32, #tpu.memory_space<vmem>>[vector<16xi32>], vector<16xf32>,
      tpu.vector_store_idx %arg20[%broadcast_in_dim3A_19, %get3A_446], %gather3A_447 {add = true} : memref<1x10240xf32, #tpu.memory_space<vmem>>[vector<16xi32>, vector<16xi32>], vector<16xf32>,
      %get3A_448 = arith.constant 16 : index
      %get3A_449 = tpu.vector_load %arg13[%get3A_448] {strides = array<i32>} : memref<80xi32, #tpu.memory_space<vmem>>, vector<16xi32>,
      %get3A_450 = arith.constant 16 : index
      %get3A_451 = tpu.vector_load %arg9[%get3A_450] {strides = array<i32>} : memref<80xi32, #tpu.memory_space<vmem>>, vector<16xi32>,
      %gather3A_452 = tpu.vector_load_idx %arg19[%get3A_449] : memref<10000xf32, #tpu.memory_space<vmem>>[vector<16xi32>], vector<16xf32>,
      tpu.vector_store_idx %arg20[%broadcast_in_dim3A_19, %get3A_451], %gather3A_452 {add = true} : memref<1x10240xf32, #tpu.memory_space<vmem>>[vector<16xi32>, vector<16xi32>], vector<16xf32>,
      %get3A_453 = arith.constant 32 : index
      %get3A_454 = tpu.vector_load %arg13[%get3A_453] {strides = array<i32>} : memref<80xi32, #tpu.memory_space<vmem>>, vector<16xi32>,
      %get3A_455 = arith.constant 32 : index
      %get3A_456 = tpu.vector_load %arg9[%get3A_455] {strides = array<i32>} : memref<80xi32, #tpu.memory_space<vmem>>, vector<16xi32>,
      %gather3A_457 = tpu.vector_load_idx %arg19[%get3A_454] : memref<10000xf32, #tpu.memory_space<vmem>>[vector<16xi32>], vector<16xf32>,
      tpu.vector_store_idx %arg20[%broadcast_in_dim3A_19, %get3A_456], %gather3A_457 {add = true} : memref<1x10240xf32, #tpu.memory_space<vmem>>[vector<16xi32>, vector<16xi32>], vector<16xf32>,
      %get3A_458 = arith.constant 48 : index
      %get3A_459 = tpu.vector_load %arg13[%get3A_458] {strides = array<i32>} : memref<80xi32, #tpu.memory_space<vmem>>, vector<16xi32>,
      %get3A_460 = arith.constant 48 : index
      %get3A_461 = tpu.vector_load %arg9[%get3A_460] {strides = array<i32>} : memref<80xi32, #tpu.memory_space<vmem>>, vector<16xi32>,
      %gather3A_462 = tpu.vector_load_idx %arg19[%get3A_459] : memref<10000xf32, #tpu.memory_space<vmem>>[vector<16xi32>], vector<16xf32>,
      tpu.vector_store_idx %arg20[%broadcast_in_dim3A_19, %get3A_461], %gather3A_462 {add = true} : memref<1x10240xf32, #tpu.memory_space<vmem>>[vector<16xi32>, vector<16xi32>], vector<16xf32>,
      %get3A_463 = arith.constant 64 : index
      %get3A_464 = tpu.vector_load %arg13[%get3A_463] {strides = array<i32>} : memref<80xi32, #tpu.memory_space<vmem>>, vector<16xi32>,
      %get3A_465 = arith.constant 64 : index
      %get3A_466 = tpu.vector_load %arg9[%get3A_465] {strides = array<i32>} : memref<80xi32, #tpu.memory_space<vmem>>, vector<16xi32>,
      %gather3A_467 = tpu.vector_load_idx %arg19[%get3A_464] : memref<10000xf32, #tpu.memory_space<vmem>>[vector<16xi32>], vector<16xf32>,
      tpu.vector_store_idx %arg20[%broadcast_in_dim3A_19, %get3A_466], %gather3A_467 {add = true} : memref<1x10240xf32, #tpu.memory_space<vmem>>[vector<16xi32>, vector<16xi32>], vector<16xf32>,
      %add3A_468 = arith.constant 2 : i32
      %add3A_469 = arith.addi %add3A_426, %add3A_468 : i32
      %mul3A_470 = arith.constant 80 : i32
      %mul3A_471 = arith.muli %add3A_469, %mul3A_470 : i32
      %add3A_472 = arith.addi %mul3A_17, %mul3A_471 : i32
      %dma_start3A_473 = tpu.memref_slice %arg3[%add3A_472] : memref<320000xi32, #tpu.memory_space<hbm>> -> memref<80xi32, #tpu.memory_space<hbm>>
      %dma_start3A_474 = tpu.memref_slice %arg3[%add3A_472] : memref<320000xi32, #tpu.memory_space<hbm>> -> memref<80xi32, #tpu.memory_space<hbm>>
      tpu.enqueue_dma source(%dma_start3A_474 : memref<80xi32, #tpu.memory_space<hbm>>) target(%arg11 : memref<80xi32, #tpu.memory_space<vmem>>) target_semaphore(%arg24 : memref<!tpu.dma_semaphore, #tpu.memory_space<semaphore_mem>>)
      %dma_start3A_475 = tpu.memref_slice %arg4[%add3A_472] : memref<320000xi32, #tpu.memory_space<hbm>> -> memref<80xi32, #tpu.memory_space<hbm>>
      %dma_start3A_476 = tpu.memref_slice %arg4[%add3A_472] : memref<320000xi32, #tpu.memory_space<hbm>> -> memref<80xi32, #tpu.memory_space<hbm>>
      tpu.enqueue_dma source(%dma_start3A_476 : memref<80xi32, #tpu.memory_space<hbm>>) target(%arg15 : memref<80xi32, #tpu.memory_space<vmem>>) target_semaphore(%arg24 : memref<!tpu.dma_semaphore, #tpu.memory_space<semaphore_mem>>)
      %scan3A_477 = arith.constant 0 : i32
      scf.yield %scan3A_477 : i32
    }
    %scan3A_77 = arith.constant 30 : i32
    %dma_wait3A_78 = tpu.memref_slice %arg3[%mul3A_17] : memref<320000xi32, #tpu.memory_space<hbm>> -> memref<80xi32, #tpu.memory_space<hbm>>
    %dma_wait3A_79 = tpu.memref_slice %arg3[%mul3A_17] : memref<320000xi32, #tpu.memory_space<hbm>> -> memref<80xi32, #tpu.memory_space<hbm>>
    tpu.wait_dma2 semaphore(%arg24 : memref<!tpu.dma_semaphore, #tpu.memory_space<semaphore_mem>>) src(%dma_wait3A_79 : memref<80xi32, #tpu.memory_space<hbm>>) dst(%arg11 : memref<80xi32, #tpu.memory_space<vmem>>)
    %dma_wait3A_80 = tpu.memref_slice %arg4[%mul3A_17] : memref<320000xi32, #tpu.memory_space<hbm>> -> memref<80xi32, #tpu.memory_space<hbm>>
    %dma_wait3A_81 = tpu.memref_slice %arg4[%mul3A_17] : memref<320000xi32, #tpu.memory_space<hbm>> -> memref<80xi32, #tpu.memory_space<hbm>>
    tpu.wait_dma2 semaphore(%arg24 : memref<!tpu.dma_semaphore, #tpu.memory_space<semaphore_mem>>) src(%dma_wait3A_81 : memref<80xi32, #tpu.memory_space<hbm>>) dst(%arg15 : memref<80xi32, #tpu.memory_space<vmem>>)
    %dma_wait3A_82 = arith.constant 0 : i32
    %dma_wait3A_83 = arith.constant 0 : i32
    %dma_wait3A_84 = tpu.memref_slice %arg21[%dma_wait3A_82, %dma_wait3A_83] : memref<10240x128xf32, #tpu.memory_space<vmem_shared>> -> memref<10240x128xf32, #tpu.memory_space<vmem_shared>>
    tpu.wait_indirect_dma semaphore(%arg28 : memref<!tpu.dma_semaphore, #tpu.memory_space<semaphore_mem>>) src(%arg17 : memref<80x128xf32, #tpu.memory_space<vmem>>) dst(%dma_wait3A_84 : memref<10240x128xf32, #tpu.memory_space<vmem_shared>>)
    %dma_start3A_85 = arith.constant 0 : i32
    %dma_start3A_86 = arith.constant 0 : i32
    %dma_start3A_87 = tpu.memref_slice %arg2[%dma_start3A_85, %dma_start3A_86] : memref<10240x128xf32, #tpu.memory_space<hbm>> -> memref<10240x128xf32, #tpu.memory_space<hbm>>
    tpu.enqueue_indirect_dma source(%dma_start3A_87 : memref<10240x128xf32, #tpu.memory_space<hbm>>) target(%arg17 : memref<80x128xf32, #tpu.memory_space<vmem>>) offsets(%arg11 : memref<80xi32, #tpu.memory_space<vmem>>) semaphore(%arg26 : memref<!tpu.dma_semaphore, #tpu.memory_space<semaphore_mem>>)
    %dma_wait3A_88 = arith.constant 0 : i32
    %dma_wait3A_89 = arith.constant 0 : i32
    %dma_wait3A_90 = tpu.memref_slice %arg2[%dma_wait3A_88, %dma_wait3A_89] : memref<10240x128xf32, #tpu.memory_space<hbm>> -> memref<10240x128xf32, #tpu.memory_space<hbm>>
    tpu.wait_indirect_dma semaphore(%arg27 : memref<!tpu.dma_semaphore, #tpu.memory_space<semaphore_mem>>) src(%dma_wait3A_90 : memref<10240x128xf32, #tpu.memory_space<hbm>>) dst(%arg18 : memref<80x128xf32, #tpu.memory_space<vmem>>)
    %dma_start3A_91 = arith.constant 0 : i32
    %dma_start3A_92 = arith.constant 0 : i32
    %dma_start3A_93 = tpu.memref_slice %arg21[%dma_start3A_91, %dma_start3A_92] : memref<10240x128xf32, #tpu.memory_space<vmem_shared>> -> memref<10240x128xf32, #tpu.memory_space<vmem_shared>>
    tpu.enqueue_indirect_dma source(%arg18 : memref<80x128xf32, #tpu.memory_space<vmem>>) target(%dma_start3A_93 : memref<10240x128xf32, #tpu.memory_space<vmem_shared>>) offsets(%arg14 : memref<80xi32, #tpu.memory_space<vmem>>) semaphore(%arg29 : memref<!tpu.dma_semaphore, #tpu.memory_space<semaphore_mem>>) {add = true}
    %get3A_94 = arith.constant 0 : index
    %get3A_95 = tpu.vector_load %arg14[%get3A_94] {strides = array<i32>} : memref<80xi32, #tpu.memory_space<vmem>>, vector<16xi32>,
    %get3A_96 = arith.constant 0 : index
    %get3A_97 = tpu.vector_load %arg10[%get3A_96] {strides = array<i32>} : memref<80xi32, #tpu.memory_space<vmem>>, vector<16xi32>,
    %gather3A_98 = tpu.vector_load_idx %arg19[%get3A_95] : memref<10000xf32, #tpu.memory_space<vmem>>[vector<16xi32>], vector<16xf32>,
    tpu.vector_store_idx %arg20[%broadcast_in_dim3A_19, %get3A_97], %gather3A_98 {add = true} : memref<1x10240xf32, #tpu.memory_space<vmem>>[vector<16xi32>, vector<16xi32>], vector<16xf32>,
    %get3A_99 = arith.constant 16 : index
    %get3A_100 = tpu.vector_load %arg14[%get3A_99] {strides = array<i32>} : memref<80xi32, #tpu.memory_space<vmem>>, vector<16xi32>,
    %get3A_101 = arith.constant 16 : index
    %get3A_102 = tpu.vector_load %arg10[%get3A_101] {strides = array<i32>} : memref<80xi32, #tpu.memory_space<vmem>>, vector<16xi32>,
    %gather3A_103 = tpu.vector_load_idx %arg19[%get3A_100] : memref<10000xf32, #tpu.memory_space<vmem>>[vector<16xi32>], vector<16xf32>,
    tpu.vector_store_idx %arg20[%broadcast_in_dim3A_19, %get3A_102], %gather3A_103 {add = true} : memref<1x10240xf32, #tpu.memory_space<vmem>>[vector<16xi32>, vector<16xi32>], vector<16xf32>,
    %get3A_104 = arith.constant 32 : index
    %get3A_105 = tpu.vector_load %arg14[%get3A_104] {strides = array<i32>} : memref<80xi32, #tpu.memory_space<vmem>>, vector<16xi32>,
    %get3A_106 = arith.constant 32 : index
    %get3A_107 = tpu.vector_load %arg10[%get3A_106] {strides = array<i32>} : memref<80xi32, #tpu.memory_space<vmem>>, vector<16xi32>,
    %gather3A_108 = tpu.vector_load_idx %arg19[%get3A_105] : memref<10000xf32, #tpu.memory_space<vmem>>[vector<16xi32>], vector<16xf32>,
    tpu.vector_store_idx %arg20[%broadcast_in_dim3A_19, %get3A_107], %gather3A_108 {add = true} : memref<1x10240xf32, #tpu.memory_space<vmem>>[vector<16xi32>, vector<16xi32>], vector<16xf32>,
    %get3A_109 = arith.constant 48 : index
    %get3A_110 = tpu.vector_load %arg14[%get3A_109] {strides = array<i32>} : memref<80xi32, #tpu.memory_space<vmem>>, vector<16xi32>,
    %get3A_111 = arith.constant 48 : index
    %get3A_112 = tpu.vector_load %arg10[%get3A_111] {strides = array<i32>} : memref<80xi32, #tpu.memory_space<vmem>>, vector<16xi32>,
    %gather3A_113 = tpu.vector_load_idx %arg19[%get3A_110] : memref<10000xf32, #tpu.memory_space<vmem>>[vector<16xi32>], vector<16xf32>,
    tpu.vector_store_idx %arg20[%broadcast_in_dim3A_19, %get3A_112], %gather3A_113 {add = true} : memref<1x10240xf32, #tpu.memory_space<vmem>>[vector<16xi32>, vector<16xi32>], vector<16xf32>,
    %get3A_114 = arith.constant 64 : index
    %get3A_115 = tpu.vector_load %arg14[%get3A_114] {strides = array<i32>} : memref<80xi32, #tpu.memory_space<vmem>>, vector<16xi32>,
    %get3A_116 = arith.constant 64 : index
    %get3A_117 = tpu.vector_load %arg10[%get3A_116] {strides = array<i32>} : memref<80xi32, #tpu.memory_space<vmem>>, vector<16xi32>,
    %gather3A_118 = tpu.vector_load_idx %arg19[%get3A_115] : memref<10000xf32, #tpu.memory_space<vmem>>[vector<16xi32>], vector<16xf32>,
    tpu.vector_store_idx %arg20[%broadcast_in_dim3A_19, %get3A_117], %gather3A_118 {add = true} : memref<1x10240xf32, #tpu.memory_space<vmem>>[vector<16xi32>, vector<16xi32>], vector<16xf32>,
    %add3A_119 = arith.constant 9840 : i32
    %add3A_120 = arith.addi %mul3A_17, %add3A_119 : i32
    %dma_start3A_121 = tpu.memref_slice %arg3[%add3A_120] : memref<320000xi32, #tpu.memory_space<hbm>> -> memref<80xi32, #tpu.memory_space<hbm>>
    %dma_start3A_122 = tpu.memref_slice %arg3[%add3A_120] : memref<320000xi32, #tpu.memory_space<hbm>> -> memref<80xi32, #tpu.memory_space<hbm>>
    tpu.enqueue_dma source(%dma_start3A_122 : memref<80xi32, #tpu.memory_space<hbm>>) target(%arg12 : memref<80xi32, #tpu.memory_space<vmem>>) target_semaphore(%arg25 : memref<!tpu.dma_semaphore, #tpu.memory_space<semaphore_mem>>)
    %dma_start3A_123 = tpu.memref_slice %arg4[%add3A_120] : memref<320000xi32, #tpu.memory_space<hbm>> -> memref<80xi32, #tpu.memory_space<hbm>>
    %dma_start3A_124 = tpu.memref_slice %arg4[%add3A_120] : memref<320000xi32, #tpu.memory_space<hbm>> -> memref<80xi32, #tpu.memory_space<hbm>>
    tpu.enqueue_dma source(%dma_start3A_124 : memref<80xi32, #tpu.memory_space<hbm>>) target(%arg16 : memref<80xi32, #tpu.memory_space<vmem>>) target_semaphore(%arg25 : memref<!tpu.dma_semaphore, #tpu.memory_space<semaphore_mem>>)
    %dma_wait3A_125 = tpu.memref_slice %arg3[%mul3A_17] : memref<320000xi32, #tpu.memory_space<hbm>> -> memref<80xi32, #tpu.memory_space<hbm>>
    %dma_wait3A_126 = tpu.memref_slice %arg3[%mul3A_17] : memref<320000xi32, #tpu.memory_space<hbm>> -> memref<80xi32, #tpu.memory_space<hbm>>
    tpu.wait_dma2 semaphore(%arg25 : memref<!tpu.dma_semaphore, #tpu.memory_space<semaphore_mem>>) src(%dma_wait3A_126 : memref<80xi32, #tpu.memory_space<hbm>>) dst(%arg12 : memref<80xi32, #tpu.memory_space<vmem>>)
    %dma_wait3A_127 = tpu.memref_slice %arg4[%mul3A_17] : memref<320000xi32, #tpu.memory_space<hbm>> -> memref<80xi32, #tpu.memory_space<hbm>>
    %dma_wait3A_128 = tpu.memref_slice %arg4[%mul3A_17] : memref<320000xi32, #tpu.memory_space<hbm>> -> memref<80xi32, #tpu.memory_space<hbm>>
    tpu.wait_dma2 semaphore(%arg25 : memref<!tpu.dma_semaphore, #tpu.memory_space<semaphore_mem>>) src(%dma_wait3A_128 : memref<80xi32, #tpu.memory_space<hbm>>) dst(%arg16 : memref<80xi32, #tpu.memory_space<vmem>>)
    %dma_wait3A_129 = arith.constant 0 : i32
    %dma_wait3A_130 = arith.constant 0 : i32
    %dma_wait3A_131 = tpu.memref_slice %arg21[%dma_wait3A_129, %dma_wait3A_130] : memref<10240x128xf32, #tpu.memory_space<vmem_shared>> -> memref<10240x128xf32, #tpu.memory_space<vmem_shared>>
    tpu.wait_indirect_dma semaphore(%arg29 : memref<!tpu.dma_semaphore, #tpu.memory_space<semaphore_mem>>) src(%arg18 : memref<80x128xf32, #tpu.memory_space<vmem>>) dst(%dma_wait3A_131 : memref<10240x128xf32, #tpu.memory_space<vmem_shared>>)
    %dma_start3A_132 = arith.constant 0 : i32
    %dma_start3A_133 = arith.constant 0 : i32
    %dma_start3A_134 = tpu.memref_slice %arg2[%dma_start3A_132, %dma_start3A_133] : memref<10240x128xf32, #tpu.memory_space<hbm>> -> memref<10240x128xf32, #tpu.memory_space<hbm>>
    tpu.enqueue_indirect_dma source(%dma_start3A_134 : memref<10240x128xf32, #tpu.memory_space<hbm>>) target(%arg18 : memref<80x128xf32, #tpu.memory_space<vmem>>) offsets(%arg12 : memref<80xi32, #tpu.memory_space<vmem>>) semaphore(%arg27 : memref<!tpu.dma_semaphore, #tpu.memory_space<semaphore_mem>>)
    %dma_wait3A_135 = arith.constant 0 : i32
    %dma_wait3A_136 = arith.constant 0 : i32
    %dma_wait3A_137 = tpu.memref_slice %arg2[%dma_wait3A_135, %dma_wait3A_136] : memref<10240x128xf32, #tpu.memory_space<hbm>> -> memref<10240x128xf32, #tpu.memory_space<hbm>>
    tpu.wait_indirect_dma semaphore(%arg26 : memref<!tpu.dma_semaphore, #tpu.memory_space<semaphore_mem>>) src(%dma_wait3A_137 : memref<10240x128xf32, #tpu.memory_space<hbm>>) dst(%arg17 : memref<80x128xf32, #tpu.memory_space<vmem>>)
    %dma_start3A_138 = arith.constant 0 : i32
    %dma_start3A_139 = arith.constant 0 : i32
    %dma_start3A_140 = tpu.memref_slice %arg21[%dma_start3A_138, %dma_start3A_139] : memref<10240x128xf32, #tpu.memory_space<vmem_shared>> -> memref<10240x128xf32, #tpu.memory_space<vmem_shared>>
    tpu.enqueue_indirect_dma source(%arg17 : memref<80x128xf32, #tpu.memory_space<vmem>>) target(%dma_start3A_140 : memref<10240x128xf32, #tpu.memory_space<vmem_shared>>) offsets(%arg15 : memref<80xi32, #tpu.memory_space<vmem>>) semaphore(%arg28 : memref<!tpu.dma_semaphore, #tpu.memory_space<semaphore_mem>>) {add = true}
    %get3A_141 = arith.constant 0 : index
    %get3A_142 = tpu.vector_load %arg15[%get3A_141] {strides = array<i32>} : memref<80xi32, #tpu.memory_space<vmem>>, vector<16xi32>,
    %get3A_143 = arith.constant 0 : index
    %get3A_144 = tpu.vector_load %arg11[%get3A_143] {strides = array<i32>} : memref<80xi32, #tpu.memory_space<vmem>>, vector<16xi32>,
    %gather3A_145 = tpu.vector_load_idx %arg19[%get3A_142] : memref<10000xf32, #tpu.memory_space<vmem>>[vector<16xi32>], vector<16xf32>,
    tpu.vector_store_idx %arg20[%broadcast_in_dim3A_19, %get3A_144], %gather3A_145 {add = true} : memref<1x10240xf32, #tpu.memory_space<vmem>>[vector<16xi32>, vector<16xi32>], vector<16xf32>,
    %get3A_146 = arith.constant 16 : index
    %get3A_147 = tpu.vector_load %arg15[%get3A_146] {strides = array<i32>} : memref<80xi32, #tpu.memory_space<vmem>>, vector<16xi32>,
    %get3A_148 = arith.constant 16 : index
    %get3A_149 = tpu.vector_load %arg11[%get3A_148] {strides = array<i32>} : memref<80xi32, #tpu.memory_space<vmem>>, vector<16xi32>,
    %gather3A_150 = tpu.vector_load_idx %arg19[%get3A_147] : memref<10000xf32, #tpu.memory_space<vmem>>[vector<16xi32>], vector<16xf32>,
    tpu.vector_store_idx %arg20[%broadcast_in_dim3A_19, %get3A_149], %gather3A_150 {add = true} : memref<1x10240xf32, #tpu.memory_space<vmem>>[vector<16xi32>, vector<16xi32>], vector<16xf32>,
    %get3A_151 = arith.constant 32 : index
    %get3A_152 = tpu.vector_load %arg15[%get3A_151] {strides = array<i32>} : memref<80xi32, #tpu.memory_space<vmem>>, vector<16xi32>,
    %get3A_153 = arith.constant 32 : index
    %get3A_154 = tpu.vector_load %arg11[%get3A_153] {strides = array<i32>} : memref<80xi32, #tpu.memory_space<vmem>>, vector<16xi32>,
    %gather3A_155 = tpu.vector_load_idx %arg19[%get3A_152] : memref<10000xf32, #tpu.memory_space<vmem>>[vector<16xi32>], vector<16xf32>,
    tpu.vector_store_idx %arg20[%broadcast_in_dim3A_19, %get3A_154], %gather3A_155 {add = true} : memref<1x10240xf32, #tpu.memory_space<vmem>>[vector<16xi32>, vector<16xi32>], vector<16xf32>,
    %get3A_156 = arith.constant 48 : index
    %get3A_157 = tpu.vector_load %arg15[%get3A_156] {strides = array<i32>} : memref<80xi32, #tpu.memory_space<vmem>>, vector<16xi32>,
    %get3A_158 = arith.constant 48 : index
    %get3A_159 = tpu.vector_load %arg11[%get3A_158] {strides = array<i32>} : memref<80xi32, #tpu.memory_space<vmem>>, vector<16xi32>,
    %gather3A_160 = tpu.vector_load_idx %arg19[%get3A_157] : memref<10000xf32, #tpu.memory_space<vmem>>[vector<16xi32>], vector<16xf32>,
    tpu.vector_store_idx %arg20[%broadcast_in_dim3A_19, %get3A_159], %gather3A_160 {add = true} : memref<1x10240xf32, #tpu.memory_space<vmem>>[vector<16xi32>, vector<16xi32>], vector<16xf32>,
    %get3A_161 = arith.constant 64 : index
    %get3A_162 = tpu.vector_load %arg15[%get3A_161] {strides = array<i32>} : memref<80xi32, #tpu.memory_space<vmem>>, vector<16xi32>,
    %get3A_163 = arith.constant 64 : index
    %get3A_164 = tpu.vector_load %arg11[%get3A_163] {strides = array<i32>} : memref<80xi32, #tpu.memory_space<vmem>>, vector<16xi32>,
    %gather3A_165 = tpu.vector_load_idx %arg19[%get3A_162] : memref<10000xf32, #tpu.memory_space<vmem>>[vector<16xi32>], vector<16xf32>,
    tpu.vector_store_idx %arg20[%broadcast_in_dim3A_19, %get3A_164], %gather3A_165 {add = true} : memref<1x10240xf32, #tpu.memory_space<vmem>>[vector<16xi32>, vector<16xi32>], vector<16xf32>,
    %add3A_166 = arith.constant 9920 : i32
    %add3A_167 = arith.addi %mul3A_17, %add3A_166 : i32
    %dma_start3A_168 = tpu.memref_slice %arg3[%add3A_167] : memref<320000xi32, #tpu.memory_space<hbm>> -> memref<80xi32, #tpu.memory_space<hbm>>
    %dma_start3A_169 = tpu.memref_slice %arg3[%add3A_167] : memref<320000xi32, #tpu.memory_space<hbm>> -> memref<80xi32, #tpu.memory_space<hbm>>
    tpu.enqueue_dma source(%dma_start3A_169 : memref<80xi32, #tpu.memory_space<hbm>>) target(%arg9 : memref<80xi32, #tpu.memory_space<vmem>>) target_semaphore(%arg22 : memref<!tpu.dma_semaphore, #tpu.memory_space<semaphore_mem>>)
    %dma_start3A_170 = tpu.memref_slice %arg4[%add3A_167] : memref<320000xi32, #tpu.memory_space<hbm>> -> memref<80xi32, #tpu.memory_space<hbm>>
    %dma_start3A_171 = tpu.memref_slice %arg4[%add3A_167] : memref<320000xi32, #tpu.memory_space<hbm>> -> memref<80xi32, #tpu.memory_space<hbm>>
    tpu.enqueue_dma source(%dma_start3A_171 : memref<80xi32, #tpu.memory_space<hbm>>) target(%arg13 : memref<80xi32, #tpu.memory_space<vmem>>) target_semaphore(%arg22 : memref<!tpu.dma_semaphore, #tpu.memory_space<semaphore_mem>>)
    %dma_wait3A_172 = tpu.memref_slice %arg3[%mul3A_17] : memref<320000xi32, #tpu.memory_space<hbm>> -> memref<80xi32, #tpu.memory_space<hbm>>
    %dma_wait3A_173 = tpu.memref_slice %arg3[%mul3A_17] : memref<320000xi32, #tpu.memory_space<hbm>> -> memref<80xi32, #tpu.memory_space<hbm>>
    tpu.wait_dma2 semaphore(%arg22 : memref<!tpu.dma_semaphore, #tpu.memory_space<semaphore_mem>>) src(%dma_wait3A_173 : memref<80xi32, #tpu.memory_space<hbm>>) dst(%arg9 : memref<80xi32, #tpu.memory_space<vmem>>)
    %dma_wait3A_174 = tpu.memref_slice %arg4[%mul3A_17] : memref<320000xi32, #tpu.memory_space<hbm>> -> memref<80xi32, #tpu.memory_space<hbm>>
    %dma_wait3A_175 = tpu.memref_slice %arg4[%mul3A_17] : memref<320000xi32, #tpu.memory_space<hbm>> -> memref<80xi32, #tpu.memory_space<hbm>>
    tpu.wait_dma2 semaphore(%arg22 : memref<!tpu.dma_semaphore, #tpu.memory_space<semaphore_mem>>) src(%dma_wait3A_175 : memref<80xi32, #tpu.memory_space<hbm>>) dst(%arg13 : memref<80xi32, #tpu.memory_space<vmem>>)
    %dma_wait3A_176 = arith.constant 0 : i32
    %dma_wait3A_177 = arith.constant 0 : i32
    %dma_wait3A_178 = tpu.memref_slice %arg21[%dma_wait3A_176, %dma_wait3A_177] : memref<10240x128xf32, #tpu.memory_space<vmem_shared>> -> memref<10240x128xf32, #tpu.memory_space<vmem_shared>>
    tpu.wait_indirect_dma semaphore(%arg28 : memref<!tpu.dma_semaphore, #tpu.memory_space<semaphore_mem>>) src(%arg17 : memref<80x128xf32, #tpu.memory_space<vmem>>) dst(%dma_wait3A_178 : memref<10240x128xf32, #tpu.memory_space<vmem_shared>>)
    %dma_start3A_179 = arith.constant 0 : i32
    %dma_start3A_180 = arith.constant 0 : i32
    %dma_start3A_181 = tpu.memref_slice %arg2[%dma_start3A_179, %dma_start3A_180] : memref<10240x128xf32, #tpu.memory_space<hbm>> -> memref<10240x128xf32, #tpu.memory_space<hbm>>
    tpu.enqueue_indirect_dma source(%dma_start3A_181 : memref<10240x128xf32, #tpu.memory_space<hbm>>) target(%arg17 : memref<80x128xf32, #tpu.memory_space<vmem>>) offsets(%arg9 : memref<80xi32, #tpu.memory_space<vmem>>) semaphore(%arg26 : memref<!tpu.dma_semaphore, #tpu.memory_space<semaphore_mem>>)
    %dma_wait3A_182 = arith.constant 0 : i32
    %dma_wait3A_183 = arith.constant 0 : i32
    %dma_wait3A_184 = tpu.memref_slice %arg2[%dma_wait3A_182, %dma_wait3A_183] : memref<10240x128xf32, #tpu.memory_space<hbm>> -> memref<10240x128xf32, #tpu.memory_space<hbm>>
    tpu.wait_indirect_dma semaphore(%arg27 : memref<!tpu.dma_semaphore, #tpu.memory_space<semaphore_mem>>) src(%dma_wait3A_184 : memref<10240x128xf32, #tpu.memory_space<hbm>>) dst(%arg18 : memref<80x128xf32, #tpu.memory_space<vmem>>)
    %dma_start3A_185 = arith.constant 0 : i32
    %dma_start3A_186 = arith.constant 0 : i32
    %dma_start3A_187 = tpu.memref_slice %arg21[%dma_start3A_185, %dma_start3A_186] : memref<10240x128xf32, #tpu.memory_space<vmem_shared>> -> memref<10240x128xf32, #tpu.memory_space<vmem_shared>>
    tpu.enqueue_indirect_dma source(%arg18 : memref<80x128xf32, #tpu.memory_space<vmem>>) target(%dma_start3A_187 : memref<10240x128xf32, #tpu.memory_space<vmem_shared>>) offsets(%arg16 : memref<80xi32, #tpu.memory_space<vmem>>) semaphore(%arg29 : memref<!tpu.dma_semaphore, #tpu.memory_space<semaphore_mem>>) {add = true}
    %get3A_188 = arith.constant 0 : index
    %get3A_189 = tpu.vector_load %arg16[%get3A_188] {strides = array<i32>} : memref<80xi32, #tpu.memory_space<vmem>>, vector<16xi32>,
    %get3A_190 = arith.constant 0 : index
    %get3A_191 = tpu.vector_load %arg12[%get3A_190] {strides = array<i32>} : memref<80xi32, #tpu.memory_space<vmem>>, vector<16xi32>,
    %gather3A_192 = tpu.vector_load_idx %arg19[%get3A_189] : memref<10000xf32, #tpu.memory_space<vmem>>[vector<16xi32>], vector<16xf32>,
    tpu.vector_store_idx %arg20[%broadcast_in_dim3A_19, %get3A_191], %gather3A_192 {add = true} : memref<1x10240xf32, #tpu.memory_space<vmem>>[vector<16xi32>, vector<16xi32>], vector<16xf32>,
    %get3A_193 = arith.constant 16 : index
    %get3A_194 = tpu.vector_load %arg16[%get3A_193] {strides = array<i32>} : memref<80xi32, #tpu.memory_space<vmem>>, vector<16xi32>,
    %get3A_195 = arith.constant 16 : index
    %get3A_196 = tpu.vector_load %arg12[%get3A_195] {strides = array<i32>} : memref<80xi32, #tpu.memory_space<vmem>>, vector<16xi32>,
    %gather3A_197 = tpu.vector_load_idx %arg19[%get3A_194] : memref<10000xf32, #tpu.memory_space<vmem>>[vector<16xi32>], vector<16xf32>,
    tpu.vector_store_idx %arg20[%broadcast_in_dim3A_19, %get3A_196], %gather3A_197 {add = true} : memref<1x10240xf32, #tpu.memory_space<vmem>>[vector<16xi32>, vector<16xi32>], vector<16xf32>,
    %get3A_198 = arith.constant 32 : index
    %get3A_199 = tpu.vector_load %arg16[%get3A_198] {strides = array<i32>} : memref<80xi32, #tpu.memory_space<vmem>>, vector<16xi32>,
    %get3A_200 = arith.constant 32 : index
    %get3A_201 = tpu.vector_load %arg12[%get3A_200] {strides = array<i32>} : memref<80xi32, #tpu.memory_space<vmem>>, vector<16xi32>,
    %gather3A_202 = tpu.vector_load_idx %arg19[%get3A_199] : memref<10000xf32, #tpu.memory_space<vmem>>[vector<16xi32>], vector<16xf32>,
    tpu.vector_store_idx %arg20[%broadcast_in_dim3A_19, %get3A_201], %gather3A_202 {add = true} : memref<1x10240xf32, #tpu.memory_space<vmem>>[vector<16xi32>, vector<16xi32>], vector<16xf32>,
    %get3A_203 = arith.constant 48 : index
    %get3A_204 = tpu.vector_load %arg16[%get3A_203] {strides = array<i32>} : memref<80xi32, #tpu.memory_space<vmem>>, vector<16xi32>,
    %get3A_205 = arith.constant 48 : index
    %get3A_206 = tpu.vector_load %arg12[%get3A_205] {strides = array<i32>} : memref<80xi32, #tpu.memory_space<vmem>>, vector<16xi32>,
    %gather3A_207 = tpu.vector_load_idx %arg19[%get3A_204] : memref<10000xf32, #tpu.memory_space<vmem>>[vector<16xi32>], vector<16xf32>,
    tpu.vector_store_idx %arg20[%broadcast_in_dim3A_19, %get3A_206], %gather3A_207 {add = true} : memref<1x10240xf32, #tpu.memory_space<vmem>>[vector<16xi32>, vector<16xi32>], vector<16xf32>,
    %get3A_208 = arith.constant 64 : index
    %get3A_209 = tpu.vector_load %arg16[%get3A_208] {strides = array<i32>} : memref<80xi32, #tpu.memory_space<vmem>>, vector<16xi32>,
    %get3A_210 = arith.constant 64 : index
    %get3A_211 = tpu.vector_load %arg12[%get3A_210] {strides = array<i32>} : memref<80xi32, #tpu.memory_space<vmem>>, vector<16xi32>,
    %gather3A_212 = tpu.vector_load_idx %arg19[%get3A_209] : memref<10000xf32, #tpu.memory_space<vmem>>[vector<16xi32>], vector<16xf32>,
    tpu.vector_store_idx %arg20[%broadcast_in_dim3A_19, %get3A_211], %gather3A_212 {add = true} : memref<1x10240xf32, #tpu.memory_space<vmem>>[vector<16xi32>, vector<16xi32>], vector<16xf32>,
    %dma_wait3A_213 = arith.constant 0 : i32
    %dma_wait3A_214 = arith.constant 0 : i32
    %dma_wait3A_215 = tpu.memref_slice %arg2[%dma_wait3A_213, %dma_wait3A_214] : memref<10240x128xf32, #tpu.memory_space<hbm>> -> memref<10240x128xf32, #tpu.memory_space<hbm>>
    tpu.wait_indirect_dma semaphore(%arg26 : memref<!tpu.dma_semaphore, #tpu.memory_space<semaphore_mem>>) src(%dma_wait3A_215 : memref<10240x128xf32, #tpu.memory_space<hbm>>) dst(%arg17 : memref<80x128xf32, #tpu.memory_space<vmem>>)
    %dma_start3A_216 = arith.constant 0 : i32
    %dma_start3A_217 = arith.constant 0 : i32
    %dma_start3A_218 = tpu.memref_slice %arg21[%dma_start3A_216, %dma_start3A_217] : memref<10240x128xf32, #tpu.memory_space<vmem_shared>> -> memref<10240x128xf32, #tpu.memory_space<vmem_shared>>
    tpu.enqueue_indirect_dma source(%arg17 : memref<80x128xf32, #tpu.memory_space<vmem>>) target(%dma_start3A_218 : memref<10240x128xf32, #tpu.memory_space<vmem_shared>>) offsets(%arg13 : memref<80xi32, #tpu.memory_space<vmem>>) semaphore(%arg28 : memref<!tpu.dma_semaphore, #tpu.memory_space<semaphore_mem>>) {add = true}
    %get3A_219 = arith.constant 0 : index
    %get3A_220 = tpu.vector_load %arg13[%get3A_219] {strides = array<i32>} : memref<80xi32, #tpu.memory_space<vmem>>, vector<16xi32>,
    %get3A_221 = arith.constant 0 : index
    %get3A_222 = tpu.vector_load %arg9[%get3A_221] {strides = array<i32>} : memref<80xi32, #tpu.memory_space<vmem>>, vector<16xi32>,
    %gather3A_223 = tpu.vector_load_idx %arg19[%get3A_220] : memref<10000xf32, #tpu.memory_space<vmem>>[vector<16xi32>], vector<16xf32>,
    tpu.vector_store_idx %arg20[%broadcast_in_dim3A_19, %get3A_222], %gather3A_223 {add = true} : memref<1x10240xf32, #tpu.memory_space<vmem>>[vector<16xi32>, vector<16xi32>], vector<16xf32>,
    %get3A_224 = arith.constant 16 : index
    %get3A_225 = tpu.vector_load %arg13[%get3A_224] {strides = array<i32>} : memref<80xi32, #tpu.memory_space<vmem>>, vector<16xi32>,
    %get3A_226 = arith.constant 16 : index
    %get3A_227 = tpu.vector_load %arg9[%get3A_226] {strides = array<i32>} : memref<80xi32, #tpu.memory_space<vmem>>, vector<16xi32>,
    %gather3A_228 = tpu.vector_load_idx %arg19[%get3A_225] : memref<10000xf32, #tpu.memory_space<vmem>>[vector<16xi32>], vector<16xf32>,
    tpu.vector_store_idx %arg20[%broadcast_in_dim3A_19, %get3A_227], %gather3A_228 {add = true} : memref<1x10240xf32, #tpu.memory_space<vmem>>[vector<16xi32>, vector<16xi32>], vector<16xf32>,
    %get3A_229 = arith.constant 32 : index
    %get3A_230 = tpu.vector_load %arg13[%get3A_229] {strides = array<i32>} : memref<80xi32, #tpu.memory_space<vmem>>, vector<16xi32>,
    %get3A_231 = arith.constant 32 : index
    %get3A_232 = tpu.vector_load %arg9[%get3A_231] {strides = array<i32>} : memref<80xi32, #tpu.memory_space<vmem>>, vector<16xi32>,
    %gather3A_233 = tpu.vector_load_idx %arg19[%get3A_230] : memref<10000xf32, #tpu.memory_space<vmem>>[vector<16xi32>], vector<16xf32>,
    tpu.vector_store_idx %arg20[%broadcast_in_dim3A_19, %get3A_232], %gather3A_233 {add = true} : memref<1x10240xf32, #tpu.memory_space<vmem>>[vector<16xi32>, vector<16xi32>], vector<16xf32>,
    %get3A_234 = arith.constant 48 : index
    %get3A_235 = tpu.vector_load %arg13[%get3A_234] {strides = array<i32>} : memref<80xi32, #tpu.memory_space<vmem>>, vector<16xi32>,
    %get3A_236 = arith.constant 48 : index
    %get3A_237 = tpu.vector_load %arg9[%get3A_236] {strides = array<i32>} : memref<80xi32, #tpu.memory_space<vmem>>, vector<16xi32>,
    %gather3A_238 = tpu.vector_load_idx %arg19[%get3A_235] : memref<10000xf32, #tpu.memory_space<vmem>>[vector<16xi32>], vector<16xf32>,
    tpu.vector_store_idx %arg20[%broadcast_in_dim3A_19, %get3A_237], %gather3A_238 {add = true} : memref<1x10240xf32, #tpu.memory_space<vmem>>[vector<16xi32>, vector<16xi32>], vector<16xf32>,
    %get3A_239 = arith.constant 64 : index
    %get3A_240 = tpu.vector_load %arg13[%get3A_239] {strides = array<i32>} : memref<80xi32, #tpu.memory_space<vmem>>, vector<16xi32>,
    %get3A_241 = arith.constant 64 : index
    %get3A_242 = tpu.vector_load %arg9[%get3A_241] {strides = array<i32>} : memref<80xi32, #tpu.memory_space<vmem>>, vector<16xi32>,
    %gather3A_243 = tpu.vector_load_idx %arg19[%get3A_240] : memref<10000xf32, #tpu.memory_space<vmem>>[vector<16xi32>], vector<16xf32>,
    tpu.vector_store_idx %arg20[%broadcast_in_dim3A_19, %get3A_242], %gather3A_243 {add = true} : memref<1x10240xf32, #tpu.memory_space<vmem>>[vector<16xi32>, vector<16xi32>], vector<16xf32>,
    %dma_wait3A_244 = arith.constant 0 : i32
    %dma_wait3A_245 = arith.constant 0 : i32
    %dma_wait3A_246 = tpu.memref_slice %arg21[%dma_wait3A_244, %dma_wait3A_245] : memref<10240x128xf32, #tpu.memory_space<vmem_shared>> -> memref<10240x128xf32, #tpu.memory_space<vmem_shared>>
    tpu.wait_indirect_dma semaphore(%arg28 : memref<!tpu.dma_semaphore, #tpu.memory_space<semaphore_mem>>) src(%arg17 : memref<80x128xf32, #tpu.memory_space<vmem>>) dst(%dma_wait3A_246 : memref<10240x128xf32, #tpu.memory_space<vmem_shared>>)
    %dma_wait3A_247 = arith.constant 0 : i32
    %dma_wait3A_248 = arith.constant 0 : i32
    %dma_wait3A_249 = tpu.memref_slice %arg21[%dma_wait3A_247, %dma_wait3A_248] : memref<10240x128xf32, #tpu.memory_space<vmem_shared>> -> memref<10240x128xf32, #tpu.memory_space<vmem_shared>>
    tpu.wait_indirect_dma semaphore(%arg29 : memref<!tpu.dma_semaphore, #tpu.memory_space<semaphore_mem>>) src(%arg18 : memref<80x128xf32, #tpu.memory_space<vmem>>) dst(%dma_wait3A_249 : memref<10240x128xf32, #tpu.memory_space<vmem_shared>>)
    %barrier3A_250 = arith.constant 0 : index
    tpu.barrier barrier_id(%barrier3A_250)
    "tpu.region"() ({
      %run_scoped3A = tpu.sem_alloc : memref<!tpu.dma_semaphore, #tpu.memory_space<semaphore_mem>>
      %dma_start3A_251 = arith.constant 0 : i32
      %dma_start3A_252 = tpu.memref_slice %arg7[%arg0, %mul3A_2, %dma_start3A_251] : memref<2x10240x128xf32, #tpu.memory_space<hbm>> -> memref<1x640x128xf32, #tpu.memory_space<hbm>>
      %dma_start3A_253 = tpu.memref_squeeze %dma_start3A_252 : memref<1x640x128xf32, #tpu.memory_space<hbm>> -> memref<640x128xf32, #tpu.memory_space<hbm>>
      %dma_start3A_254 = arith.constant 0 : i32
      %dma_start3A_255 = tpu.memref_slice %arg21[%mul3A_2, %dma_start3A_254] : memref<10240x128xf32, #tpu.memory_space<vmem_shared>> -> memref<640x128xf32, #tpu.memory_space<vmem_shared>>
      tpu.enqueue_dma source(%dma_start3A_255 : memref<640x128xf32, #tpu.memory_space<vmem_shared>>) target(%dma_start3A_253 : memref<640x128xf32, #tpu.memory_space<hbm>>) target_semaphore(%run_scoped3A : memref<!tpu.dma_semaphore, #tpu.memory_space<semaphore_mem>>)
      %dma_wait3A_256 = arith.constant 0 : i32
      %dma_wait3A_257 = tpu.memref_slice %arg7[%arg0, %mul3A_2, %dma_wait3A_256] : memref<2x10240x128xf32, #tpu.memory_space<hbm>> -> memref<1x640x128xf32, #tpu.memory_space<hbm>>
      %dma_wait3A_258 = tpu.memref_squeeze %dma_wait3A_257 : memref<1x640x128xf32, #tpu.memory_space<hbm>> -> memref<640x128xf32, #tpu.memory_space<hbm>>
      %dma_wait3A_259 = arith.constant 0 : i32
      %dma_wait3A_260 = tpu.memref_slice %arg21[%mul3A_2, %dma_wait3A_259] : memref<10240x128xf32, #tpu.memory_space<vmem_shared>> -> memref<640x128xf32, #tpu.memory_space<vmem_shared>>
      tpu.wait_dma2 semaphore(%run_scoped3A : memref<!tpu.dma_semaphore, #tpu.memory_space<semaphore_mem>>) src(%dma_wait3A_260 : memref<640x128xf32, #tpu.memory_space<vmem_shared>>) dst(%dma_wait3A_258 : memref<640x128xf32, #tpu.memory_space<hbm>>)
      tpu.yield
    }) : () -> ()
    "tpu.region"() ({
      %run_scoped3A = tpu.sem_alloc : memref<!tpu.dma_semaphore, #tpu.memory_space<semaphore_mem>>
      %dma_start3A_251 = arith.constant 0 : i32
      %dma_start3A_252 = arith.constant 0 : i32
      %dma_start3A_253 = tpu.memref_slice %arg8[%add3A, %dma_start3A_251, %dma_start3A_252] : memref<32x1x10240xf32, #tpu.memory_space<hbm>> -> memref<1x1x10240xf32, #tpu.memory_space<hbm>>
      %dma_start3A_254 = tpu.memref_squeeze %dma_start3A_253 : memref<1x1x10240xf32, #tpu.memory_space<hbm>> -> memref<1x10240xf32, #tpu.memory_space<hbm>>
      %dma_start3A_255 = arith.constant 0 : i32
      %dma_start3A_256 = arith.constant 0 : i32
      %dma_start3A_257 = tpu.memref_slice %arg8[%add3A, %dma_start3A_255, %dma_start3A_256] : memref<32x1x10240xf32, #tpu.memory_space<hbm>> -> memref<1x1x10240xf32, #tpu.memory_space<hbm>>
      %dma_start3A_258 = tpu.memref_squeeze %dma_start3A_257 : memref<1x1x10240xf32, #tpu.memory_space<hbm>> -> memref<1x10240xf32, #tpu.memory_space<hbm>>
      tpu.enqueue_dma source(%arg20 : memref<1x10240xf32, #tpu.memory_space<vmem>>) target(%dma_start3A_258 : memref<1x10240xf32, #tpu.memory_space<hbm>>) target_semaphore(%run_scoped3A : memref<!tpu.dma_semaphore, #tpu.memory_space<semaphore_mem>>)
      %dma_wait3A_259 = arith.constant 0 : i32
      %dma_wait3A_260 = arith.constant 0 : i32
      %dma_wait3A_261 = tpu.memref_slice %arg8[%add3A, %dma_wait3A_259, %dma_wait3A_260] : memref<32x1x10240xf32, #tpu.memory_space<hbm>> -> memref<1x1x10240xf32, #tpu.memory_space<hbm>>
      %dma_wait3A_262 = tpu.memref_squeeze %dma_wait3A_261 : memref<1x1x10240xf32, #tpu.memory_space<hbm>> -> memref<1x10240xf32, #tpu.memory_space<hbm>>
      %dma_wait3A_263 = arith.constant 0 : i32
      %dma_wait3A_264 = arith.constant 0 : i32
      %dma_wait3A_265 = tpu.memref_slice %arg8[%add3A, %dma_wait3A_263, %dma_wait3A_264] : memref<32x1x10240xf32, #tpu.memory_space<hbm>> -> memref<1x1x10240xf32, #tpu.memory_space<hbm>>
      %dma_wait3A_266 = tpu.memref_squeeze %dma_wait3A_265 : memref<1x1x10240xf32, #tpu.memory_space<hbm>> -> memref<1x10240xf32, #tpu.memory_space<hbm>>
      tpu.wait_dma2 semaphore(%run_scoped3A : memref<!tpu.dma_semaphore, #tpu.memory_space<semaphore_mem>>) src(%arg20 : memref<1x10240xf32, #tpu.memory_space<vmem>>) dst(%dma_wait3A_266 : memref<1x10240xf32, #tpu.memory_space<hbm>>)
      tpu.yield
    }) : () -> ()
    return
  }
}

#map = affine_map<(d0, d1) -> (0, 0)>
#map1 = affine_map<(d0, d1) -> (0)>
#map2 = affine_map<(d0, d1) -> (0, 0, 0)>
module attributes {stable_mosaic.version = 14 : i64} {
  func.func @_agg_kernel(%arg0: i32, %arg1: i32, %arg2: memref<10240x128xf32, #tpu.memory_space<hbm>>, %arg3: memref<320000xi32, #tpu.memory_space<hbm>>, %arg4: memref<320000xi32, #tpu.memory_space<hbm>>, %arg5: memref<10240x128xf32, #tpu.memory_space<hbm>>, %arg6: memref<2x10240x128xf32, #tpu.memory_space<hbm>>, %arg7: memref<80xi32, #tpu.memory_space<vmem>>, %arg8: memref<80xi32, #tpu.memory_space<vmem>>, %arg9: memref<80xi32, #tpu.memory_space<vmem>>, %arg10: memref<80xi32, #tpu.memory_space<vmem>>, %arg11: memref<80xi32, #tpu.memory_space<vmem>>, %arg12: memref<80xi32, #tpu.memory_space<vmem>>, %arg13: memref<80xi32, #tpu.memory_space<vmem>>, %arg14: memref<80xi32, #tpu.memory_space<vmem>>, %arg15: memref<80x128xf32, #tpu.memory_space<vmem>>, %arg16: memref<80x128xf32, #tpu.memory_space<vmem>>, %arg17: memref<10240x128xf32, #tpu.memory_space<vmem_shared>>, %arg18: memref<!tpu.dma_semaphore, #tpu.memory_space<semaphore_mem>>, %arg19: memref<!tpu.dma_semaphore, #tpu.memory_space<semaphore_mem>>, %arg20: memref<!tpu.dma_semaphore, #tpu.memory_space<semaphore_mem>>, %arg21: memref<!tpu.dma_semaphore, #tpu.memory_space<semaphore_mem>>, %arg22: memref<!tpu.dma_semaphore, #tpu.memory_space<semaphore_mem>>, %arg23: memref<!tpu.dma_semaphore, #tpu.memory_space<semaphore_mem>>, %arg24: memref<!tpu.dma_semaphore, #tpu.memory_space<semaphore_mem>>, %arg25: memref<!tpu.dma_semaphore, #tpu.memory_space<semaphore_mem>>) attributes {dimension_semantics = [#tpu.dimension_semantics<core_parallel>, #tpu.dimension_semantics<subcore_parallel>], iteration_bounds = array<i64: 2, 16>, scalar_prefetch = 0 : i64, scratch_operands = 19 : i64, tpu.core_type = #tpu.core_type<sc_vector_subcore>, window_params = [{transform_indices = #map}, {transform_indices = #map1}, {transform_indices = #map1}, {transform_indices = #map}, {transform_indices = #map2}]} {
    %mul3A = arith.constant 2 : i32
    %mul3A_0 = arith.muli %arg1, %mul3A : i32
    %add3A = arith.addi %mul3A_0, %arg0 : i32
    %mul3A_1 = arith.constant 640 : i32
    %mul3A_2 = arith.muli %arg1, %mul3A_1 : i32
    %eq3A = arith.constant 0 : i32
    %eq3A_3 = arith.cmpi eq, %arg0, %eq3A : i32
    %convert_element_type3A = arith.extui %eq3A_3 : i1 to i32
    %cond3A = arith.constant 0 : i32
    %cond3A_4 = arith.cmpi ne, %convert_element_type3A, %cond3A : i32
    scf.if %cond3A_4 {
      "tpu.region"() ({
        %run_scoped3A = tpu.sem_alloc : memref<!tpu.dma_semaphore, #tpu.memory_space<semaphore_mem>>
        %dma_start3A_118 = arith.constant 0 : i32
        %dma_start3A_119 = tpu.memref_slice %arg17[%mul3A_2, %dma_start3A_118] : memref<10240x128xf32, #tpu.memory_space<vmem_shared>> -> memref<640x128xf32, #tpu.memory_space<vmem_shared>>
        %dma_start3A_120 = arith.constant 0 : i32
        %dma_start3A_121 = tpu.memref_slice %arg2[%mul3A_2, %dma_start3A_120] : memref<10240x128xf32, #tpu.memory_space<hbm>> -> memref<640x128xf32, #tpu.memory_space<hbm>>
        tpu.enqueue_dma source(%dma_start3A_121 : memref<640x128xf32, #tpu.memory_space<hbm>>) target(%dma_start3A_119 : memref<640x128xf32, #tpu.memory_space<vmem_shared>>) target_semaphore(%run_scoped3A : memref<!tpu.dma_semaphore, #tpu.memory_space<semaphore_mem>>)
        %dma_wait3A_122 = arith.constant 0 : i32
        %dma_wait3A_123 = tpu.memref_slice %arg17[%mul3A_2, %dma_wait3A_122] : memref<10240x128xf32, #tpu.memory_space<vmem_shared>> -> memref<640x128xf32, #tpu.memory_space<vmem_shared>>
        %dma_wait3A_124 = arith.constant 0 : i32
        %dma_wait3A_125 = tpu.memref_slice %arg2[%mul3A_2, %dma_wait3A_124] : memref<10240x128xf32, #tpu.memory_space<hbm>> -> memref<640x128xf32, #tpu.memory_space<hbm>>
        tpu.wait_dma2 semaphore(%run_scoped3A : memref<!tpu.dma_semaphore, #tpu.memory_space<semaphore_mem>>) src(%dma_wait3A_125 : memref<640x128xf32, #tpu.memory_space<hbm>>) dst(%dma_wait3A_123 : memref<640x128xf32, #tpu.memory_space<vmem_shared>>)
        tpu.yield
      }) : () -> ()
    } else {
    }
    %ne3A = arith.constant 0 : i32
    %ne3A_5 = arith.cmpi ne, %arg0, %ne3A : i32
    %convert_element_type3A_6 = arith.extui %ne3A_5 : i1 to i32
    %cond3A_7 = arith.constant 0 : i32
    %cond3A_8 = arith.cmpi ne, %convert_element_type3A_6, %cond3A_7 : i32
    scf.if %cond3A_8 {
      "tpu.region"() ({
        %run_scoped3A = tpu.sem_alloc : memref<!tpu.dma_semaphore, #tpu.memory_space<semaphore_mem>>
        %dma_start3A_118 = arith.constant 0 : i32
        %dma_start3A_119 = tpu.memref_slice %arg17[%mul3A_2, %dma_start3A_118] : memref<10240x128xf32, #tpu.memory_space<vmem_shared>> -> memref<640x128xf32, #tpu.memory_space<vmem_shared>>
        %dma_start3A_120 = arith.constant 0 : i32
        %dma_start3A_121 = tpu.memref_slice %arg5[%mul3A_2, %dma_start3A_120] : memref<10240x128xf32, #tpu.memory_space<hbm>> -> memref<640x128xf32, #tpu.memory_space<hbm>>
        tpu.enqueue_dma source(%dma_start3A_121 : memref<640x128xf32, #tpu.memory_space<hbm>>) target(%dma_start3A_119 : memref<640x128xf32, #tpu.memory_space<vmem_shared>>) target_semaphore(%run_scoped3A : memref<!tpu.dma_semaphore, #tpu.memory_space<semaphore_mem>>)
        %dma_wait3A_122 = arith.constant 0 : i32
        %dma_wait3A_123 = tpu.memref_slice %arg17[%mul3A_2, %dma_wait3A_122] : memref<10240x128xf32, #tpu.memory_space<vmem_shared>> -> memref<640x128xf32, #tpu.memory_space<vmem_shared>>
        %dma_wait3A_124 = arith.constant 0 : i32
        %dma_wait3A_125 = tpu.memref_slice %arg5[%mul3A_2, %dma_wait3A_124] : memref<10240x128xf32, #tpu.memory_space<hbm>> -> memref<640x128xf32, #tpu.memory_space<hbm>>
        tpu.wait_dma2 semaphore(%run_scoped3A : memref<!tpu.dma_semaphore, #tpu.memory_space<semaphore_mem>>) src(%dma_wait3A_125 : memref<640x128xf32, #tpu.memory_space<hbm>>) dst(%dma_wait3A_123 : memref<640x128xf32, #tpu.memory_space<vmem_shared>>)
        tpu.yield
      }) : () -> ()
    } else {
    }
    %mul3A_9 = arith.constant 10000 : i32
    %mul3A_10 = arith.muli %add3A, %mul3A_9 : i32
    %barrier3A = arith.constant 0 : index
    tpu.barrier barrier_id(%barrier3A)
    "tpu.region"() ({
      %run_scoped3A = tpu.sem_alloc : memref<!tpu.dma_semaphore, #tpu.memory_space<semaphore_mem>>
      %dma_start3A_118 = tpu.memref_slice %arg3[%mul3A_10] : memref<320000xi32, #tpu.memory_space<hbm>> -> memref<80xi32, #tpu.memory_space<hbm>>
      %dma_start3A_119 = tpu.memref_slice %arg3[%mul3A_10] : memref<320000xi32, #tpu.memory_space<hbm>> -> memref<80xi32, #tpu.memory_space<hbm>>
      tpu.enqueue_dma source(%dma_start3A_119 : memref<80xi32, #tpu.memory_space<hbm>>) target(%arg7 : memref<80xi32, #tpu.memory_space<vmem>>) target_semaphore(%run_scoped3A : memref<!tpu.dma_semaphore, #tpu.memory_space<semaphore_mem>>)
      %dma_wait3A_120 = tpu.memref_slice %arg3[%mul3A_10] : memref<320000xi32, #tpu.memory_space<hbm>> -> memref<80xi32, #tpu.memory_space<hbm>>
      %dma_wait3A_121 = tpu.memref_slice %arg3[%mul3A_10] : memref<320000xi32, #tpu.memory_space<hbm>> -> memref<80xi32, #tpu.memory_space<hbm>>
      tpu.wait_dma2 semaphore(%run_scoped3A : memref<!tpu.dma_semaphore, #tpu.memory_space<semaphore_mem>>) src(%dma_wait3A_121 : memref<80xi32, #tpu.memory_space<hbm>>) dst(%arg7 : memref<80xi32, #tpu.memory_space<vmem>>)
      tpu.yield
    }) : () -> ()
    "tpu.region"() ({
      %run_scoped3A = tpu.sem_alloc : memref<!tpu.dma_semaphore, #tpu.memory_space<semaphore_mem>>
      %dma_start3A_118 = tpu.memref_slice %arg4[%mul3A_10] : memref<320000xi32, #tpu.memory_space<hbm>> -> memref<80xi32, #tpu.memory_space<hbm>>
      %dma_start3A_119 = tpu.memref_slice %arg4[%mul3A_10] : memref<320000xi32, #tpu.memory_space<hbm>> -> memref<80xi32, #tpu.memory_space<hbm>>
      tpu.enqueue_dma source(%dma_start3A_119 : memref<80xi32, #tpu.memory_space<hbm>>) target(%arg11 : memref<80xi32, #tpu.memory_space<vmem>>) target_semaphore(%run_scoped3A : memref<!tpu.dma_semaphore, #tpu.memory_space<semaphore_mem>>)
      %dma_wait3A_120 = tpu.memref_slice %arg4[%mul3A_10] : memref<320000xi32, #tpu.memory_space<hbm>> -> memref<80xi32, #tpu.memory_space<hbm>>
      %dma_wait3A_121 = tpu.memref_slice %arg4[%mul3A_10] : memref<320000xi32, #tpu.memory_space<hbm>> -> memref<80xi32, #tpu.memory_space<hbm>>
      tpu.wait_dma2 semaphore(%run_scoped3A : memref<!tpu.dma_semaphore, #tpu.memory_space<semaphore_mem>>) src(%dma_wait3A_121 : memref<80xi32, #tpu.memory_space<hbm>>) dst(%arg11 : memref<80xi32, #tpu.memory_space<vmem>>)
      tpu.yield
    }) : () -> ()
    %add3A_11 = arith.constant 80 : i32
    %add3A_12 = arith.addi %mul3A_10, %add3A_11 : i32
    %dma_start3A = tpu.memref_slice %arg3[%add3A_12] : memref<320000xi32, #tpu.memory_space<hbm>> -> memref<80xi32, #tpu.memory_space<hbm>>
    %dma_start3A_13 = tpu.memref_slice %arg3[%add3A_12] : memref<320000xi32, #tpu.memory_space<hbm>> -> memref<80xi32, #tpu.memory_space<hbm>>
    tpu.enqueue_dma source(%dma_start3A_13 : memref<80xi32, #tpu.memory_space<hbm>>) target(%arg8 : memref<80xi32, #tpu.memory_space<vmem>>) target_semaphore(%arg19 : memref<!tpu.dma_semaphore, #tpu.memory_space<semaphore_mem>>)
    %add3A_14 = arith.constant 80 : i32
    %add3A_15 = arith.addi %mul3A_10, %add3A_14 : i32
    %dma_start3A_16 = tpu.memref_slice %arg4[%add3A_15] : memref<320000xi32, #tpu.memory_space<hbm>> -> memref<80xi32, #tpu.memory_space<hbm>>
    %dma_start3A_17 = tpu.memref_slice %arg4[%add3A_15] : memref<320000xi32, #tpu.memory_space<hbm>> -> memref<80xi32, #tpu.memory_space<hbm>>
    tpu.enqueue_dma source(%dma_start3A_17 : memref<80xi32, #tpu.memory_space<hbm>>) target(%arg12 : memref<80xi32, #tpu.memory_space<vmem>>) target_semaphore(%arg19 : memref<!tpu.dma_semaphore, #tpu.memory_space<semaphore_mem>>)
    %dma_start3A_18 = arith.constant 0 : i32
    %dma_start3A_19 = arith.constant 0 : i32
    %dma_start3A_20 = tpu.memref_slice %arg2[%dma_start3A_18, %dma_start3A_19] : memref<10240x128xf32, #tpu.memory_space<hbm>> -> memref<10240x128xf32, #tpu.memory_space<hbm>>
    tpu.enqueue_indirect_dma source(%dma_start3A_20 : memref<10240x128xf32, #tpu.memory_space<hbm>>) target(%arg15 : memref<80x128xf32, #tpu.memory_space<vmem>>) offsets(%arg7 : memref<80xi32, #tpu.memory_space<vmem>>) semaphore(%arg22 : memref<!tpu.dma_semaphore, #tpu.memory_space<semaphore_mem>>)
    %dma_wait3A = tpu.memref_slice %arg3[%mul3A_10] : memref<320000xi32, #tpu.memory_space<hbm>> -> memref<80xi32, #tpu.memory_space<hbm>>
    %dma_wait3A_21 = tpu.memref_slice %arg3[%mul3A_10] : memref<320000xi32, #tpu.memory_space<hbm>> -> memref<80xi32, #tpu.memory_space<hbm>>
    tpu.wait_dma2 semaphore(%arg19 : memref<!tpu.dma_semaphore, #tpu.memory_space<semaphore_mem>>) src(%dma_wait3A_21 : memref<80xi32, #tpu.memory_space<hbm>>) dst(%arg8 : memref<80xi32, #tpu.memory_space<vmem>>)
    %dma_wait3A_22 = tpu.memref_slice %arg4[%mul3A_10] : memref<320000xi32, #tpu.memory_space<hbm>> -> memref<80xi32, #tpu.memory_space<hbm>>
    %dma_wait3A_23 = tpu.memref_slice %arg4[%mul3A_10] : memref<320000xi32, #tpu.memory_space<hbm>> -> memref<80xi32, #tpu.memory_space<hbm>>
    tpu.wait_dma2 semaphore(%arg19 : memref<!tpu.dma_semaphore, #tpu.memory_space<semaphore_mem>>) src(%dma_wait3A_23 : memref<80xi32, #tpu.memory_space<hbm>>) dst(%arg12 : memref<80xi32, #tpu.memory_space<vmem>>)
    %dma_start3A_24 = arith.constant 0 : i32
    %dma_start3A_25 = arith.constant 0 : i32
    %dma_start3A_26 = tpu.memref_slice %arg2[%dma_start3A_24, %dma_start3A_25] : memref<10240x128xf32, #tpu.memory_space<hbm>> -> memref<10240x128xf32, #tpu.memory_space<hbm>>
    tpu.enqueue_indirect_dma source(%dma_start3A_26 : memref<10240x128xf32, #tpu.memory_space<hbm>>) target(%arg16 : memref<80x128xf32, #tpu.memory_space<vmem>>) offsets(%arg8 : memref<80xi32, #tpu.memory_space<vmem>>) semaphore(%arg23 : memref<!tpu.dma_semaphore, #tpu.memory_space<semaphore_mem>>)
    %dma_wait3A_27 = arith.constant 0 : i32
    %dma_wait3A_28 = arith.constant 0 : i32
    %dma_wait3A_29 = tpu.memref_slice %arg2[%dma_wait3A_27, %dma_wait3A_28] : memref<10240x128xf32, #tpu.memory_space<hbm>> -> memref<10240x128xf32, #tpu.memory_space<hbm>>
    tpu.wait_indirect_dma semaphore(%arg22 : memref<!tpu.dma_semaphore, #tpu.memory_space<semaphore_mem>>) src(%dma_wait3A_29 : memref<10240x128xf32, #tpu.memory_space<hbm>>) dst(%arg15 : memref<80x128xf32, #tpu.memory_space<vmem>>)
    %dma_start3A_30 = arith.constant 0 : i32
    %dma_start3A_31 = arith.constant 0 : i32
    %dma_start3A_32 = tpu.memref_slice %arg17[%dma_start3A_30, %dma_start3A_31] : memref<10240x128xf32, #tpu.memory_space<vmem_shared>> -> memref<10240x128xf32, #tpu.memory_space<vmem_shared>>
    tpu.enqueue_indirect_dma source(%arg15 : memref<80x128xf32, #tpu.memory_space<vmem>>) target(%dma_start3A_32 : memref<10240x128xf32, #tpu.memory_space<vmem_shared>>) offsets(%arg11 : memref<80xi32, #tpu.memory_space<vmem>>) semaphore(%arg24 : memref<!tpu.dma_semaphore, #tpu.memory_space<semaphore_mem>>) {add = true}
    %add3A_33 = arith.constant 160 : i32
    %add3A_34 = arith.addi %mul3A_10, %add3A_33 : i32
    %dma_start3A_35 = tpu.memref_slice %arg3[%add3A_34] : memref<320000xi32, #tpu.memory_space<hbm>> -> memref<80xi32, #tpu.memory_space<hbm>>
    %dma_start3A_36 = tpu.memref_slice %arg3[%add3A_34] : memref<320000xi32, #tpu.memory_space<hbm>> -> memref<80xi32, #tpu.memory_space<hbm>>
    tpu.enqueue_dma source(%dma_start3A_36 : memref<80xi32, #tpu.memory_space<hbm>>) target(%arg9 : memref<80xi32, #tpu.memory_space<vmem>>) target_semaphore(%arg20 : memref<!tpu.dma_semaphore, #tpu.memory_space<semaphore_mem>>)
    %dma_start3A_37 = tpu.memref_slice %arg4[%add3A_34] : memref<320000xi32, #tpu.memory_space<hbm>> -> memref<80xi32, #tpu.memory_space<hbm>>
    %dma_start3A_38 = tpu.memref_slice %arg4[%add3A_34] : memref<320000xi32, #tpu.memory_space<hbm>> -> memref<80xi32, #tpu.memory_space<hbm>>
    tpu.enqueue_dma source(%dma_start3A_38 : memref<80xi32, #tpu.memory_space<hbm>>) target(%arg13 : memref<80xi32, #tpu.memory_space<vmem>>) target_semaphore(%arg20 : memref<!tpu.dma_semaphore, #tpu.memory_space<semaphore_mem>>)
    %scan3A = arith.constant 0 : i32
    %scan3A_39 = arith.constant 0 : i32
    %scan3A_40 = arith.constant 30 : i32
    %scan3A_41 = arith.addi %scan3A_39, %scan3A_40 : i32
    %scan3A_42 = arith.constant 1 : i32
    %scan3A_43 = scf.for %scan3A_118 = %scan3A_39 to %scan3A_41 step %scan3A_42 iter_args(%scan3A_119 = %scan3A) -> (i32)  : i32 {
      %mul3A_120 = arith.constant 4 : i32
      %mul3A_121 = arith.muli %mul3A_120, %scan3A_118 : i32
      %add3A_122 = arith.constant 1 : i32
      %add3A_123 = arith.addi %mul3A_121, %add3A_122 : i32
      %add3A_124 = arith.constant 0 : i32
      %add3A_125 = arith.addi %add3A_123, %add3A_124 : i32
      %dma_wait3A_126 = tpu.memref_slice %arg3[%mul3A_10] : memref<320000xi32, #tpu.memory_space<hbm>> -> memref<80xi32, #tpu.memory_space<hbm>>
      %dma_wait3A_127 = tpu.memref_slice %arg3[%mul3A_10] : memref<320000xi32, #tpu.memory_space<hbm>> -> memref<80xi32, #tpu.memory_space<hbm>>
      tpu.wait_dma2 semaphore(%arg20 : memref<!tpu.dma_semaphore, #tpu.memory_space<semaphore_mem>>) src(%dma_wait3A_127 : memref<80xi32, #tpu.memory_space<hbm>>) dst(%arg9 : memref<80xi32, #tpu.memory_space<vmem>>)
      %dma_wait3A_128 = tpu.memref_slice %arg4[%mul3A_10] : memref<320000xi32, #tpu.memory_space<hbm>> -> memref<80xi32, #tpu.memory_space<hbm>>
      %dma_wait3A_129 = tpu.memref_slice %arg4[%mul3A_10] : memref<320000xi32, #tpu.memory_space<hbm>> -> memref<80xi32, #tpu.memory_space<hbm>>
      tpu.wait_dma2 semaphore(%arg20 : memref<!tpu.dma_semaphore, #tpu.memory_space<semaphore_mem>>) src(%dma_wait3A_129 : memref<80xi32, #tpu.memory_space<hbm>>) dst(%arg13 : memref<80xi32, #tpu.memory_space<vmem>>)
      %dma_wait3A_130 = arith.constant 0 : i32
      %dma_wait3A_131 = arith.constant 0 : i32
      %dma_wait3A_132 = tpu.memref_slice %arg17[%dma_wait3A_130, %dma_wait3A_131] : memref<10240x128xf32, #tpu.memory_space<vmem_shared>> -> memref<10240x128xf32, #tpu.memory_space<vmem_shared>>
      tpu.wait_indirect_dma semaphore(%arg24 : memref<!tpu.dma_semaphore, #tpu.memory_space<semaphore_mem>>) src(%arg15 : memref<80x128xf32, #tpu.memory_space<vmem>>) dst(%dma_wait3A_132 : memref<10240x128xf32, #tpu.memory_space<vmem_shared>>)
      %dma_start3A_133 = arith.constant 0 : i32
      %dma_start3A_134 = arith.constant 0 : i32
      %dma_start3A_135 = tpu.memref_slice %arg2[%dma_start3A_133, %dma_start3A_134] : memref<10240x128xf32, #tpu.memory_space<hbm>> -> memref<10240x128xf32, #tpu.memory_space<hbm>>
      tpu.enqueue_indirect_dma source(%dma_start3A_135 : memref<10240x128xf32, #tpu.memory_space<hbm>>) target(%arg15 : memref<80x128xf32, #tpu.memory_space<vmem>>) offsets(%arg9 : memref<80xi32, #tpu.memory_space<vmem>>) semaphore(%arg22 : memref<!tpu.dma_semaphore, #tpu.memory_space<semaphore_mem>>)
      %dma_wait3A_136 = arith.constant 0 : i32
      %dma_wait3A_137 = arith.constant 0 : i32
      %dma_wait3A_138 = tpu.memref_slice %arg2[%dma_wait3A_136, %dma_wait3A_137] : memref<10240x128xf32, #tpu.memory_space<hbm>> -> memref<10240x128xf32, #tpu.memory_space<hbm>>
      tpu.wait_indirect_dma semaphore(%arg23 : memref<!tpu.dma_semaphore, #tpu.memory_space<semaphore_mem>>) src(%dma_wait3A_138 : memref<10240x128xf32, #tpu.memory_space<hbm>>) dst(%arg16 : memref<80x128xf32, #tpu.memory_space<vmem>>)
      %dma_start3A_139 = arith.constant 0 : i32
      %dma_start3A_140 = arith.constant 0 : i32
      %dma_start3A_141 = tpu.memref_slice %arg17[%dma_start3A_139, %dma_start3A_140] : memref<10240x128xf32, #tpu.memory_space<vmem_shared>> -> memref<10240x128xf32, #tpu.memory_space<vmem_shared>>
      tpu.enqueue_indirect_dma source(%arg16 : memref<80x128xf32, #tpu.memory_space<vmem>>) target(%dma_start3A_141 : memref<10240x128xf32, #tpu.memory_space<vmem_shared>>) offsets(%arg12 : memref<80xi32, #tpu.memory_space<vmem>>) semaphore(%arg25 : memref<!tpu.dma_semaphore, #tpu.memory_space<semaphore_mem>>) {add = true}
      %add3A_142 = arith.constant 2 : i32
      %add3A_143 = arith.addi %add3A_125, %add3A_142 : i32
      %mul3A_144 = arith.constant 80 : i32
      %mul3A_145 = arith.muli %add3A_143, %mul3A_144 : i32
      %add3A_146 = arith.addi %mul3A_10, %mul3A_145 : i32
      %dma_start3A_147 = tpu.memref_slice %arg3[%add3A_146] : memref<320000xi32, #tpu.memory_space<hbm>> -> memref<80xi32, #tpu.memory_space<hbm>>
      %dma_start3A_148 = tpu.memref_slice %arg3[%add3A_146] : memref<320000xi32, #tpu.memory_space<hbm>> -> memref<80xi32, #tpu.memory_space<hbm>>
      tpu.enqueue_dma source(%dma_start3A_148 : memref<80xi32, #tpu.memory_space<hbm>>) target(%arg10 : memref<80xi32, #tpu.memory_space<vmem>>) target_semaphore(%arg21 : memref<!tpu.dma_semaphore, #tpu.memory_space<semaphore_mem>>)
      %dma_start3A_149 = tpu.memref_slice %arg4[%add3A_146] : memref<320000xi32, #tpu.memory_space<hbm>> -> memref<80xi32, #tpu.memory_space<hbm>>
      %dma_start3A_150 = tpu.memref_slice %arg4[%add3A_146] : memref<320000xi32, #tpu.memory_space<hbm>> -> memref<80xi32, #tpu.memory_space<hbm>>
      tpu.enqueue_dma source(%dma_start3A_150 : memref<80xi32, #tpu.memory_space<hbm>>) target(%arg14 : memref<80xi32, #tpu.memory_space<vmem>>) target_semaphore(%arg21 : memref<!tpu.dma_semaphore, #tpu.memory_space<semaphore_mem>>)
      %mul3A_151 = arith.constant 4 : i32
      %mul3A_152 = arith.muli %mul3A_151, %scan3A_118 : i32
      %add3A_153 = arith.constant 1 : i32
      %add3A_154 = arith.addi %mul3A_152, %add3A_153 : i32
      %add3A_155 = arith.constant 1 : i32
      %add3A_156 = arith.addi %add3A_154, %add3A_155 : i32
      %dma_wait3A_157 = tpu.memref_slice %arg3[%mul3A_10] : memref<320000xi32, #tpu.memory_space<hbm>> -> memref<80xi32, #tpu.memory_space<hbm>>
      %dma_wait3A_158 = tpu.memref_slice %arg3[%mul3A_10] : memref<320000xi32, #tpu.memory_space<hbm>> -> memref<80xi32, #tpu.memory_space<hbm>>
      tpu.wait_dma2 semaphore(%arg21 : memref<!tpu.dma_semaphore, #tpu.memory_space<semaphore_mem>>) src(%dma_wait3A_158 : memref<80xi32, #tpu.memory_space<hbm>>) dst(%arg10 : memref<80xi32, #tpu.memory_space<vmem>>)
      %dma_wait3A_159 = tpu.memref_slice %arg4[%mul3A_10] : memref<320000xi32, #tpu.memory_space<hbm>> -> memref<80xi32, #tpu.memory_space<hbm>>
      %dma_wait3A_160 = tpu.memref_slice %arg4[%mul3A_10] : memref<320000xi32, #tpu.memory_space<hbm>> -> memref<80xi32, #tpu.memory_space<hbm>>
      tpu.wait_dma2 semaphore(%arg21 : memref<!tpu.dma_semaphore, #tpu.memory_space<semaphore_mem>>) src(%dma_wait3A_160 : memref<80xi32, #tpu.memory_space<hbm>>) dst(%arg14 : memref<80xi32, #tpu.memory_space<vmem>>)
      %dma_wait3A_161 = arith.constant 0 : i32
      %dma_wait3A_162 = arith.constant 0 : i32
      %dma_wait3A_163 = tpu.memref_slice %arg17[%dma_wait3A_161, %dma_wait3A_162] : memref<10240x128xf32, #tpu.memory_space<vmem_shared>> -> memref<10240x128xf32, #tpu.memory_space<vmem_shared>>
      tpu.wait_indirect_dma semaphore(%arg25 : memref<!tpu.dma_semaphore, #tpu.memory_space<semaphore_mem>>) src(%arg16 : memref<80x128xf32, #tpu.memory_space<vmem>>) dst(%dma_wait3A_163 : memref<10240x128xf32, #tpu.memory_space<vmem_shared>>)
      %dma_start3A_164 = arith.constant 0 : i32
      %dma_start3A_165 = arith.constant 0 : i32
      %dma_start3A_166 = tpu.memref_slice %arg2[%dma_start3A_164, %dma_start3A_165] : memref<10240x128xf32, #tpu.memory_space<hbm>> -> memref<10240x128xf32, #tpu.memory_space<hbm>>
      tpu.enqueue_indirect_dma source(%dma_start3A_166 : memref<10240x128xf32, #tpu.memory_space<hbm>>) target(%arg16 : memref<80x128xf32, #tpu.memory_space<vmem>>) offsets(%arg10 : memref<80xi32, #tpu.memory_space<vmem>>) semaphore(%arg23 : memref<!tpu.dma_semaphore, #tpu.memory_space<semaphore_mem>>)
      %dma_wait3A_167 = arith.constant 0 : i32
      %dma_wait3A_168 = arith.constant 0 : i32
      %dma_wait3A_169 = tpu.memref_slice %arg2[%dma_wait3A_167, %dma_wait3A_168] : memref<10240x128xf32, #tpu.memory_space<hbm>> -> memref<10240x128xf32, #tpu.memory_space<hbm>>
      tpu.wait_indirect_dma semaphore(%arg22 : memref<!tpu.dma_semaphore, #tpu.memory_space<semaphore_mem>>) src(%dma_wait3A_169 : memref<10240x128xf32, #tpu.memory_space<hbm>>) dst(%arg15 : memref<80x128xf32, #tpu.memory_space<vmem>>)
      %dma_start3A_170 = arith.constant 0 : i32
      %dma_start3A_171 = arith.constant 0 : i32
      %dma_start3A_172 = tpu.memref_slice %arg17[%dma_start3A_170, %dma_start3A_171] : memref<10240x128xf32, #tpu.memory_space<vmem_shared>> -> memref<10240x128xf32, #tpu.memory_space<vmem_shared>>
      tpu.enqueue_indirect_dma source(%arg15 : memref<80x128xf32, #tpu.memory_space<vmem>>) target(%dma_start3A_172 : memref<10240x128xf32, #tpu.memory_space<vmem_shared>>) offsets(%arg13 : memref<80xi32, #tpu.memory_space<vmem>>) semaphore(%arg24 : memref<!tpu.dma_semaphore, #tpu.memory_space<semaphore_mem>>) {add = true}
      %add3A_173 = arith.constant 2 : i32
      %add3A_174 = arith.addi %add3A_156, %add3A_173 : i32
      %mul3A_175 = arith.constant 80 : i32
      %mul3A_176 = arith.muli %add3A_174, %mul3A_175 : i32
      %add3A_177 = arith.addi %mul3A_10, %mul3A_176 : i32
      %dma_start3A_178 = tpu.memref_slice %arg3[%add3A_177] : memref<320000xi32, #tpu.memory_space<hbm>> -> memref<80xi32, #tpu.memory_space<hbm>>
      %dma_start3A_179 = tpu.memref_slice %arg3[%add3A_177] : memref<320000xi32, #tpu.memory_space<hbm>> -> memref<80xi32, #tpu.memory_space<hbm>>
      tpu.enqueue_dma source(%dma_start3A_179 : memref<80xi32, #tpu.memory_space<hbm>>) target(%arg7 : memref<80xi32, #tpu.memory_space<vmem>>) target_semaphore(%arg18 : memref<!tpu.dma_semaphore, #tpu.memory_space<semaphore_mem>>)
      %dma_start3A_180 = tpu.memref_slice %arg4[%add3A_177] : memref<320000xi32, #tpu.memory_space<hbm>> -> memref<80xi32, #tpu.memory_space<hbm>>
      %dma_start3A_181 = tpu.memref_slice %arg4[%add3A_177] : memref<320000xi32, #tpu.memory_space<hbm>> -> memref<80xi32, #tpu.memory_space<hbm>>
      tpu.enqueue_dma source(%dma_start3A_181 : memref<80xi32, #tpu.memory_space<hbm>>) target(%arg11 : memref<80xi32, #tpu.memory_space<vmem>>) target_semaphore(%arg18 : memref<!tpu.dma_semaphore, #tpu.memory_space<semaphore_mem>>)
      %mul3A_182 = arith.constant 4 : i32
      %mul3A_183 = arith.muli %mul3A_182, %scan3A_118 : i32
      %add3A_184 = arith.constant 1 : i32
      %add3A_185 = arith.addi %mul3A_183, %add3A_184 : i32
      %add3A_186 = arith.constant 2 : i32
      %add3A_187 = arith.addi %add3A_185, %add3A_186 : i32
      %dma_wait3A_188 = tpu.memref_slice %arg3[%mul3A_10] : memref<320000xi32, #tpu.memory_space<hbm>> -> memref<80xi32, #tpu.memory_space<hbm>>
      %dma_wait3A_189 = tpu.memref_slice %arg3[%mul3A_10] : memref<320000xi32, #tpu.memory_space<hbm>> -> memref<80xi32, #tpu.memory_space<hbm>>
      tpu.wait_dma2 semaphore(%arg18 : memref<!tpu.dma_semaphore, #tpu.memory_space<semaphore_mem>>) src(%dma_wait3A_189 : memref<80xi32, #tpu.memory_space<hbm>>) dst(%arg7 : memref<80xi32, #tpu.memory_space<vmem>>)
      %dma_wait3A_190 = tpu.memref_slice %arg4[%mul3A_10] : memref<320000xi32, #tpu.memory_space<hbm>> -> memref<80xi32, #tpu.memory_space<hbm>>
      %dma_wait3A_191 = tpu.memref_slice %arg4[%mul3A_10] : memref<320000xi32, #tpu.memory_space<hbm>> -> memref<80xi32, #tpu.memory_space<hbm>>
      tpu.wait_dma2 semaphore(%arg18 : memref<!tpu.dma_semaphore, #tpu.memory_space<semaphore_mem>>) src(%dma_wait3A_191 : memref<80xi32, #tpu.memory_space<hbm>>) dst(%arg11 : memref<80xi32, #tpu.memory_space<vmem>>)
      %dma_wait3A_192 = arith.constant 0 : i32
      %dma_wait3A_193 = arith.constant 0 : i32
      %dma_wait3A_194 = tpu.memref_slice %arg17[%dma_wait3A_192, %dma_wait3A_193] : memref<10240x128xf32, #tpu.memory_space<vmem_shared>> -> memref<10240x128xf32, #tpu.memory_space<vmem_shared>>
      tpu.wait_indirect_dma semaphore(%arg24 : memref<!tpu.dma_semaphore, #tpu.memory_space<semaphore_mem>>) src(%arg15 : memref<80x128xf32, #tpu.memory_space<vmem>>) dst(%dma_wait3A_194 : memref<10240x128xf32, #tpu.memory_space<vmem_shared>>)
      %dma_start3A_195 = arith.constant 0 : i32
      %dma_start3A_196 = arith.constant 0 : i32
      %dma_start3A_197 = tpu.memref_slice %arg2[%dma_start3A_195, %dma_start3A_196] : memref<10240x128xf32, #tpu.memory_space<hbm>> -> memref<10240x128xf32, #tpu.memory_space<hbm>>
      tpu.enqueue_indirect_dma source(%dma_start3A_197 : memref<10240x128xf32, #tpu.memory_space<hbm>>) target(%arg15 : memref<80x128xf32, #tpu.memory_space<vmem>>) offsets(%arg7 : memref<80xi32, #tpu.memory_space<vmem>>) semaphore(%arg22 : memref<!tpu.dma_semaphore, #tpu.memory_space<semaphore_mem>>)
      %dma_wait3A_198 = arith.constant 0 : i32
      %dma_wait3A_199 = arith.constant 0 : i32
      %dma_wait3A_200 = tpu.memref_slice %arg2[%dma_wait3A_198, %dma_wait3A_199] : memref<10240x128xf32, #tpu.memory_space<hbm>> -> memref<10240x128xf32, #tpu.memory_space<hbm>>
      tpu.wait_indirect_dma semaphore(%arg23 : memref<!tpu.dma_semaphore, #tpu.memory_space<semaphore_mem>>) src(%dma_wait3A_200 : memref<10240x128xf32, #tpu.memory_space<hbm>>) dst(%arg16 : memref<80x128xf32, #tpu.memory_space<vmem>>)
      %dma_start3A_201 = arith.constant 0 : i32
      %dma_start3A_202 = arith.constant 0 : i32
      %dma_start3A_203 = tpu.memref_slice %arg17[%dma_start3A_201, %dma_start3A_202] : memref<10240x128xf32, #tpu.memory_space<vmem_shared>> -> memref<10240x128xf32, #tpu.memory_space<vmem_shared>>
      tpu.enqueue_indirect_dma source(%arg16 : memref<80x128xf32, #tpu.memory_space<vmem>>) target(%dma_start3A_203 : memref<10240x128xf32, #tpu.memory_space<vmem_shared>>) offsets(%arg14 : memref<80xi32, #tpu.memory_space<vmem>>) semaphore(%arg25 : memref<!tpu.dma_semaphore, #tpu.memory_space<semaphore_mem>>) {add = true}
      %add3A_204 = arith.constant 2 : i32
      %add3A_205 = arith.addi %add3A_187, %add3A_204 : i32
      %mul3A_206 = arith.constant 80 : i32
      %mul3A_207 = arith.muli %add3A_205, %mul3A_206 : i32
      %add3A_208 = arith.addi %mul3A_10, %mul3A_207 : i32
      %dma_start3A_209 = tpu.memref_slice %arg3[%add3A_208] : memref<320000xi32, #tpu.memory_space<hbm>> -> memref<80xi32, #tpu.memory_space<hbm>>
      %dma_start3A_210 = tpu.memref_slice %arg3[%add3A_208] : memref<320000xi32, #tpu.memory_space<hbm>> -> memref<80xi32, #tpu.memory_space<hbm>>
      tpu.enqueue_dma source(%dma_start3A_210 : memref<80xi32, #tpu.memory_space<hbm>>) target(%arg8 : memref<80xi32, #tpu.memory_space<vmem>>) target_semaphore(%arg19 : memref<!tpu.dma_semaphore, #tpu.memory_space<semaphore_mem>>)
      %dma_start3A_211 = tpu.memref_slice %arg4[%add3A_208] : memref<320000xi32, #tpu.memory_space<hbm>> -> memref<80xi32, #tpu.memory_space<hbm>>
      %dma_start3A_212 = tpu.memref_slice %arg4[%add3A_208] : memref<320000xi32, #tpu.memory_space<hbm>> -> memref<80xi32, #tpu.memory_space<hbm>>
      tpu.enqueue_dma source(%dma_start3A_212 : memref<80xi32, #tpu.memory_space<hbm>>) target(%arg12 : memref<80xi32, #tpu.memory_space<vmem>>) target_semaphore(%arg19 : memref<!tpu.dma_semaphore, #tpu.memory_space<semaphore_mem>>)
      %mul3A_213 = arith.constant 4 : i32
      %mul3A_214 = arith.muli %mul3A_213, %scan3A_118 : i32
      %add3A_215 = arith.constant 1 : i32
      %add3A_216 = arith.addi %mul3A_214, %add3A_215 : i32
      %add3A_217 = arith.constant 3 : i32
      %add3A_218 = arith.addi %add3A_216, %add3A_217 : i32
      %dma_wait3A_219 = tpu.memref_slice %arg3[%mul3A_10] : memref<320000xi32, #tpu.memory_space<hbm>> -> memref<80xi32, #tpu.memory_space<hbm>>
      %dma_wait3A_220 = tpu.memref_slice %arg3[%mul3A_10] : memref<320000xi32, #tpu.memory_space<hbm>> -> memref<80xi32, #tpu.memory_space<hbm>>
      tpu.wait_dma2 semaphore(%arg19 : memref<!tpu.dma_semaphore, #tpu.memory_space<semaphore_mem>>) src(%dma_wait3A_220 : memref<80xi32, #tpu.memory_space<hbm>>) dst(%arg8 : memref<80xi32, #tpu.memory_space<vmem>>)
      %dma_wait3A_221 = tpu.memref_slice %arg4[%mul3A_10] : memref<320000xi32, #tpu.memory_space<hbm>> -> memref<80xi32, #tpu.memory_space<hbm>>
      %dma_wait3A_222 = tpu.memref_slice %arg4[%mul3A_10] : memref<320000xi32, #tpu.memory_space<hbm>> -> memref<80xi32, #tpu.memory_space<hbm>>
      tpu.wait_dma2 semaphore(%arg19 : memref<!tpu.dma_semaphore, #tpu.memory_space<semaphore_mem>>) src(%dma_wait3A_222 : memref<80xi32, #tpu.memory_space<hbm>>) dst(%arg12 : memref<80xi32, #tpu.memory_space<vmem>>)
      %dma_wait3A_223 = arith.constant 0 : i32
      %dma_wait3A_224 = arith.constant 0 : i32
      %dma_wait3A_225 = tpu.memref_slice %arg17[%dma_wait3A_223, %dma_wait3A_224] : memref<10240x128xf32, #tpu.memory_space<vmem_shared>> -> memref<10240x128xf32, #tpu.memory_space<vmem_shared>>
      tpu.wait_indirect_dma semaphore(%arg25 : memref<!tpu.dma_semaphore, #tpu.memory_space<semaphore_mem>>) src(%arg16 : memref<80x128xf32, #tpu.memory_space<vmem>>) dst(%dma_wait3A_225 : memref<10240x128xf32, #tpu.memory_space<vmem_shared>>)
      %dma_start3A_226 = arith.constant 0 : i32
      %dma_start3A_227 = arith.constant 0 : i32
      %dma_start3A_228 = tpu.memref_slice %arg2[%dma_start3A_226, %dma_start3A_227] : memref<10240x128xf32, #tpu.memory_space<hbm>> -> memref<10240x128xf32, #tpu.memory_space<hbm>>
      tpu.enqueue_indirect_dma source(%dma_start3A_228 : memref<10240x128xf32, #tpu.memory_space<hbm>>) target(%arg16 : memref<80x128xf32, #tpu.memory_space<vmem>>) offsets(%arg8 : memref<80xi32, #tpu.memory_space<vmem>>) semaphore(%arg23 : memref<!tpu.dma_semaphore, #tpu.memory_space<semaphore_mem>>)
      %dma_wait3A_229 = arith.constant 0 : i32
      %dma_wait3A_230 = arith.constant 0 : i32
      %dma_wait3A_231 = tpu.memref_slice %arg2[%dma_wait3A_229, %dma_wait3A_230] : memref<10240x128xf32, #tpu.memory_space<hbm>> -> memref<10240x128xf32, #tpu.memory_space<hbm>>
      tpu.wait_indirect_dma semaphore(%arg22 : memref<!tpu.dma_semaphore, #tpu.memory_space<semaphore_mem>>) src(%dma_wait3A_231 : memref<10240x128xf32, #tpu.memory_space<hbm>>) dst(%arg15 : memref<80x128xf32, #tpu.memory_space<vmem>>)
      %dma_start3A_232 = arith.constant 0 : i32
      %dma_start3A_233 = arith.constant 0 : i32
      %dma_start3A_234 = tpu.memref_slice %arg17[%dma_start3A_232, %dma_start3A_233] : memref<10240x128xf32, #tpu.memory_space<vmem_shared>> -> memref<10240x128xf32, #tpu.memory_space<vmem_shared>>
      tpu.enqueue_indirect_dma source(%arg15 : memref<80x128xf32, #tpu.memory_space<vmem>>) target(%dma_start3A_234 : memref<10240x128xf32, #tpu.memory_space<vmem_shared>>) offsets(%arg11 : memref<80xi32, #tpu.memory_space<vmem>>) semaphore(%arg24 : memref<!tpu.dma_semaphore, #tpu.memory_space<semaphore_mem>>) {add = true}
      %add3A_235 = arith.constant 2 : i32
      %add3A_236 = arith.addi %add3A_218, %add3A_235 : i32
      %mul3A_237 = arith.constant 80 : i32
      %mul3A_238 = arith.muli %add3A_236, %mul3A_237 : i32
      %add3A_239 = arith.addi %mul3A_10, %mul3A_238 : i32
      %dma_start3A_240 = tpu.memref_slice %arg3[%add3A_239] : memref<320000xi32, #tpu.memory_space<hbm>> -> memref<80xi32, #tpu.memory_space<hbm>>
      %dma_start3A_241 = tpu.memref_slice %arg3[%add3A_239] : memref<320000xi32, #tpu.memory_space<hbm>> -> memref<80xi32, #tpu.memory_space<hbm>>
      tpu.enqueue_dma source(%dma_start3A_241 : memref<80xi32, #tpu.memory_space<hbm>>) target(%arg9 : memref<80xi32, #tpu.memory_space<vmem>>) target_semaphore(%arg20 : memref<!tpu.dma_semaphore, #tpu.memory_space<semaphore_mem>>)
      %dma_start3A_242 = tpu.memref_slice %arg4[%add3A_239] : memref<320000xi32, #tpu.memory_space<hbm>> -> memref<80xi32, #tpu.memory_space<hbm>>
      %dma_start3A_243 = tpu.memref_slice %arg4[%add3A_239] : memref<320000xi32, #tpu.memory_space<hbm>> -> memref<80xi32, #tpu.memory_space<hbm>>
      tpu.enqueue_dma source(%dma_start3A_243 : memref<80xi32, #tpu.memory_space<hbm>>) target(%arg13 : memref<80xi32, #tpu.memory_space<vmem>>) target_semaphore(%arg20 : memref<!tpu.dma_semaphore, #tpu.memory_space<semaphore_mem>>)
      %scan3A_244 = arith.constant 0 : i32
      scf.yield %scan3A_244 : i32
    }
    %scan3A_44 = arith.constant 30 : i32
    %dma_wait3A_45 = tpu.memref_slice %arg3[%mul3A_10] : memref<320000xi32, #tpu.memory_space<hbm>> -> memref<80xi32, #tpu.memory_space<hbm>>
    %dma_wait3A_46 = tpu.memref_slice %arg3[%mul3A_10] : memref<320000xi32, #tpu.memory_space<hbm>> -> memref<80xi32, #tpu.memory_space<hbm>>
    tpu.wait_dma2 semaphore(%arg20 : memref<!tpu.dma_semaphore, #tpu.memory_space<semaphore_mem>>) src(%dma_wait3A_46 : memref<80xi32, #tpu.memory_space<hbm>>) dst(%arg9 : memref<80xi32, #tpu.memory_space<vmem>>)
    %dma_wait3A_47 = tpu.memref_slice %arg4[%mul3A_10] : memref<320000xi32, #tpu.memory_space<hbm>> -> memref<80xi32, #tpu.memory_space<hbm>>
    %dma_wait3A_48 = tpu.memref_slice %arg4[%mul3A_10] : memref<320000xi32, #tpu.memory_space<hbm>> -> memref<80xi32, #tpu.memory_space<hbm>>
    tpu.wait_dma2 semaphore(%arg20 : memref<!tpu.dma_semaphore, #tpu.memory_space<semaphore_mem>>) src(%dma_wait3A_48 : memref<80xi32, #tpu.memory_space<hbm>>) dst(%arg13 : memref<80xi32, #tpu.memory_space<vmem>>)
    %dma_wait3A_49 = arith.constant 0 : i32
    %dma_wait3A_50 = arith.constant 0 : i32
    %dma_wait3A_51 = tpu.memref_slice %arg17[%dma_wait3A_49, %dma_wait3A_50] : memref<10240x128xf32, #tpu.memory_space<vmem_shared>> -> memref<10240x128xf32, #tpu.memory_space<vmem_shared>>
    tpu.wait_indirect_dma semaphore(%arg24 : memref<!tpu.dma_semaphore, #tpu.memory_space<semaphore_mem>>) src(%arg15 : memref<80x128xf32, #tpu.memory_space<vmem>>) dst(%dma_wait3A_51 : memref<10240x128xf32, #tpu.memory_space<vmem_shared>>)
    %dma_start3A_52 = arith.constant 0 : i32
    %dma_start3A_53 = arith.constant 0 : i32
    %dma_start3A_54 = tpu.memref_slice %arg2[%dma_start3A_52, %dma_start3A_53] : memref<10240x128xf32, #tpu.memory_space<hbm>> -> memref<10240x128xf32, #tpu.memory_space<hbm>>
    tpu.enqueue_indirect_dma source(%dma_start3A_54 : memref<10240x128xf32, #tpu.memory_space<hbm>>) target(%arg15 : memref<80x128xf32, #tpu.memory_space<vmem>>) offsets(%arg9 : memref<80xi32, #tpu.memory_space<vmem>>) semaphore(%arg22 : memref<!tpu.dma_semaphore, #tpu.memory_space<semaphore_mem>>)
    %dma_wait3A_55 = arith.constant 0 : i32
    %dma_wait3A_56 = arith.constant 0 : i32
    %dma_wait3A_57 = tpu.memref_slice %arg2[%dma_wait3A_55, %dma_wait3A_56] : memref<10240x128xf32, #tpu.memory_space<hbm>> -> memref<10240x128xf32, #tpu.memory_space<hbm>>
    tpu.wait_indirect_dma semaphore(%arg23 : memref<!tpu.dma_semaphore, #tpu.memory_space<semaphore_mem>>) src(%dma_wait3A_57 : memref<10240x128xf32, #tpu.memory_space<hbm>>) dst(%arg16 : memref<80x128xf32, #tpu.memory_space<vmem>>)
    %dma_start3A_58 = arith.constant 0 : i32
    %dma_start3A_59 = arith.constant 0 : i32
    %dma_start3A_60 = tpu.memref_slice %arg17[%dma_start3A_58, %dma_start3A_59] : memref<10240x128xf32, #tpu.memory_space<vmem_shared>> -> memref<10240x128xf32, #tpu.memory_space<vmem_shared>>
    tpu.enqueue_indirect_dma source(%arg16 : memref<80x128xf32, #tpu.memory_space<vmem>>) target(%dma_start3A_60 : memref<10240x128xf32, #tpu.memory_space<vmem_shared>>) offsets(%arg12 : memref<80xi32, #tpu.memory_space<vmem>>) semaphore(%arg25 : memref<!tpu.dma_semaphore, #tpu.memory_space<semaphore_mem>>) {add = true}
    %add3A_61 = arith.constant 9840 : i32
    %add3A_62 = arith.addi %mul3A_10, %add3A_61 : i32
    %dma_start3A_63 = tpu.memref_slice %arg3[%add3A_62] : memref<320000xi32, #tpu.memory_space<hbm>> -> memref<80xi32, #tpu.memory_space<hbm>>
    %dma_start3A_64 = tpu.memref_slice %arg3[%add3A_62] : memref<320000xi32, #tpu.memory_space<hbm>> -> memref<80xi32, #tpu.memory_space<hbm>>
    tpu.enqueue_dma source(%dma_start3A_64 : memref<80xi32, #tpu.memory_space<hbm>>) target(%arg10 : memref<80xi32, #tpu.memory_space<vmem>>) target_semaphore(%arg21 : memref<!tpu.dma_semaphore, #tpu.memory_space<semaphore_mem>>)
    %dma_start3A_65 = tpu.memref_slice %arg4[%add3A_62] : memref<320000xi32, #tpu.memory_space<hbm>> -> memref<80xi32, #tpu.memory_space<hbm>>
    %dma_start3A_66 = tpu.memref_slice %arg4[%add3A_62] : memref<320000xi32, #tpu.memory_space<hbm>> -> memref<80xi32, #tpu.memory_space<hbm>>
    tpu.enqueue_dma source(%dma_start3A_66 : memref<80xi32, #tpu.memory_space<hbm>>) target(%arg14 : memref<80xi32, #tpu.memory_space<vmem>>) target_semaphore(%arg21 : memref<!tpu.dma_semaphore, #tpu.memory_space<semaphore_mem>>)
    %dma_wait3A_67 = tpu.memref_slice %arg3[%mul3A_10] : memref<320000xi32, #tpu.memory_space<hbm>> -> memref<80xi32, #tpu.memory_space<hbm>>
    %dma_wait3A_68 = tpu.memref_slice %arg3[%mul3A_10] : memref<320000xi32, #tpu.memory_space<hbm>> -> memref<80xi32, #tpu.memory_space<hbm>>
    tpu.wait_dma2 semaphore(%arg21 : memref<!tpu.dma_semaphore, #tpu.memory_space<semaphore_mem>>) src(%dma_wait3A_68 : memref<80xi32, #tpu.memory_space<hbm>>) dst(%arg10 : memref<80xi32, #tpu.memory_space<vmem>>)
    %dma_wait3A_69 = tpu.memref_slice %arg4[%mul3A_10] : memref<320000xi32, #tpu.memory_space<hbm>> -> memref<80xi32, #tpu.memory_space<hbm>>
    %dma_wait3A_70 = tpu.memref_slice %arg4[%mul3A_10] : memref<320000xi32, #tpu.memory_space<hbm>> -> memref<80xi32, #tpu.memory_space<hbm>>
    tpu.wait_dma2 semaphore(%arg21 : memref<!tpu.dma_semaphore, #tpu.memory_space<semaphore_mem>>) src(%dma_wait3A_70 : memref<80xi32, #tpu.memory_space<hbm>>) dst(%arg14 : memref<80xi32, #tpu.memory_space<vmem>>)
    %dma_wait3A_71 = arith.constant 0 : i32
    %dma_wait3A_72 = arith.constant 0 : i32
    %dma_wait3A_73 = tpu.memref_slice %arg17[%dma_wait3A_71, %dma_wait3A_72] : memref<10240x128xf32, #tpu.memory_space<vmem_shared>> -> memref<10240x128xf32, #tpu.memory_space<vmem_shared>>
    tpu.wait_indirect_dma semaphore(%arg25 : memref<!tpu.dma_semaphore, #tpu.memory_space<semaphore_mem>>) src(%arg16 : memref<80x128xf32, #tpu.memory_space<vmem>>) dst(%dma_wait3A_73 : memref<10240x128xf32, #tpu.memory_space<vmem_shared>>)
    %dma_start3A_74 = arith.constant 0 : i32
    %dma_start3A_75 = arith.constant 0 : i32
    %dma_start3A_76 = tpu.memref_slice %arg2[%dma_start3A_74, %dma_start3A_75] : memref<10240x128xf32, #tpu.memory_space<hbm>> -> memref<10240x128xf32, #tpu.memory_space<hbm>>
    tpu.enqueue_indirect_dma source(%dma_start3A_76 : memref<10240x128xf32, #tpu.memory_space<hbm>>) target(%arg16 : memref<80x128xf32, #tpu.memory_space<vmem>>) offsets(%arg10 : memref<80xi32, #tpu.memory_space<vmem>>) semaphore(%arg23 : memref<!tpu.dma_semaphore, #tpu.memory_space<semaphore_mem>>)
    %dma_wait3A_77 = arith.constant 0 : i32
    %dma_wait3A_78 = arith.constant 0 : i32
    %dma_wait3A_79 = tpu.memref_slice %arg2[%dma_wait3A_77, %dma_wait3A_78] : memref<10240x128xf32, #tpu.memory_space<hbm>> -> memref<10240x128xf32, #tpu.memory_space<hbm>>
    tpu.wait_indirect_dma semaphore(%arg22 : memref<!tpu.dma_semaphore, #tpu.memory_space<semaphore_mem>>) src(%dma_wait3A_79 : memref<10240x128xf32, #tpu.memory_space<hbm>>) dst(%arg15 : memref<80x128xf32, #tpu.memory_space<vmem>>)
    %dma_start3A_80 = arith.constant 0 : i32
    %dma_start3A_81 = arith.constant 0 : i32
    %dma_start3A_82 = tpu.memref_slice %arg17[%dma_start3A_80, %dma_start3A_81] : memref<10240x128xf32, #tpu.memory_space<vmem_shared>> -> memref<10240x128xf32, #tpu.memory_space<vmem_shared>>
    tpu.enqueue_indirect_dma source(%arg15 : memref<80x128xf32, #tpu.memory_space<vmem>>) target(%dma_start3A_82 : memref<10240x128xf32, #tpu.memory_space<vmem_shared>>) offsets(%arg13 : memref<80xi32, #tpu.memory_space<vmem>>) semaphore(%arg24 : memref<!tpu.dma_semaphore, #tpu.memory_space<semaphore_mem>>) {add = true}
    %add3A_83 = arith.constant 9920 : i32
    %add3A_84 = arith.addi %mul3A_10, %add3A_83 : i32
    %dma_start3A_85 = tpu.memref_slice %arg3[%add3A_84] : memref<320000xi32, #tpu.memory_space<hbm>> -> memref<80xi32, #tpu.memory_space<hbm>>
    %dma_start3A_86 = tpu.memref_slice %arg3[%add3A_84] : memref<320000xi32, #tpu.memory_space<hbm>> -> memref<80xi32, #tpu.memory_space<hbm>>
    tpu.enqueue_dma source(%dma_start3A_86 : memref<80xi32, #tpu.memory_space<hbm>>) target(%arg7 : memref<80xi32, #tpu.memory_space<vmem>>) target_semaphore(%arg18 : memref<!tpu.dma_semaphore, #tpu.memory_space<semaphore_mem>>)
    %dma_start3A_87 = tpu.memref_slice %arg4[%add3A_84] : memref<320000xi32, #tpu.memory_space<hbm>> -> memref<80xi32, #tpu.memory_space<hbm>>
    %dma_start3A_88 = tpu.memref_slice %arg4[%add3A_84] : memref<320000xi32, #tpu.memory_space<hbm>> -> memref<80xi32, #tpu.memory_space<hbm>>
    tpu.enqueue_dma source(%dma_start3A_88 : memref<80xi32, #tpu.memory_space<hbm>>) target(%arg11 : memref<80xi32, #tpu.memory_space<vmem>>) target_semaphore(%arg18 : memref<!tpu.dma_semaphore, #tpu.memory_space<semaphore_mem>>)
    %dma_wait3A_89 = tpu.memref_slice %arg3[%mul3A_10] : memref<320000xi32, #tpu.memory_space<hbm>> -> memref<80xi32, #tpu.memory_space<hbm>>
    %dma_wait3A_90 = tpu.memref_slice %arg3[%mul3A_10] : memref<320000xi32, #tpu.memory_space<hbm>> -> memref<80xi32, #tpu.memory_space<hbm>>
    tpu.wait_dma2 semaphore(%arg18 : memref<!tpu.dma_semaphore, #tpu.memory_space<semaphore_mem>>) src(%dma_wait3A_90 : memref<80xi32, #tpu.memory_space<hbm>>) dst(%arg7 : memref<80xi32, #tpu.memory_space<vmem>>)
    %dma_wait3A_91 = tpu.memref_slice %arg4[%mul3A_10] : memref<320000xi32, #tpu.memory_space<hbm>> -> memref<80xi32, #tpu.memory_space<hbm>>
    %dma_wait3A_92 = tpu.memref_slice %arg4[%mul3A_10] : memref<320000xi32, #tpu.memory_space<hbm>> -> memref<80xi32, #tpu.memory_space<hbm>>
    tpu.wait_dma2 semaphore(%arg18 : memref<!tpu.dma_semaphore, #tpu.memory_space<semaphore_mem>>) src(%dma_wait3A_92 : memref<80xi32, #tpu.memory_space<hbm>>) dst(%arg11 : memref<80xi32, #tpu.memory_space<vmem>>)
    %dma_wait3A_93 = arith.constant 0 : i32
    %dma_wait3A_94 = arith.constant 0 : i32
    %dma_wait3A_95 = tpu.memref_slice %arg17[%dma_wait3A_93, %dma_wait3A_94] : memref<10240x128xf32, #tpu.memory_space<vmem_shared>> -> memref<10240x128xf32, #tpu.memory_space<vmem_shared>>
    tpu.wait_indirect_dma semaphore(%arg24 : memref<!tpu.dma_semaphore, #tpu.memory_space<semaphore_mem>>) src(%arg15 : memref<80x128xf32, #tpu.memory_space<vmem>>) dst(%dma_wait3A_95 : memref<10240x128xf32, #tpu.memory_space<vmem_shared>>)
    %dma_start3A_96 = arith.constant 0 : i32
    %dma_start3A_97 = arith.constant 0 : i32
    %dma_start3A_98 = tpu.memref_slice %arg2[%dma_start3A_96, %dma_start3A_97] : memref<10240x128xf32, #tpu.memory_space<hbm>> -> memref<10240x128xf32, #tpu.memory_space<hbm>>
    tpu.enqueue_indirect_dma source(%dma_start3A_98 : memref<10240x128xf32, #tpu.memory_space<hbm>>) target(%arg15 : memref<80x128xf32, #tpu.memory_space<vmem>>) offsets(%arg7 : memref<80xi32, #tpu.memory_space<vmem>>) semaphore(%arg22 : memref<!tpu.dma_semaphore, #tpu.memory_space<semaphore_mem>>)
    %dma_wait3A_99 = arith.constant 0 : i32
    %dma_wait3A_100 = arith.constant 0 : i32
    %dma_wait3A_101 = tpu.memref_slice %arg2[%dma_wait3A_99, %dma_wait3A_100] : memref<10240x128xf32, #tpu.memory_space<hbm>> -> memref<10240x128xf32, #tpu.memory_space<hbm>>
    tpu.wait_indirect_dma semaphore(%arg23 : memref<!tpu.dma_semaphore, #tpu.memory_space<semaphore_mem>>) src(%dma_wait3A_101 : memref<10240x128xf32, #tpu.memory_space<hbm>>) dst(%arg16 : memref<80x128xf32, #tpu.memory_space<vmem>>)
    %dma_start3A_102 = arith.constant 0 : i32
    %dma_start3A_103 = arith.constant 0 : i32
    %dma_start3A_104 = tpu.memref_slice %arg17[%dma_start3A_102, %dma_start3A_103] : memref<10240x128xf32, #tpu.memory_space<vmem_shared>> -> memref<10240x128xf32, #tpu.memory_space<vmem_shared>>
    tpu.enqueue_indirect_dma source(%arg16 : memref<80x128xf32, #tpu.memory_space<vmem>>) target(%dma_start3A_104 : memref<10240x128xf32, #tpu.memory_space<vmem_shared>>) offsets(%arg14 : memref<80xi32, #tpu.memory_space<vmem>>) semaphore(%arg25 : memref<!tpu.dma_semaphore, #tpu.memory_space<semaphore_mem>>) {add = true}
    %dma_wait3A_105 = arith.constant 0 : i32
    %dma_wait3A_106 = arith.constant 0 : i32
    %dma_wait3A_107 = tpu.memref_slice %arg2[%dma_wait3A_105, %dma_wait3A_106] : memref<10240x128xf32, #tpu.memory_space<hbm>> -> memref<10240x128xf32, #tpu.memory_space<hbm>>
    tpu.wait_indirect_dma semaphore(%arg22 : memref<!tpu.dma_semaphore, #tpu.memory_space<semaphore_mem>>) src(%dma_wait3A_107 : memref<10240x128xf32, #tpu.memory_space<hbm>>) dst(%arg15 : memref<80x128xf32, #tpu.memory_space<vmem>>)
    %dma_start3A_108 = arith.constant 0 : i32
    %dma_start3A_109 = arith.constant 0 : i32
    %dma_start3A_110 = tpu.memref_slice %arg17[%dma_start3A_108, %dma_start3A_109] : memref<10240x128xf32, #tpu.memory_space<vmem_shared>> -> memref<10240x128xf32, #tpu.memory_space<vmem_shared>>
    tpu.enqueue_indirect_dma source(%arg15 : memref<80x128xf32, #tpu.memory_space<vmem>>) target(%dma_start3A_110 : memref<10240x128xf32, #tpu.memory_space<vmem_shared>>) offsets(%arg11 : memref<80xi32, #tpu.memory_space<vmem>>) semaphore(%arg24 : memref<!tpu.dma_semaphore, #tpu.memory_space<semaphore_mem>>) {add = true}
    %dma_wait3A_111 = arith.constant 0 : i32
    %dma_wait3A_112 = arith.constant 0 : i32
    %dma_wait3A_113 = tpu.memref_slice %arg17[%dma_wait3A_111, %dma_wait3A_112] : memref<10240x128xf32, #tpu.memory_space<vmem_shared>> -> memref<10240x128xf32, #tpu.memory_space<vmem_shared>>
    tpu.wait_indirect_dma semaphore(%arg24 : memref<!tpu.dma_semaphore, #tpu.memory_space<semaphore_mem>>) src(%arg15 : memref<80x128xf32, #tpu.memory_space<vmem>>) dst(%dma_wait3A_113 : memref<10240x128xf32, #tpu.memory_space<vmem_shared>>)
    %dma_wait3A_114 = arith.constant 0 : i32
    %dma_wait3A_115 = arith.constant 0 : i32
    %dma_wait3A_116 = tpu.memref_slice %arg17[%dma_wait3A_114, %dma_wait3A_115] : memref<10240x128xf32, #tpu.memory_space<vmem_shared>> -> memref<10240x128xf32, #tpu.memory_space<vmem_shared>>
    tpu.wait_indirect_dma semaphore(%arg25 : memref<!tpu.dma_semaphore, #tpu.memory_space<semaphore_mem>>) src(%arg16 : memref<80x128xf32, #tpu.memory_space<vmem>>) dst(%dma_wait3A_116 : memref<10240x128xf32, #tpu.memory_space<vmem_shared>>)
    %barrier3A_117 = arith.constant 0 : index
    tpu.barrier barrier_id(%barrier3A_117)
    "tpu.region"() ({
      %run_scoped3A = tpu.sem_alloc : memref<!tpu.dma_semaphore, #tpu.memory_space<semaphore_mem>>
      %dma_start3A_118 = arith.constant 0 : i32
      %dma_start3A_119 = tpu.memref_slice %arg6[%arg0, %mul3A_2, %dma_start3A_118] : memref<2x10240x128xf32, #tpu.memory_space<hbm>> -> memref<1x640x128xf32, #tpu.memory_space<hbm>>
      %dma_start3A_120 = tpu.memref_squeeze %dma_start3A_119 : memref<1x640x128xf32, #tpu.memory_space<hbm>> -> memref<640x128xf32, #tpu.memory_space<hbm>>
      %dma_start3A_121 = arith.constant 0 : i32
      %dma_start3A_122 = tpu.memref_slice %arg17[%mul3A_2, %dma_start3A_121] : memref<10240x128xf32, #tpu.memory_space<vmem_shared>> -> memref<640x128xf32, #tpu.memory_space<vmem_shared>>
      tpu.enqueue_dma source(%dma_start3A_122 : memref<640x128xf32, #tpu.memory_space<vmem_shared>>) target(%dma_start3A_120 : memref<640x128xf32, #tpu.memory_space<hbm>>) target_semaphore(%run_scoped3A : memref<!tpu.dma_semaphore, #tpu.memory_space<semaphore_mem>>)
      %dma_wait3A_123 = arith.constant 0 : i32
      %dma_wait3A_124 = tpu.memref_slice %arg6[%arg0, %mul3A_2, %dma_wait3A_123] : memref<2x10240x128xf32, #tpu.memory_space<hbm>> -> memref<1x640x128xf32, #tpu.memory_space<hbm>>
      %dma_wait3A_125 = tpu.memref_squeeze %dma_wait3A_124 : memref<1x640x128xf32, #tpu.memory_space<hbm>> -> memref<640x128xf32, #tpu.memory_space<hbm>>
      %dma_wait3A_126 = arith.constant 0 : i32
      %dma_wait3A_127 = tpu.memref_slice %arg17[%mul3A_2, %dma_wait3A_126] : memref<10240x128xf32, #tpu.memory_space<vmem_shared>> -> memref<640x128xf32, #tpu.memory_space<vmem_shared>>
      tpu.wait_dma2 semaphore(%run_scoped3A : memref<!tpu.dma_semaphore, #tpu.memory_space<semaphore_mem>>) src(%dma_wait3A_127 : memref<640x128xf32, #tpu.memory_space<vmem_shared>>) dst(%dma_wait3A_125 : memref<640x128xf32, #tpu.memory_space<hbm>>)
      tpu.yield
    }) : () -> ()
    return
  }
}

module attributes {stable_mosaic.version = 14 : i64} {
  func.func @_mm1_body(%arg0: i32, %arg1: memref<640x128xf32, #tpu.memory_space<vmem>>, %arg2: memref<32x640xf32, #tpu.memory_space<vmem>>, %arg3: memref<128x128xf32, #tpu.memory_space<vmem>>, %arg4: memref<640x128xf32, #tpu.memory_space<vmem>>, %arg5: memref<640x1xf32, #tpu.memory_space<vmem>>) attributes {dimension_semantics = [#tpu.dimension_semantics<arbitrary>], iteration_bounds = array<i64: 16>, scalar_prefetch = 0 : i64, scratch_operands = 0 : i64, tpu.core_type = #tpu.core_type<tc>, window_params = [{transform_indices = @transform_0, window_bounds = array<i64: 640, 128>}, {transform_indices = @transform_1, window_bounds = array<i64: 32, 640>}, {pipeline_mode = #tpu.pipeline_mode<synchronous>, transform_indices = @transform_2, window_bounds = array<i64: 128, 128>}, {transform_indices = @transform_3, window_bounds = array<i64: 640, 128>}, {transform_indices = @transform_4, window_bounds = array<i64: 640, 1>}]} {
    %get3A = arith.constant 0 : index
    %get3A_0 = arith.constant 0 : index
    %get3A_1 = vector.load %arg2[%get3A, %get3A_0] : memref<32x640xf32, #tpu.memory_space<vmem>>, vector<32x640xf32>
    %reduce_sum3A = arith.constant dense<0.000000e+00> : vector<640xf32>
    %reduce_sum3A_2 = vector.multi_reduction <add>, %get3A_1, %reduce_sum3A [0] : vector<32x640xf32> to vector<640xf32>
    %add3A = arith.constant 1.000000e+00 : f32
    %add3A_3 = vector.broadcast %add3A : f32 to vector<640xf32>
    %add3A_4 = arith.addf %reduce_sum3A_2, %add3A_3 : vector<640xf32>
    %rsqrt3A = math.rsqrt %add3A_4 : vector<640xf32>
    %broadcast_in_dim3A = vector.shape_cast %rsqrt3A : vector<640xf32> to vector<640x1xf32>
    %get3A_5 = arith.constant 0 : index
    %get3A_6 = arith.constant 0 : index
    %get3A_7 = vector.load %arg1[%get3A_5, %get3A_6] : memref<640x128xf32, #tpu.memory_space<vmem>>, vector<640x128xf32>
    %get3A_8 = arith.constant 0 : index
    %get3A_9 = arith.constant 0 : index
    %get3A_10 = vector.load %arg3[%get3A_8, %get3A_9] : memref<128x128xf32, #tpu.memory_space<vmem>>, vector<128x128xf32>
    %dot_general3A = arith.constant dense<0.000000e+00> : vector<640x128xf32>
    %dot_general3A_11 = tpu.matmul %get3A_7, %get3A_10, %dot_general3A {dimension_numbers = #tpu.dot_dimension_numbers<[1], [0], [0], [1], [0, 0, 1, 1], [], []>, precision = #tpu.contract_precision<fp32>, transpose_lhs_hint = false} : vector<640x128xf32>, vector<128x128xf32>, vector<640x128xf32> -> vector<640x128xf32>
    %mul3A = vector.broadcast %broadcast_in_dim3A : vector<640x1xf32> to vector<640x128xf32>
    %mul3A_12 = arith.mulf %dot_general3A_11, %mul3A : vector<640x128xf32>
    %swap3A = arith.constant 0 : index
    %swap3A_13 = arith.constant 0 : index
    %swap3A_14 = vector.load %arg4[%swap3A, %swap3A_13] : memref<640x128xf32, #tpu.memory_space<vmem>>, vector<640x128xf32>
    tpu.vector_store %arg4[%swap3A, %swap3A_13], %mul3A_12 {strides = array<i32>} : memref<640x128xf32, #tpu.memory_space<vmem>>, vector<640x128xf32>,
    %swap3A_15 = arith.constant 0 : index
    %swap3A_16 = arith.constant 0 : index
    %swap3A_17 = vector.load %arg5[%swap3A_15, %swap3A_16] : memref<640x1xf32, #tpu.memory_space<vmem>>, vector<640x1xf32>
    tpu.vector_store %arg5[%swap3A_15, %swap3A_16], %broadcast_in_dim3A {strides = array<i32>} : memref<640x1xf32, #tpu.memory_space<vmem>>, vector<640x1xf32>,
    return
  }
  func.func @transform_0(%arg0: i32) -> (i32, i32) {
    %c0_i32 = arith.constant 0 : i32
    %c0_i32_0 = arith.constant 0 : i32
    return %arg0, %c0_i32 : i32, i32
  }
  func.func @transform_1(%arg0: i32) -> (i32, i32) {
    %c0_i32 = arith.constant 0 : i32
    %c0_i32_0 = arith.constant 0 : i32
    return %c0_i32, %arg0 : i32, i32
  }
  func.func @transform_2(%arg0: i32) -> (i32, i32) {
    %c0_i32 = arith.constant 0 : i32
    %c0_i32_0 = arith.constant 0 : i32
    %c0_i32_1 = arith.constant 0 : i32
    return %c0_i32, %c0_i32_0 : i32, i32
  }
  func.func @transform_3(%arg0: i32) -> (i32, i32) {
    %c0_i32 = arith.constant 0 : i32
    %c0_i32_0 = arith.constant 0 : i32
    return %arg0, %c0_i32 : i32, i32
  }
  func.func @transform_4(%arg0: i32) -> (i32, i32) {
    %c0_i32 = arith.constant 0 : i32
    %c0_i32_0 = arith.constant 0 : i32
    return %arg0, %c0_i32 : i32, i32
  }
}

module attributes {stable_mosaic.version = 14 : i64} {
  func.func @_mm2_body(%arg0: i32, %arg1: memref<2x640x128xf32, #tpu.memory_space<vmem>>, %arg2: memref<640x1xf32, #tpu.memory_space<vmem>>, %arg3: memref<1x128xf32, #tpu.memory_space<vmem>>, %arg4: memref<128x128xf32, #tpu.memory_space<vmem>>, %arg5: memref<640x128xf32, #tpu.memory_space<vmem>>) attributes {dimension_semantics = [#tpu.dimension_semantics<arbitrary>], iteration_bounds = array<i64: 16>, scalar_prefetch = 0 : i64, scratch_operands = 0 : i64, tpu.core_type = #tpu.core_type<tc>, window_params = [{transform_indices = @transform_0, window_bounds = array<i64: 2, 640, 128>}, {transform_indices = @transform_1, window_bounds = array<i64: 640, 1>}, {pipeline_mode = #tpu.pipeline_mode<synchronous>, transform_indices = @transform_2, window_bounds = array<i64: 1, 128>}, {pipeline_mode = #tpu.pipeline_mode<synchronous>, transform_indices = @transform_3, window_bounds = array<i64: 128, 128>}, {transform_indices = @transform_4, window_bounds = array<i64: 640, 128>}]} {
    %get3A = arith.constant 0 : index
    %get3A_0 = arith.constant 0 : index
    %get3A_1 = vector.load %arg2[%get3A, %get3A_0] : memref<640x1xf32, #tpu.memory_space<vmem>>, vector<640x1xf32>
    %get3A_2 = arith.constant 0 : index
    %get3A_3 = arith.constant 0 : index
    %get3A_4 = arith.constant 0 : index
    %get3A_5 = vector.load %arg1[%get3A_2, %get3A_3, %get3A_4] : memref<2x640x128xf32, #tpu.memory_space<vmem>>, vector<1x640x128xf32>
    %get3A_6 = vector.shape_cast %get3A_5 : vector<1x640x128xf32> to vector<640x128xf32>
    %get3A_7 = arith.constant 1 : index
    %get3A_8 = arith.constant 0 : index
    %get3A_9 = arith.constant 0 : index
    %get3A_10 = vector.load %arg1[%get3A_7, %get3A_8, %get3A_9] : memref<2x640x128xf32, #tpu.memory_space<vmem>>, vector<1x640x128xf32>
    %get3A_11 = vector.shape_cast %get3A_10 : vector<1x640x128xf32> to vector<640x128xf32>
    %add3A = arith.addf %get3A_6, %get3A_11 : vector<640x128xf32>
    %mul3A = vector.broadcast %get3A_1 : vector<640x1xf32> to vector<640x128xf32>
    %mul3A_12 = arith.mulf %add3A, %mul3A : vector<640x128xf32>
    %get3A_13 = arith.constant 0 : index
    %get3A_14 = arith.constant 0 : index
    %get3A_15 = vector.load %arg3[%get3A_13, %get3A_14] : memref<1x128xf32, #tpu.memory_space<vmem>>, vector<1x128xf32>
    %add3A_16 = vector.broadcast %get3A_15 : vector<1x128xf32> to vector<640x128xf32>
    %add3A_17 = arith.addf %mul3A_12, %add3A_16 : vector<640x128xf32>
    %max3A = arith.constant 0.000000e+00 : f32
    %max3A_18 = vector.broadcast %max3A : f32 to vector<640x128xf32>
    %max3A_19 = arith.maximumf %add3A_17, %max3A_18 : vector<640x128xf32>
    %get3A_20 = arith.constant 0 : index
    %get3A_21 = arith.constant 0 : index
    %get3A_22 = vector.load %arg4[%get3A_20, %get3A_21] : memref<128x128xf32, #tpu.memory_space<vmem>>, vector<128x128xf32>
    %dot_general3A = arith.constant dense<0.000000e+00> : vector<640x128xf32>
    %dot_general3A_23 = tpu.matmul %max3A_19, %get3A_22, %dot_general3A {dimension_numbers = #tpu.dot_dimension_numbers<[1], [0], [0], [1], [0, 0, 1, 1], [], []>, precision = #tpu.contract_precision<fp32>, transpose_lhs_hint = false} : vector<640x128xf32>, vector<128x128xf32>, vector<640x128xf32> -> vector<640x128xf32>
    %mul3A_24 = vector.broadcast %get3A_1 : vector<640x1xf32> to vector<640x128xf32>
    %mul3A_25 = arith.mulf %dot_general3A_23, %mul3A_24 : vector<640x128xf32>
    %swap3A = arith.constant 0 : index
    %swap3A_26 = arith.constant 0 : index
    %swap3A_27 = vector.load %arg5[%swap3A, %swap3A_26] : memref<640x128xf32, #tpu.memory_space<vmem>>, vector<640x128xf32>
    tpu.vector_store %arg5[%swap3A, %swap3A_26], %mul3A_25 {strides = array<i32>} : memref<640x128xf32, #tpu.memory_space<vmem>>, vector<640x128xf32>,
    return
  }
  func.func @transform_0(%arg0: i32) -> (i32, i32, i32) {
    %c0_i32 = arith.constant 0 : i32
    %c0_i32_0 = arith.constant 0 : i32
    %c0_i32_1 = arith.constant 0 : i32
    return %c0_i32, %arg0, %c0_i32_0 : i32, i32, i32
  }
  func.func @transform_1(%arg0: i32) -> (i32, i32) {
    %c0_i32 = arith.constant 0 : i32
    %c0_i32_0 = arith.constant 0 : i32
    return %arg0, %c0_i32 : i32, i32
  }
  func.func @transform_2(%arg0: i32) -> (i32, i32) {
    %c0_i32 = arith.constant 0 : i32
    %c0_i32_0 = arith.constant 0 : i32
    %c0_i32_1 = arith.constant 0 : i32
    return %c0_i32, %c0_i32_0 : i32, i32
  }
  func.func @transform_3(%arg0: i32) -> (i32, i32) {
    %c0_i32 = arith.constant 0 : i32
    %c0_i32_0 = arith.constant 0 : i32
    %c0_i32_1 = arith.constant 0 : i32
    return %c0_i32, %c0_i32_0 : i32, i32
  }
  func.func @transform_4(%arg0: i32) -> (i32, i32) {
    %c0_i32 = arith.constant 0 : i32
    %c0_i32_0 = arith.constant 0 : i32
    return %arg0, %c0_i32 : i32, i32
  }
}

module attributes {stable_mosaic.version = 14 : i64} {
  func.func @_final_body(%arg0: i32, %arg1: memref<2x640x128xf32, #tpu.memory_space<vmem>>, %arg2: memref<640x1xf32, #tpu.memory_space<vmem>>, %arg3: memref<1x128xf32, #tpu.memory_space<vmem>>, %arg4: memref<32x640xf32, #tpu.memory_space<vmem>>, %arg5: memref<128x128xf32, #tpu.memory_space<vmem>>, %arg6: memref<128x128xf32, #tpu.memory_space<vmem>>, %arg7: memref<128x1xf32, #tpu.memory_space<vmem>>, %arg8: memref<1x128xf32, #tpu.memory_space<vmem>>, %arg9: memref<1x128xf32, #tpu.memory_space<vmem>>, %arg10: memref<1x1xf32, #tpu.memory_space<vmem>>, %arg11: memref<1x1xf32, #tpu.memory_space<vmem>>, %arg12: memref<1x128xf32, #tpu.memory_space<vmem>>) attributes {dimension_semantics = [#tpu.dimension_semantics<arbitrary>], iteration_bounds = array<i64: 16>, scalar_prefetch = 0 : i64, scratch_operands = 1 : i64, tpu.core_type = #tpu.core_type<tc>, window_params = [{transform_indices = @transform_0, window_bounds = array<i64: 2, 640, 128>}, {transform_indices = @transform_1, window_bounds = array<i64: 640, 1>}, {pipeline_mode = #tpu.pipeline_mode<synchronous>, transform_indices = @transform_2, window_bounds = array<i64: 1, 128>}, {transform_indices = @transform_3, window_bounds = array<i64: 32, 640>}, {pipeline_mode = #tpu.pipeline_mode<synchronous>, transform_indices = @transform_4, window_bounds = array<i64: 128, 128>}, {pipeline_mode = #tpu.pipeline_mode<synchronous>, transform_indices = @transform_5, window_bounds = array<i64: 128, 128>}, {pipeline_mode = #tpu.pipeline_mode<synchronous>, transform_indices = @transform_6, window_bounds = array<i64: 128, 1>}, {pipeline_mode = #tpu.pipeline_mode<synchronous>, transform_indices = @transform_7, window_bounds = array<i64: 1, 128>}, {pipeline_mode = #tpu.pipeline_mode<synchronous>, transform_indices = @transform_8, window_bounds = array<i64: 1, 128>}, {pipeline_mode = #tpu.pipeline_mode<synchronous>, transform_indices = @transform_9, window_bounds = array<i64: 1, 1>}, {pipeline_mode = #tpu.pipeline_mode<synchronous>, transform_indices = @transform_10, window_bounds = array<i64: 1, 1>}]} {
    %get3A = arith.constant 0 : index
    %get3A_0 = arith.constant 0 : index
    %get3A_1 = vector.load %arg2[%get3A, %get3A_0] : memref<640x1xf32, #tpu.memory_space<vmem>>, vector<640x1xf32>
    %get3A_2 = arith.constant 0 : index
    %get3A_3 = arith.constant 0 : index
    %get3A_4 = arith.constant 0 : index
    %get3A_5 = vector.load %arg1[%get3A_2, %get3A_3, %get3A_4] : memref<2x640x128xf32, #tpu.memory_space<vmem>>, vector<1x640x128xf32>
    %get3A_6 = vector.shape_cast %get3A_5 : vector<1x640x128xf32> to vector<640x128xf32>
    %get3A_7 = arith.constant 1 : index
    %get3A_8 = arith.constant 0 : index
    %get3A_9 = arith.constant 0 : index
    %get3A_10 = vector.load %arg1[%get3A_7, %get3A_8, %get3A_9] : memref<2x640x128xf32, #tpu.memory_space<vmem>>, vector<1x640x128xf32>
    %get3A_11 = vector.shape_cast %get3A_10 : vector<1x640x128xf32> to vector<640x128xf32>
    %add3A = arith.addf %get3A_6, %get3A_11 : vector<640x128xf32>
    %mul3A = vector.broadcast %get3A_1 : vector<640x1xf32> to vector<640x128xf32>
    %mul3A_12 = arith.mulf %add3A, %mul3A : vector<640x128xf32>
    %get3A_13 = arith.constant 0 : index
    %get3A_14 = arith.constant 0 : index
    %get3A_15 = vector.load %arg3[%get3A_13, %get3A_14] : memref<1x128xf32, #tpu.memory_space<vmem>>, vector<1x128xf32>
    %add3A_16 = vector.broadcast %get3A_15 : vector<1x128xf32> to vector<640x128xf32>
    %add3A_17 = arith.addf %mul3A_12, %add3A_16 : vector<640x128xf32>
    %max3A = arith.constant 0.000000e+00 : f32
    %max3A_18 = vector.broadcast %max3A : f32 to vector<640x128xf32>
    %max3A_19 = arith.maximumf %add3A_17, %max3A_18 : vector<640x128xf32>
    %get3A_20 = arith.constant 0 : index
    %get3A_21 = arith.constant 0 : index
    %get3A_22 = vector.load %arg4[%get3A_20, %get3A_21] : memref<32x640xf32, #tpu.memory_space<vmem>>, vector<32x640xf32>
    %reduce_sum3A = arith.constant dense<0.000000e+00> : vector<640xf32>
    %reduce_sum3A_23 = vector.multi_reduction <add>, %get3A_22, %reduce_sum3A [0] : vector<32x640xf32> to vector<640xf32>
    %broadcast_in_dim3A = vector.shape_cast %reduce_sum3A_23 : vector<640xf32> to vector<640x1xf32>
    %add3A_24 = arith.addf %get3A_1, %broadcast_in_dim3A : vector<640x1xf32>
    %mul3A_25 = arith.mulf %get3A_1, %add3A_24 : vector<640x1xf32>
    %iota3A = tpu.iota {dimensions = array<i32: 0>} : vector<640x1xi32>
    %mul3A_26 = arith.constant 640 : i32
    %mul3A_27 = arith.muli %arg0, %mul3A_26 : i32
    %add3A_28 = vector.broadcast %mul3A_27 : i32 to vector<640x1xi32>
    %add3A_29 = arith.addi %iota3A, %add3A_28 : vector<640x1xi32>
    %lt3A = arith.constant 10000 : i32
    %lt3A_30 = vector.broadcast %lt3A : i32 to vector<640x1xi32>
    %lt3A_31 = arith.cmpi slt, %add3A_29, %lt3A_30 : vector<640x1xi32>
    %jit3A = arith.constant 0.000000e+00 : f32
    %broadcast_in_dim3A_32 = vector.broadcast %jit3A : f32 to vector<640x1xf32>
    %select_n3A = arith.select %lt3A_31, %mul3A_25, %broadcast_in_dim3A_32 : vector<640x1xi1>, vector<640x1xf32>
    %mul3A_33 = vector.broadcast %select_n3A : vector<640x1xf32> to vector<640x128xf32>
    %mul3A_34 = arith.mulf %mul3A_33, %max3A_19 : vector<640x128xf32>
    %reduce_sum3A_35 = arith.constant dense<0.000000e+00> : vector<128xf32>
    %reduce_sum3A_36 = vector.multi_reduction <add>, %mul3A_34, %reduce_sum3A_35 [0] : vector<640x128xf32> to vector<128xf32>
    %broadcast_in_dim3A_37 = vector.shape_cast %reduce_sum3A_36 : vector<128xf32> to vector<1x128xf32>
    %eq3A = arith.constant 0 : i32
    %eq3A_38 = arith.cmpi eq, %arg0, %eq3A : i32
    %convert_element_type3A = arith.extui %eq3A_38 : i1 to i32
    %cond3A = arith.constant 0 : i32
    %cond3A_39 = arith.cmpi ne, %convert_element_type3A, %cond3A : i32
    scf.if %cond3A_39 {
      %swap3A = arith.constant 0 : index
      %swap3A_49 = arith.constant 0 : index
      %swap3A_50 = vector.load %arg12[%swap3A, %swap3A_49] : memref<1x128xf32, #tpu.memory_space<vmem>>, vector<1x128xf32>
      tpu.vector_store %arg12[%swap3A, %swap3A_49], %broadcast_in_dim3A_37 {strides = array<i32>} : memref<1x128xf32, #tpu.memory_space<vmem>>, vector<1x128xf32>,
    } else {
    }
    %gt3A = arith.constant 0 : i32
    %gt3A_40 = arith.cmpi sgt, %arg0, %gt3A : i32
    %convert_element_type3A_41 = arith.extui %gt3A_40 : i1 to i32
    %cond3A_42 = arith.constant 0 : i32
    %cond3A_43 = arith.cmpi ne, %convert_element_type3A_41, %cond3A_42 : i32
    scf.if %cond3A_43 {
      %get3A_49 = arith.constant 0 : index
      %get3A_50 = arith.constant 0 : index
      %get3A_51 = vector.load %arg12[%get3A_49, %get3A_50] : memref<1x128xf32, #tpu.memory_space<vmem>>, vector<1x128xf32>
      %add3A_52 = arith.addf %get3A_51, %broadcast_in_dim3A_37 : vector<1x128xf32>
      %swap3A = arith.constant 0 : index
      %swap3A_53 = arith.constant 0 : index
      %swap3A_54 = vector.load %arg12[%swap3A, %swap3A_53] : memref<1x128xf32, #tpu.memory_space<vmem>>, vector<1x128xf32>
      tpu.vector_store %arg12[%swap3A, %swap3A_53], %add3A_52 {strides = array<i32>} : memref<1x128xf32, #tpu.memory_space<vmem>>, vector<1x128xf32>,
    } else {
    }
    %eq3A_44 = arith.constant 15 : i32
    %eq3A_45 = arith.cmpi eq, %arg0, %eq3A_44 : i32
    %convert_element_type3A_46 = arith.extui %eq3A_45 : i1 to i32
    %cond3A_47 = arith.constant 0 : i32
    %cond3A_48 = arith.cmpi ne, %convert_element_type3A_46, %cond3A_47 : i32
    scf.if %cond3A_48 {
      %get3A_49 = arith.constant 0 : index
      %get3A_50 = arith.constant 0 : index
      %get3A_51 = vector.load %arg12[%get3A_49, %get3A_50] : memref<1x128xf32, #tpu.memory_space<vmem>>, vector<1x128xf32>
      %get3A_52 = arith.constant 0 : index
      %get3A_53 = arith.constant 0 : index
      %get3A_54 = vector.load %arg5[%get3A_52, %get3A_53] : memref<128x128xf32, #tpu.memory_space<vmem>>, vector<128x128xf32>
      %dot_general3A = arith.constant dense<0.000000e+00> : vector<1x128xf32>
      %dot_general3A_55 = tpu.matmul %get3A_51, %get3A_54, %dot_general3A {dimension_numbers = #tpu.dot_dimension_numbers<[1], [0], [0], [1], [0, 0, 1, 1], [], []>, precision = #tpu.contract_precision<fp32>, transpose_lhs_hint = false} : vector<1x128xf32>, vector<128x128xf32>, vector<1x128xf32> -> vector<1x128xf32>
      %mul3A_56 = arith.constant 9.99999974E-5 : f32
      %mul3A_57 = vector.broadcast %mul3A_56 : f32 to vector<1x128xf32>
      %mul3A_58 = arith.mulf %dot_general3A_55, %mul3A_57 : vector<1x128xf32>
      %get3A_59 = arith.constant 0 : index
      %get3A_60 = arith.constant 0 : index
      %get3A_61 = vector.load %arg8[%get3A_59, %get3A_60] : memref<1x128xf32, #tpu.memory_space<vmem>>, vector<1x128xf32>
      %add3A_62 = arith.addf %mul3A_58, %get3A_61 : vector<1x128xf32>
      %get3A_63 = arith.constant 0 : index
      %get3A_64 = arith.constant 0 : index
      %get3A_65 = vector.load %arg6[%get3A_63, %get3A_64] : memref<128x128xf32, #tpu.memory_space<vmem>>, vector<128x128xf32>
      %dot_general3A_66 = arith.constant dense<0.000000e+00> : vector<1x128xf32>
      %dot_general3A_67 = tpu.matmul %add3A_62, %get3A_65, %dot_general3A_66 {dimension_numbers = #tpu.dot_dimension_numbers<[1], [0], [0], [1], [0, 0, 1, 1], [], []>, precision = #tpu.contract_precision<fp32>, transpose_lhs_hint = false} : vector<1x128xf32>, vector<128x128xf32>, vector<1x128xf32> -> vector<1x128xf32>
      %get3A_68 = arith.constant 0 : index
      %get3A_69 = arith.constant 0 : index
      %get3A_70 = vector.load %arg9[%get3A_68, %get3A_69] : memref<1x128xf32, #tpu.memory_space<vmem>>, vector<1x128xf32>
      %add3A_71 = arith.addf %dot_general3A_67, %get3A_70 : vector<1x128xf32>
      %max3A_72 = arith.constant 0.000000e+00 : f32
      %max3A_73 = vector.broadcast %max3A_72 : f32 to vector<1x128xf32>
      %max3A_74 = arith.maximumf %add3A_71, %max3A_73 : vector<1x128xf32>
      %get3A_75 = arith.constant 0 : index
      %get3A_76 = arith.constant 0 : index
      %get3A_77 = vector.load %arg7[%get3A_75, %get3A_76] : memref<128x1xf32, #tpu.memory_space<vmem>>, vector<128x1xf32>
      %dot_general3A_78 = arith.constant dense<0.000000e+00> : vector<1x1xf32>
      %dot_general3A_79 = tpu.matmul %max3A_74, %get3A_77, %dot_general3A_78 {dimension_numbers = #tpu.dot_dimension_numbers<[1], [0], [0], [1], [0, 0, 1, 1], [], []>, precision = #tpu.contract_precision<fp32>, transpose_lhs_hint = false} : vector<1x128xf32>, vector<128x1xf32>, vector<1x1xf32> -> vector<1x1xf32>
      %get3A_80 = arith.constant 0 : index
      %get3A_81 = arith.constant 0 : index
      %get3A_82 = vector.load %arg10[%get3A_80, %get3A_81] : memref<1x1xf32, #tpu.memory_space<vmem>>, vector<1x1xf32>
      %add3A_83 = arith.addf %dot_general3A_79, %get3A_82 : vector<1x1xf32>
      %swap3A = arith.constant 0 : index
      %swap3A_84 = arith.constant 0 : index
      %swap3A_85 = vector.load %arg11[%swap3A, %swap3A_84] : memref<1x1xf32, #tpu.memory_space<vmem>>, vector<1x1xf32>
      tpu.vector_store %arg11[%swap3A, %swap3A_84], %add3A_83 {strides = array<i32>} : memref<1x1xf32, #tpu.memory_space<vmem>>, vector<1x1xf32>,
    } else {
    }
    return
  }
  func.func @transform_0(%arg0: i32) -> (i32, i32, i32) {
    %c0_i32 = arith.constant 0 : i32
    %c0_i32_0 = arith.constant 0 : i32
    %c0_i32_1 = arith.constant 0 : i32
    return %c0_i32, %arg0, %c0_i32_0 : i32, i32, i32
  }
  func.func @transform_1(%arg0: i32) -> (i32, i32) {
    %c0_i32 = arith.constant 0 : i32
    %c0_i32_0 = arith.constant 0 : i32
    return %arg0, %c0_i32 : i32, i32
  }
  func.func @transform_2(%arg0: i32) -> (i32, i32) {
    %c0_i32 = arith.constant 0 : i32
    %c0_i32_0 = arith.constant 0 : i32
    %c0_i32_1 = arith.constant 0 : i32
    return %c0_i32, %c0_i32_0 : i32, i32
  }
  func.func @transform_3(%arg0: i32) -> (i32, i32) {
    %c0_i32 = arith.constant 0 : i32
    %c0_i32_0 = arith.constant 0 : i32
    return %c0_i32, %arg0 : i32, i32
  }
  func.func @transform_4(%arg0: i32) -> (i32, i32) {
    %c0_i32 = arith.constant 0 : i32
    %c0_i32_0 = arith.constant 0 : i32
    %c0_i32_1 = arith.constant 0 : i32
    return %c0_i32, %c0_i32_0 : i32, i32
  }
  func.func @transform_5(%arg0: i32) -> (i32, i32) {
    %c0_i32 = arith.constant 0 : i32
    %c0_i32_0 = arith.constant 0 : i32
    %c0_i32_1 = arith.constant 0 : i32
    return %c0_i32, %c0_i32_0 : i32, i32
  }
  func.func @transform_6(%arg0: i32) -> (i32, i32) {
    %c0_i32 = arith.constant 0 : i32
    %c0_i32_0 = arith.constant 0 : i32
    %c0_i32_1 = arith.constant 0 : i32
    return %c0_i32, %c0_i32_0 : i32, i32
  }
  func.func @transform_7(%arg0: i32) -> (i32, i32) {
    %c0_i32 = arith.constant 0 : i32
    %c0_i32_0 = arith.constant 0 : i32
    %c0_i32_1 = arith.constant 0 : i32
    return %c0_i32, %c0_i32_0 : i32, i32
  }
  func.func @transform_8(%arg0: i32) -> (i32, i32) {
    %c0_i32 = arith.constant 0 : i32
    %c0_i32_0 = arith.constant 0 : i32
    %c0_i32_1 = arith.constant 0 : i32
    return %c0_i32, %c0_i32_0 : i32, i32
  }
  func.func @transform_9(%arg0: i32) -> (i32, i32) {
    %c0_i32 = arith.constant 0 : i32
    %c0_i32_0 = arith.constant 0 : i32
    %c0_i32_1 = arith.constant 0 : i32
    return %c0_i32, %c0_i32_0 : i32, i32
  }
  func.func @transform_10(%arg0: i32) -> (i32, i32) {
    %c0_i32 = arith.constant 0 : i32
    %c0_i32_0 = arith.constant 0 : i32
    %c0_i32_1 = arith.constant 0 : i32
    return %c0_i32, %c0_i32_0 : i32, i32
  }
}

</mosaic_0001>

<sc_bundles>
// kernel: kernel.11.cloned.1.call-start
scs
__scs_entry_jumppad:
0x0: {  	(pc) =	sbr.rel $0x88, $3  }
0x1: {  	(tag) =	ssettag $0x0;
	lr =	simm.s32 $0x1  }
0x2: {  	[smem:$0x3F95] =	sst lr;
	_ =	strace $0xD0000000  }
0x3: {  	_ = 	snop  }
0x4: {  	_ = 	snop  }
0x5: {  	_ = 	snop  }
0x6: {  	_ = 	snop  }
0x7: {  	_ = 	snop  }
__scs_overlays_trampoline_lowered:
0x8: {  	[smem:$0x3FA4] =	sst s0  }
0x9: {  	[smem:$0x3FA5] =	sst s1  }
0xa: {  	[smem:$0x3FA6] =	sst s2  }
0xb: {  	[smem:$0x3FA7] =	sst s3  }
0xc: {  	[smem:$0x3FA8] =	sst s4  }
0xd: {  	[smem:$0x3FA9] =	sst s5  }
0xe: {  	[smem:$0x3FAA] =	sst s6  }
0xf: {  	[smem:$0x3FAB] =	sst s7  }
0x10: {  	[smem:$0x3FAC] =	sst s8  }
0x11: {  	[smem:$0x3FAD] =	sst s9;
	s0 =	simm.s32 @!p0 $0x0  }
0x12: {  	s1 =	sld [smem:$0x3F93];
	s0 =	simm.s32 @p0 $0x1  }
0x13: {  	[smem:$0x3FAE] =	sst s0;
	s0 =	simm.s32 @!p1 $0x0  }
0x14: {  	s2 =	sld [smem:$0x3F92];
	s0 =	simm.s32 @p1 $0x1  }
0x15: {  	[smem:$0x3FAF] =	sst s0;
	s0 =	simm.s32 @!p2 $0x0  }
0x16: {  	s3 =	sld [smem:$0x3FDB];
	s0 =	simm.s32 @p2 $0x1  }
0x17: {  	s4 =	simm.s32 $0x1BF5;
	[smem:$0x3FB1] =	sst s0  }
0x18: {  	s0 =	sld [smem:$0x3F94];
	_ =	swait.ge [sflag:s4], $0x0  }
0x19: {  	s7 =	sld [smem:$0x3F95]  }
0x1a: {  	s8 =	sadd.s32 $0xFFFFE003, lr  }
0x1b: {  	s9 =	sadd.s32 $0xFFFFFEF7, lr;
	s5 =	simm.s32 $0xFFFFFFFF;
	p2 =	slt.u32 s8, $0xFFFFF086  }
0x1c: {  	p1 =	slt.u32 s9, $0xF7A;
	s5 =	simm.s32 @!p2 $0x0  }
0x1d: {  	s5 =	simm.s32 @p1 $0x1;
	p0 =	seq.s32 s7, s2  }
0x1e: {  	s7 =	smul.u32 @!p0 $0xF7A, s2;
	p2 =	seq.s32 @!p0 s5, $0x0  }
0x1f: {  	s9 =	smul.u32 $0xF7A, s1;
	s8 =	simm.s32 @!p0 $0x1BF5;
	p2 =	por !p2, p0  }
0x20: {  	[sflag:s8] =	ssyncset.s32 @!p0 $0xFFFFF086;
	s6 =	sadd.s32 @!p0 s3, s7;
	s7 =	simm.s32 @!p0 $0x108  }
0x21: {  	s3 =	sadd.s32 s3, s9;
	s6 =	sadd.s32 @!p0 $0x88, s6;
	s7 =	simm.s32 @p2 $0x1082  }
0x22: {  	[simem:s7], [sflag:s8] =	dma.local @!p0 [hbm:s6], $0xF7A  }
0x23: {  	s9 =	sor.u32 $0xD0000000, s2;
	s6 =	simm.s32 $0x108;
	_ =	swait.ge @!p0 [sflag:s8], $0x0  }
0x24: {  	s3 =	sadd.s32 $0x88, s3;
	s6 =	simm.s32 @!p1 $0x1082;
	[sflag:s4] =	ssyncset.s32 $0xFFFFF086  }
0x25: {  	[simem:s6], [sflag:s4] =	dma.local [hbm:s3], $0xF7A  }
0x26: {  	[smem:$0x3F95] =	sst s1;
	(tag) =	ssettag s2;
	_ =	strace s9  }
0x27: {  	s1 =	sld [smem:$0x3FA5]  }
0x28: {  	s2 =	sld [smem:$0x3FA6]  }
0x29: {  	s4 =	sld [smem:$0x3FA8]  }
0x2a: {  	p0 =	seq.s32 s5, $0x0;
	s5 =	sld [smem:$0x3FA9]  }
0x2b: {  	s6 =	sld [smem:$0x3FAA]  }
0x2c: {  	s7 =	sld [smem:$0x3FAB]  }
0x2d: {  	s3 =	simm.s32 $0x108;
	s8 =	sld [smem:$0x3FAC]  }
0x2e: {  	s3 =	simm.s32 @!p0 $0x1082;
	s9 =	sld [smem:$0x3FAD]  }
0x2f: {  	lr =	sadd.s32 s0, s3;
	s0 =	sld [smem:$0x3FA4]  }
0x30: {  	s3 =	sld [smem:$0x3FA7]  }
0x31: {  	[smem:$0x3FB0] =	sst s10  }
0x32: {  	s10 =	sld [smem:$0x3FAE];
	_ =	sdelay $0x3  }
0x33: {  	p0 =	seq.s32 s10, $0x1;
	s10 =	sld [smem:$0x3FB0];
	_ =	sdelay $0x3  }
0x34: {  	[smem:$0x3FB0] =	sst s10  }
0x35: {  	s10 =	sld [smem:$0x3FAF];
	_ =	sdelay $0x3  }
0x36: {  	p1 =	seq.s32 s10, $0x1;
	s10 =	sld [smem:$0x3FB0];
	_ =	sdelay $0x3  }
0x37: {  	[smem:$0x3FB0] =	sst s10  }
0x38: {  	s10 =	sld [smem:$0x3FB1]  }
0x39: {  	_ = 	snop;
	(pc) =	sbr.ind lr, $3  }
0x3a: {  	_ = 	snop  }
0x3b: {  	_ = 	snop  }
0x3c: {  	p2 =	seq.s32 s10, $0x1;
	s10 =	sld [smem:$0x3FB0]  }
0x3d: {  	_ =	shalt  }
0x3e: {  	_ =	shalt  }
0x3f: {  	_ =	shalt  }
0x40: {  	_ =	shalt  }
0x41: {  	_ =	shalt  }
0x42: {  	_ =	shalt  }
0x43: {  	_ =	shalt  }
0x44: {  	_ =	shalt  }
0x45: {  	_ =	shalt  }
0x46: {  	_ =	shalt  }
0x47: {  	_ =	shalt  }
0x48: {  	_ =	shalt  }
0x49: {  	_ =	shalt  }
0x4a: {  	_ =	shalt  }
0x4b: {  	_ =	shalt  }
0x4c: {  	_ =	shalt  }
0x4d: {  	_ =	shalt  }
0x4e: {  	_ =	shalt  }
0x4f: {  	_ =	shalt  }
0x50: {  	_ =	shalt  }
0x51: {  	_ =	shalt  }
0x52: {  	_ =	shalt  }
0x53: {  	_ =	shalt  }
0x54: {  	_ =	shalt  }
0x55: {  	_ =	shalt  }
0x56: {  	_ =	shalt  }
0x57: {  	_ =	shalt  }
0x58: {  	_ =	shalt  }
0x59: {  	_ =	shalt  }
0x5a: {  	_ =	shalt  }
0x5b: {  	_ =	shalt  }
0x5c: {  	_ =	shalt  }
0x5d: {  	_ =	shalt  }
0x5e: {  	_ =	shalt  }
0x5f: {  	_ =	shalt  }
0x60: {  	_ =	shalt  }
0x61: {  	_ =	shalt  }
0x62: {  	_ =	shalt  }
0x63: {  	_ =	shalt  }
0x64: {  	_ =	shalt  }
0x65: {  	_ =	shalt  }
0x66: {  	_ =	shalt  }
0x67: {  	_ =	shalt  }
0x68: {  	_ =	shalt  }
0x69: {  	_ =	shalt  }
0x6a: {  	_ =	shalt  }
0x6b: {  	_ =	shalt  }
0x6c: {  	_ =	shalt  }
0x6d: {  	_ =	shalt  }
0x6e: {  	_ =	shalt  }
0x6f: {  	_ =	shalt  }
0x70: {  	_ =	shalt  }
0x71: {  	_ =	shalt  }
0x72: {  	_ =	shalt  }
0x73: {  	_ =	shalt  }
0x74: {  	_ =	shalt  }
0x75: {  	_ =	shalt  }
0x76: {  	_ =	shalt  }
0x77: {  	_ =	shalt  }
0x78: {  	_ =	shalt  }
0x79: {  	_ =	shalt  }
0x7a: {  	_ =	shalt  }
0x7b: {  	_ =	shalt  }
0x7c: {  	_ =	shalt  }
0x7d: {  	_ =	shalt  }
0x7e: {  	_ =	shalt  }
0x7f: {  	_ =	shalt  }
0x80: {  	_ =	shalt  }
0x81: {  	_ =	shalt  }
0x82: {  	_ =	shalt  }
0x83: {  	_ =	shalt  }
0x84: {  	_ =	shalt  }
0x85: {  	_ =	shalt  }
0x86: {  	_ =	shalt  }
0x87: {  	_ =	shalt  }
.Lfunc_end0:
.L_simem_size_0:
called_computation.1_lowered:
.L_overlay_start_0:
0x88: {  	s2 =	sld [smem:$0x3FD9]  }
0x89: {  	s3 =	sld [smem:$0x3FFE];
	_ =	sdelay $0x1  }
0x8a: {  	s1 =	srdreg.scid  }
0x8b: {  	s0 =	sand.u32 $0x1, s1  }
0x8c: {  	s16 =	sshll.u32 s0, $0xA;
	s2 =	sadd.s32 s3, s2  }
0x8d: {  	s2 =	sadd.s32 s2, s16  }
0x8e: {  	[smem:$0x3FBC] =	sst s2  }
0x8f: {  	_ = 	snop  }
0x90: {  	(tm) =	ssettm $0x1  }
0x91: {  	s17 =	sld [smem:$0x3FFB];
	_ =	sdelay $0x3  }
0x92: {  	_ =	strace s17  }
0x93: {  	s2 =	sld [smem:$0x3FFC];
	_ =	sdelay $0x3  }
0x94: {  	_ =	strace s2  }
0x95: {  	s2 =	sld [smem:$0x3FFD];
	_ =	sdelay $0x3  }
0x96: {  	_ =	strace s2  }
0x97: {  	_ =	strace $0x8FFFFFFF  }
0x98: {  	s18 =	sld [smem:$0x3FDB];
	_ =	sdelay $0x1  }
0x99: {  	s19 =	simm.s32 $_scs_section_size  }
0x9a: {  	s4 =	simm.s32 $_size__tile_overlayer_lowered;
	s5 =	simm.s32 $_tile_overlayer_lowered  }
0x9b: {  	s22 =	simm.s32 $0x1BFF;
	s21 =	sshll.u32 s5, $0x1;
	s2 =	sadd.s32 s19, s18  }
0x9c: {  	s6 =	simm.s32 $0x0;
	s20 =	sshll.u32 s4, $0x1;
	s4 =	sadd.s32 s21, s2  }
0x9d: {  	[timem:s6], [sflag:s22] =	dma.local [hbm:s4], s20  }
0x9e: {  	_ =	swait.ge [sflag:s22], s20  }
0x9f: {  	s3 =	ssub.s32 $0x0, s20;
	[sflag:s22] =	ssyncset.done $0x0  }
0xa0: {  	[sflag:s22] =	ssyncadd.s32 s3;
	_ =	sdelay $0x1  }
0xa1: {  	s23 =	simm.s32 $0x1B8B  }
0xa2: {  	_ =	swait.ge [sflag:s23], $0x1  }
0xa3: {  	[sflag:s23] =	ssyncset.done $0x0  }
0xa4: {  	s25 =	simm.s32 $0x1B8E;
	s24 =	sld [smem:$0x3FFE];
	[sflag:s23] =	ssyncadd.s32 $0xFFFFFFFF  }
0xa5: {  	s26 =	simm.s32 $execute0_lowered;
	[smem:$0x3FD2] =	sst s25  }
0xa6: {  	s4 =	sshll.u32 s26, $0x1;
	_ =	strace $0x80000049;
	[dreg:$0x1] =	wrdreg $0xFFFFFFFF  }
0xa7: {  	s28 =	simm.s32 $_size_execute0_lowered;
	s2 =	sadd.s32 s2, s4;
	[dreg:$0x0] =	wrdreg $0x0  }
0xa8: {  	s4 =	sshll.u32 s28, $0x1;
	[dreg:$0x2] =	wrdreg s2  }
0xa9: {  	[dreg:$0x3] =	wrdreg s4  }
0xaa: {  	[dreg:$0x4] =	wrdreg $0xC0  }
0xab: {  	_ =	task [dreg:s6], $0x5FFFF  }
0xac: {  	[dreg:$0x1] =	wrdreg $0xFFFFFFFF  }
0xad: {  	[dreg:$0x0] =	wrdreg $0x60  }
0xae: {  	[dreg:$0x2] =	wrdreg s24  }
0xaf: {  	[dreg:$0x3] =	wrdreg $0xA3800  }
0xb0: {  	[dreg:$0x4] =	wrdreg $0x9  }
0xb1: {  	_ =	task.clear_ibuf [dreg:s6], $0x5FFFF;
	_ =	strace $0x90000049  }
0xb2: {  	s29 =	simm.s32 $0x9;
	_ =	strace $0x8000004B  }
0xb3: {  	_ =	swait.ge [sflag:s29], $0x1  }
0xb4: {  	[sflag:s29] =	ssyncadd.s32 $0xFFFFFFFF  }
0xb5: {  	_ =	strace $0x9000004B  }
0xb6: {  	_ =	sfence  }
0xb7: {  	s30 =	sld [smem:$0x0];
	_ =	sdelay $0x2  }
0xb8: {  	s31 =	sshll.u32 s1, $0xD;
	s1 =	sshrl.u32 s1, $0x2  }
0xb9: {  	s3 =	sand.u32 $0x4000, s31;
	s1 =	sadd.s32 s1, s30  }
0xba: {  	s0 =	sor.u32 s3, s0;
	s1 =	sshll.u32 s1, $0x11  }
0xbb: {  	s0 =	sor.u32 s1, s0  }
0xbc: {  	s0 =	sadd.s32 $0x8F2B, s0  }
0xbd: {  	[sflag:s0] =	ssyncadd.remote.s32 $0x1  }
0xbe: {  	_ =	sfence.sel $0xFFFF  }
0xbf: {  	[dreg:$0x0] =	wrdreg $0xFFFFFFFF;
	(pc) =	sbr.abs _section_cstart, $3  }
0xc0: {  	[dreg:$0x1] =	wrdreg $0xFFFFFFFF  }
0xc1: {  	_ =	task.clear_ibuf [dreg:s6], $0x2FFFF;
	_ =	strace $0x9FFFFFFF  }
0xc2: {  	(tm) =	ssettm $0x7FFFFFFF  }
0xc3: {  	_ =	shalt  }
tec
execute0_lowered:
.L_overlay_start_1:
0x0: {  	(tag) =	ssettag $0x1  }
0x1: {  	s0 =	rddreg [dreg:$0x0]  }
0x2: {  	s1 =	rddreg [dreg:$0x1];
	s2 =	simm.s32 $0x0;
	s3 =	srdreg.scid  }
0x3: {  	s15 =	stileid.u32;
	s28 =	simm.s32 $0x200;
	s29 =	simm.s32 $0x80  }
0x4: {  	s30 =	simm.s32 $0x280;
	s31 =	simm.s32 $0x50;
	s8 =	smul.u32 $0x14000, s15  }
0x5: {  	[smem:$0x7FF] =	sst s2;
	s3 =	sand.u32 $0x1, s3;
	s12 =	smul.u32 $0x50000, s15  }
0x6: {  	s4 =	sadd.s32 $0x16600, s0;
	s5 =	sadd.s32 $0x2A00, s0;
	s14 =	smul.u32 $0x2800, s15  }
0x7: {  	s9 =	sshll.u32 s15, $0x1;
	s6 =	sadd.s32 $0xC800, s0;
	s17 =	smul.u32 $0x4E20, s15  }
0x8: {  	s10 =	sadd.s32 $0x3E600, s0;
	s7 =	smul.u32 $0x140000, s3;
	s9 =	sor.u32 s3, s9  }
0x9: {  	s11 =	ssub.s32 $0x2, s3;
	p0 =	seq.s32 s3, $0x0;
	s3 =	smul.u32 $0x2710, s3  }
0xa: {  	_ =	strace $0x8000004A;
	[dreg:$0x9] =	wrdreg s10;
	s26 =	smul.u32 $0x500, s9  }
0xb: {  	s10 =	sadd.s32 $0x3EC00, s0;
	s13 =	sshrl.u32 s11, $0x1;
	s9 =	smul.u32 $0x2710, s9  }
0xc: {  	s16 =	sshrl.u32 s12, $0x2;
	s10 =	smov.u32 @p0 s4;
	s7 =	sadd.s32 s8, s7  }
0xd: {  	s8 =	ssub.s32 s11, s13;
	s11 =	sadd.s32 s16, s1;
	s3 =	sadd.s32 s3, s17  }
0xe: {  	s10 =	sadd.s32 s10, s14;
	[dreg:$0xa] =	wrdreg s11;
	s9 =	sshrl.u32 s9, $0x3  }
0xf: {  	s7 =	sshrl.u32 s7, $0x3;
	[dreg:$0x13] =	wrdreg s10;
	s18 =	sadd.s32 s5, s9  }
0x10: {  	s19 =	sadd.s32 s6, s9;
	s20 =	sadd.s32 $0xA, s9;
	[dreg:$0xb] =	wrdreg s18  }
0x11: {  	s7 =	sadd.s32 s7, s0;
	[dreg:$0xc] =	wrdreg s19;
	s21 =	sadd.s32 s5, s20  }
0x12: {  	s22 =	sadd.s32 $0x14, s9;
	s11 =	sadd.s32 s6, s20;
	[dreg:$0xd] =	wrdreg s21  }
0x13: {  	s0 =	sadd.s32 s26, s0;
	s23 =	sadd.s32 s5, s22;
	[dreg:$0xe] =	wrdreg s11  }
0x14: {  	s26 =	sadd.s32 $0x4CE, s9;
	s25 =	sadd.s32 s6, s22;
	[dreg:$0xf] =	wrdreg s23  }
0x15: {  	s13 =	simm.s32 $0x7;
	s16 =	sadd.s32 s5, s26;
	[dreg:$0x10] =	wrdreg s25  }
0x16: {  	s9 =	sadd.s32 $0x4D8, s9;
	s12 =	sadd.s32 s6, s26;
	[dreg:$0x11] =	wrdreg s16  }
0x17: {  	s14 =	simm.s32 $0x6;
	s20 =	sadd.s32 s5, s9;
	[dreg:$0x12] =	wrdreg s12  }
0x18: {  	s24 =	sadd.s32 $0x1E0, s3;
	s9 =	sadd.s32 s6, s9;
	[dreg:$0x14] =	wrdreg s20  }
0x19: {  	s18 =	sadd.s32 $0x190, s3;
	s7 =	sadd.s32 $0x66C00, s7;
	[dreg:$0x15] =	wrdreg s9  }
0x1a: {  	s0 =	sadd.s32 $0xB6C00, s0;
	s11 =	sshrl.u32 s24, $0x3;
	[dreg:$0x16] =	wrdreg s7  }
0x1b: {  	s12 =	sshrl.u32 s18, $0x3;
	s21 =	sadd.s32 $0xF0, s3;
	[dreg:$0x17] =	wrdreg s0  }
0x1c: {  	s24 =	sshll.u32 s15, $0x6;
	s25 =	smax.u32 s8, $0x1;
	s3 =	sadd.s32 $0x140, s3  }
0x1d: {  	s0 =	simm.s32 $0x400;
	s7 =	simm.s32 $0x2C00;
	s8 =	simm.s32 $0x5  }
0x1e: {  	s9 =	simm.s32 $0x7B80;
	s15 =	simm.s32 $0x180;
	s16 =	simm.s32 $0x380  }
0x1f: {  	s18 =	simm.s32 $0x8;
	s20 =	simm.s32 $0x0;
	[dreg:$0x18] =	wrdreg s25  }
0x20: {  	s17 =	sadd.s32 s11, s6;
	s11 =	sadd.s32 s11, s5;
	[dreg:$0x1a] =	wrdreg s3  }
0x21: {  	s19 =	sadd.s32 s12, s6;
	s22 =	sadd.s32 s12, s5;
	[dreg:$0x3] =	wrdreg s17  }
0x22: {  	s10 =	sshrl.u32 s21, $0x3;
	s25 =	simm.s32 $0x9;
	[dreg:$0x4] =	wrdreg s11  }
0x23: {  	s3 =	simm.s32 $0x2;
	s12 =	simm.s32 $0x3;
	[dreg:$0x5] =	wrdreg s19  }
0x24: {  	[dreg:$0x6] =	wrdreg s22;
	s23 =	sadd.s32 s10, s6;
	s22 =	sor.u32 $0x1C09, s24  }
0x25: {  	s26 =	sadd.s32 s10, s5;
	s10 =	simm.s32 $0x100;
	[dreg:$0x7] =	wrdreg s23  }
0x26: {  	s11 =	simm.s32 $0x300;
	s17 =	simm.s32 $0x4;
	[dreg:$0x8] =	wrdreg s26  }
0x27: {  	v0 =	vimm.f32 $0.0e+00;
	s19 =	simm.s32 $0x1;
	s26 =	simm.s32 $0x5400;
	[dreg:$0x19] =	wrdreg s22  }
.LBB2_1:
0x28: {  	s21 =	rddreg [dreg:$0xa]  }
0x29: {  	s24 =	rddreg [dreg:$0x13];
	s23 =	sshrl.u32 s21, $0x3  }
0x2a: {  	[dreg:$0x1b] =	wrdreg s23  }
0x2b: {  	[spmem:s23], [sflag:s22] =	dma.local [hbm:s24], $0x2800  }
0x2c: {  	_ =	swait.ge [sflag:s25], $0x2800  }
0x2d: {  	[sflag:s25] =	ssyncset.done $0x0  }
0x2e: {  	s24 =	rddreg [dreg:$0x9];
	[sflag:s25] =	ssyncadd.s32 $0xFFFFD800  }
0x2f: {  	[tilespmem:s26], [sflag:$0x9] =	stream.linear.gather [hbm4b:s24+s2], $0x2780, $0x38;
	[tilespmem:$0x1E380] =	vst v63  }
0x30: {  	_ =	swait.ge [sflag:s25], $0x2780  }
0x31: {  	[sflag:s25] =	ssyncset.done $0x0  }
0x32: {  	s22 =	simm.s32 $0x40;
	s24 =	simm.s32 $0x0;
	[sflag:s25] =	ssyncadd.s32 $0xFFFFD880  }
.LBB2_2:
0x33: {  	p0 =	sne.s32 s22, $0x9FC0;
	[tilespmem:s24+$0x7B80] =	vst v0;
	s24 =	smov.u32 s22;
	s22 =	sadd.s32 $0x40, s22  }
.Ltmp0:
0x34: {  	(pc) =	sbr.rel @p0 .LBB2_2-.Ltmp0, $2  }
0x35: {  	_ =	sdelay $0x2  }
0x36: {  	s24 =	sshra.s32 s24, $0x2  }
0x37: {  	[tilespmem:s24+$0x7B80] =	vst v0  }
0x38: {  	[bflag:$0x0] =	sbarrier.arrive $0xFFFF  }
0x39: {  	s22 =	simm.s32 $0x0;
	s21 =	rddreg [dreg:$0xb]  }
0x3a: {  	[tilespmem:s22], [sflag:$0x9] =	stream.linear.gather [hbm4b:s21+s22], $0x50, $0x38;
	[tilespmem:$0x1E380] =	vst v63  }
0x3b: {  	_ =	swait.ge [sflag:s25], $0x50  }
0x3c: {  	[sflag:s25] =	ssyncset.done $0x0  }
0x3d: {  	s24 =	rddreg [dreg:$0xc];
	[sflag:s25] =	ssyncadd.s32 $0xFFFFFFB0  }
0x3e: {  	[tilespmem:s28], [sflag:$0x9] =	stream.linear.gather [hbm4b:s24+s22], $0x50, $0x38;
	[tilespmem:$0x1E380] =	vst v63  }
0x3f: {  	_ =	swait.ge [sflag:s25], $0x50  }
0x40: {  	[sflag:s25] =	ssyncset.done $0x0  }
0x41: {  	s23 =	rddreg [dreg:$0xd];
	[sflag:s25] =	ssyncadd.s32 $0xFFFFFFB0  }
0x42: {  	[tilespmem:s29], [sflag:$0x2] =	stream.linear.gather [hbm4b:s23+s22], $0x50, $0x38;
	[tilespmem:$0x1E380] =	vst v63  }
0x43: {  	s24 =	rddreg [dreg:$0xe]  }
0x44: {  	[tilespmem:s30], [sflag:$0x2] =	stream.linear.gather [hbm4b:s24+s22], $0x50, $0x38;
	[tilespmem:$0x1E380] =	vst v63  }
0x45: {  	_ = 	snop  }
0x46: {  	[tilespmem:s0], [sflag:$0x5] =	stream.indirect.gather [hbm4b:s4+s31], $0x80, s22, s31, $0xb8;
	[tilespmem:$0x1E380] =	vst v63  }
0x47: {  	_ =	swait.ge [sflag:s3], $0x50  }
0x48: {  	[sflag:s3] =	ssyncset.done $0x0  }
0x49: {  	[sflag:s3] =	ssyncadd.s32 $0xFFFFFFB0  }
0x4a: {  	_ =	swait.ge [sflag:s3], $0x50  }
0x4b: {  	[sflag:s3] =	ssyncset.done $0x0  }
0x4c: {  	[sflag:s3] =	ssyncadd.s32 $0xFFFFFFB0  }
0x4d: {  	[tilespmem:s7], [sflag:$0x6] =	stream.indirect.gather [hbm4b:s4+s31], $0x80, s29, s31, $0xb8;
	[tilespmem:$0x1E380] =	vst v63  }
0x4e: {  	_ =	swait.ge [sflag:s8], $0x2800  }
0x4f: {  	[sflag:s8] =	ssyncset.done $0x0  }
0x50: {  	[sflag:s8] =	ssyncadd.s32 $0xFFFFD800  }
0x51: {  	[spmem:s1] =	stream.indirect.scatter.add.f32 [tilespmem:s0], [sflag:$0x7], $0x80, s28, s31, $0xb8;
	[tilespmem:$0x1E380] =	vst v63  }
0x52: {  	v1 =	vld [tilespmem:$0x200];
	_ =	sdelay $0x4  }
0x53: {  	v2 =	vld [tilespmem:$0x0];
	_ =	sdelay $0x2  }
0x54: {  	v1 =	vld.idx.msk [tilespmem:v1+s26+$0x0], $0xffff;
	_ =	sdelay $0x4  }
0x55: {  	[tilespmem:v2+s9+$0x0] =	vst.idx.add.f32.msk $0xffff, v1  }
0x56: {  	v1 =	vld [tilespmem:$0x210];
	_ =	sdelay $0x4  }
0x57: {  	v2 =	vld [tilespmem:$0x10];
	_ =	sdelay $0x2  }
0x58: {  	v1 =	vld.idx.msk [tilespmem:v1+s26+$0x0], $0xffff;
	_ =	sdelay $0x4  }
0x59: {  	[tilespmem:v2+s9+$0x0] =	vst.idx.add.f32.msk $0xffff, v1  }
0x5a: {  	v1 =	vld [tilespmem:$0x220];
	_ =	sdelay $0x4  }
0x5b: {  	v2 =	vld [tilespmem:$0x20];
	_ =	sdelay $0x2  }
0x5c: {  	v1 =	vld.idx.msk [tilespmem:v1+s26+$0x0], $0xffff;
	_ =	sdelay $0x4  }
0x5d: {  	[tilespmem:v2+s9+$0x0] =	vst.idx.add.f32.msk $0xffff, v1  }
0x5e: {  	v1 =	vld [tilespmem:$0x230];
	_ =	sdelay $0x4  }
0x5f: {  	v2 =	vld [tilespmem:$0x30];
	_ =	sdelay $0x2  }
0x60: {  	v1 =	vld.idx.msk [tilespmem:v1+s26+$0x0], $0xffff;
	_ =	sdelay $0x4  }
0x61: {  	[tilespmem:v2+s9+$0x0] =	vst.idx.add.f32.msk $0xffff, v1  }
0x62: {  	v1 =	vld [tilespmem:$0x240];
	_ =	sdelay $0x4  }
0x63: {  	v2 =	vld [tilespmem:$0x40];
	_ =	sdelay $0x2  }
0x64: {  	v1 =	vld.idx.msk [tilespmem:v1+s26+$0x0], $0xffff;
	_ =	sdelay $0x4  }
0x65: {  	s23 =	rddreg [dreg:$0xf];
	[tilespmem:v2+s9+$0x0] =	vst.idx.add.f32.msk $0xffff, v1  }
0x66: {  	[tilespmem:s10], [sflag:$0x3] =	stream.linear.gather [hbm4b:s23+s22], $0x50, $0x38;
	[tilespmem:$0x1E380] =	vst v63  }
0x67: {  	s24 =	rddreg [dreg:$0x10]  }
0x68: {  	[tilespmem:s11], [sflag:$0x3] =	stream.linear.gather [hbm4b:s24+s22], $0x50, $0x38;
	[tilespmem:$0x1E380] =	vst v63  }
0x69: {  	s24 =	rddreg [dreg:$0x1a]  }
.LBB2_4:
0x6a: {  	_ =	swait.ge [sflag:s12], $0x50  }
0x6b: {  	[sflag:s12] =	ssyncset.done $0x0  }
0x6c: {  	[sflag:s12] =	ssyncadd.s32 $0xFFFFFFB0  }
0x6d: {  	_ =	swait.ge [sflag:s12], $0x50  }
0x6e: {  	[sflag:s12] =	ssyncset.done $0x0  }
0x6f: {  	[sflag:s12] =	ssyncadd.s32 $0xFFFFFFB0  }
0x70: {  	_ =	swait.ge [sflag:s13], $0x2800  }
0x71: {  	[sflag:s13] =	ssyncset.done $0x0  }
0x72: {  	[sflag:s13] =	ssyncadd.s32 $0xFFFFD800  }
0x73: {  	[tilespmem:s0], [sflag:$0x5] =	stream.indirect.gather [hbm4b:s4+s31], $0x80, s10, s31, $0xb8;
	[tilespmem:$0x1E380] =	vst v63  }
0x74: {  	_ =	swait.ge [sflag:s14], $0x2800  }
0x75: {  	[sflag:s14] =	ssyncset.done $0x0  }
0x76: {  	[sflag:s14] =	ssyncadd.s32 $0xFFFFD800  }
0x77: {  	[spmem:s1] =	stream.indirect.scatter.add.f32 [tilespmem:s7], [sflag:$0x8], $0x80, s30, s31, $0xb8;
	[tilespmem:$0x1E380] =	vst v63  }
0x78: {  	v1 =	vld [tilespmem:$0x280];
	_ =	sdelay $0x4  }
0x79: {  	v2 =	vld [tilespmem:$0x80];
	_ =	sdelay $0x2  }
0x7a: {  	v1 =	vld.idx.msk [tilespmem:v1+s26+$0x0], $0xffff;
	_ =	sdelay $0x4  }
0x7b: {  	[tilespmem:v2+s9+$0x0] =	vst.idx.add.f32.msk $0xffff, v1  }
0x7c: {  	v1 =	vld [tilespmem:$0x290];
	_ =	sdelay $0x4  }
0x7d: {  	v2 =	vld [tilespmem:$0x90];
	_ =	sdelay $0x2  }
0x7e: {  	v1 =	vld.idx.msk [tilespmem:v1+s26+$0x0], $0xffff;
	_ =	sdelay $0x4  }
0x7f: {  	[tilespmem:v2+s9+$0x0] =	vst.idx.add.f32.msk $0xffff, v1  }
0x80: {  	v1 =	vld [tilespmem:$0x2A0];
	_ =	sdelay $0x4  }
0x81: {  	v2 =	vld [tilespmem:$0xA0];
	_ =	sdelay $0x2  }
0x82: {  	v1 =	vld.idx.msk [tilespmem:v1+s26+$0x0], $0xffff;
	_ =	sdelay $0x4  }
0x83: {  	[tilespmem:v2+s9+$0x0] =	vst.idx.add.f32.msk $0xffff, v1  }
0x84: {  	v1 =	vld [tilespmem:$0x2B0];
	_ =	sdelay $0x4  }
0x85: {  	v2 =	vld [tilespmem:$0xB0];
	_ =	sdelay $0x2  }
0x86: {  	v1 =	vld.idx.msk [tilespmem:v1+s26+$0x0], $0xffff;
	_ =	sdelay $0x4  }
0x87: {  	[tilespmem:v2+s9+$0x0] =	vst.idx.add.f32.msk $0xffff, v1  }
0x88: {  	v1 =	vld [tilespmem:$0x2C0];
	_ =	sdelay $0x4  }
0x89: {  	v2 =	vld [tilespmem:$0xC0];
	_ =	sdelay $0x2  }
0x8a: {  	v1 =	vld.idx.msk [tilespmem:v1+s26+$0x0], $0xffff;
	_ =	sdelay $0x3  }
0x8b: {  	s23 =	rddreg [dreg:$0x8]  }
0x8c: {  	s21 =	rddreg [dreg:$0x7];
	s23 =	sadd.s32 s22, s23;
	[tilespmem:v2+s9+$0x0] =	vst.idx.add.f32.msk $0xffff, v1  }
0x8d: {  	[tilespmem:s15], [sflag:$0x4] =	stream.linear.gather [hbm4b:s23+s2], $0x50, $0x38;
	[tilespmem:$0x1E380] =	vst v63  }
0x8e: {  	s21 =	sadd.s32 s22, s21  }
0x8f: {  	[tilespmem:s16], [sflag:$0x4] =	stream.linear.gather [hbm4b:s21+s2], $0x50, $0x38;
	[tilespmem:$0x1E380] =	vst v63  }
0x90: {  	_ =	swait.ge [sflag:s17], $0x50  }
0x91: {  	[sflag:s17] =	ssyncset.done $0x0  }
0x92: {  	[sflag:s17] =	ssyncadd.s32 $0xFFFFFFB0  }
0x93: {  	_ =	swait.ge [sflag:s17], $0x50  }
0x94: {  	[sflag:s17] =	ssyncset.done $0x0  }
0x95: {  	[sflag:s17] =	ssyncadd.s32 $0xFFFFFFB0  }
0x96: {  	_ =	swait.ge [sflag:s18], $0x2800  }
0x97: {  	[sflag:s18] =	ssyncset.done $0x0  }
0x98: {  	[sflag:s18] =	ssyncadd.s32 $0xFFFFD800  }
0x99: {  	[tilespmem:s7], [sflag:$0x6] =	stream.indirect.gather [hbm4b:s4+s31], $0x80, s15, s31, $0xb8;
	[tilespmem:$0x1E380] =	vst v63  }
0x9a: {  	_ =	swait.ge [sflag:s8], $0x2800  }
0x9b: {  	[sflag:s8] =	ssyncset.done $0x0  }
0x9c: {  	[sflag:s8] =	ssyncadd.s32 $0xFFFFD800  }
0x9d: {  	[spmem:s1] =	stream.indirect.scatter.add.f32 [tilespmem:s0], [sflag:$0x7], $0x80, s11, s31, $0xb8;
	[tilespmem:$0x1E380] =	vst v63  }
0x9e: {  	v1 =	vld [tilespmem:$0x300];
	_ =	sdelay $0x4  }
0x9f: {  	v2 =	vld [tilespmem:$0x100];
	_ =	sdelay $0x2  }
0xa0: {  	v1 =	vld.idx.msk [tilespmem:v1+s26+$0x0], $0xffff;
	_ =	sdelay $0x4  }
0xa1: {  	[tilespmem:v2+s9+$0x0] =	vst.idx.add.f32.msk $0xffff, v1  }
0xa2: {  	v1 =	vld [tilespmem:$0x310];
	_ =	sdelay $0x4  }
0xa3: {  	v2 =	vld [tilespmem:$0x110];
	_ =	sdelay $0x2  }
0xa4: {  	v1 =	vld.idx.msk [tilespmem:v1+s26+$0x0], $0xffff;
	_ =	sdelay $0x4  }
0xa5: {  	[tilespmem:v2+s9+$0x0] =	vst.idx.add.f32.msk $0xffff, v1  }
0xa6: {  	v1 =	vld [tilespmem:$0x320];
	_ =	sdelay $0x4  }
0xa7: {  	v2 =	vld [tilespmem:$0x120];
	_ =	sdelay $0x2  }
0xa8: {  	v1 =	vld.idx.msk [tilespmem:v1+s26+$0x0], $0xffff;
	_ =	sdelay $0x4  }
0xa9: {  	[tilespmem:v2+s9+$0x0] =	vst.idx.add.f32.msk $0xffff, v1  }
0xaa: {  	v1 =	vld [tilespmem:$0x330];
	_ =	sdelay $0x4  }
0xab: {  	v2 =	vld [tilespmem:$0x130];
	_ =	sdelay $0x2  }
0xac: {  	v1 =	vld.idx.msk [tilespmem:v1+s26+$0x0], $0xffff;
	_ =	sdelay $0x4  }
0xad: {  	[tilespmem:v2+s9+$0x0] =	vst.idx.add.f32.msk $0xffff, v1  }
0xae: {  	v1 =	vld [tilespmem:$0x340];
	_ =	sdelay $0x4  }
0xaf: {  	v2 =	vld [tilespmem:$0x140];
	_ =	sdelay $0x2  }
0xb0: {  	v1 =	vld.idx.msk [tilespmem:v1+s26+$0x0], $0xffff;
	_ =	sdelay $0x3  }
0xb1: {  	s21 =	sshrl.u32 s24, $0x3  }
0xb2: {  	s23 =	sadd.s32 s5, s21;
	[tilespmem:v2+s9+$0x0] =	vst.idx.add.f32.msk $0xffff, v1  }
0xb3: {  	[tilespmem:s2], [sflag:$0x1] =	stream.linear.gather [hbm4b:s23+s2], $0x50, $0x38;
	[tilespmem:$0x1E380] =	vst v63  }
0xb4: {  	s21 =	sadd.s32 s6, s21  }
0xb5: {  	[tilespmem:s28], [sflag:$0x1] =	stream.linear.gather [hbm4b:s21+s2], $0x50, $0x38;
	[tilespmem:$0x1E380] =	vst v63  }
0xb6: {  	_ =	swait.ge [sflag:s19], $0x50  }
0xb7: {  	[sflag:s19] =	ssyncset.done $0x0  }
0xb8: {  	[sflag:s19] =	ssyncadd.s32 $0xFFFFFFB0  }
0xb9: {  	_ =	swait.ge [sflag:s19], $0x50  }
0xba: {  	[sflag:s19] =	ssyncset.done $0x0  }
0xbb: {  	[sflag:s19] =	ssyncadd.s32 $0xFFFFFFB0  }
0xbc: {  	_ =	swait.ge [sflag:s13], $0x2800  }
0xbd: {  	[sflag:s13] =	ssyncset.done $0x0  }
0xbe: {  	[sflag:s13] =	ssyncadd.s32 $0xFFFFD800  }
0xbf: {  	[tilespmem:s0], [sflag:$0x5] =	stream.indirect.gather [hbm4b:s4+s31], $0x80, s2, s31, $0xb8;
	[tilespmem:$0x1E380] =	vst v63  }
0xc0: {  	_ =	swait.ge [sflag:s14], $0x2800  }
0xc1: {  	[sflag:s14] =	ssyncset.done $0x0  }
0xc2: {  	[sflag:s14] =	ssyncadd.s32 $0xFFFFD800  }
0xc3: {  	[spmem:s1] =	stream.indirect.scatter.add.f32 [tilespmem:s7], [sflag:$0x8], $0x80, s16, s31, $0xb8;
	[tilespmem:$0x1E380] =	vst v63  }
0xc4: {  	v1 =	vld [tilespmem:$0x380];
	_ =	sdelay $0x4  }
0xc5: {  	v2 =	vld [tilespmem:$0x180];
	_ =	sdelay $0x2  }
0xc6: {  	v1 =	vld.idx.msk [tilespmem:v1+s26+$0x0], $0xffff;
	_ =	sdelay $0x4  }
0xc7: {  	[tilespmem:v2+s9+$0x0] =	vst.idx.add.f32.msk $0xffff, v1  }
0xc8: {  	v1 =	vld [tilespmem:$0x390];
	_ =	sdelay $0x4  }
0xc9: {  	v2 =	vld [tilespmem:$0x190];
	_ =	sdelay $0x2  }
0xca: {  	v1 =	vld.idx.msk [tilespmem:v1+s26+$0x0], $0xffff;
	_ =	sdelay $0x4  }
0xcb: {  	[tilespmem:v2+s9+$0x0] =	vst.idx.add.f32.msk $0xffff, v1  }
0xcc: {  	v1 =	vld [tilespmem:$0x3A0];
	_ =	sdelay $0x4  }
0xcd: {  	v2 =	vld [tilespmem:$0x1A0];
	_ =	sdelay $0x2  }
0xce: {  	v1 =	vld.idx.msk [tilespmem:v1+s26+$0x0], $0xffff;
	_ =	sdelay $0x4  }
0xcf: {  	[tilespmem:v2+s9+$0x0] =	vst.idx.add.f32.msk $0xffff, v1  }
0xd0: {  	v1 =	vld [tilespmem:$0x3B0];
	_ =	sdelay $0x4  }
0xd1: {  	v2 =	vld [tilespmem:$0x1B0];
	_ =	sdelay $0x2  }
0xd2: {  	v1 =	vld.idx.msk [tilespmem:v1+s26+$0x0], $0xffff;
	_ =	sdelay $0x4  }
0xd3: {  	[tilespmem:v2+s9+$0x0] =	vst.idx.add.f32.msk $0xffff, v1  }
0xd4: {  	v1 =	vld [tilespmem:$0x3C0];
	_ =	sdelay $0x4  }
0xd5: {  	v2 =	vld [tilespmem:$0x1C0];
	_ =	sdelay $0x2  }
0xd6: {  	v1 =	vld.idx.msk [tilespmem:v1+s26+$0x0], $0xffff;
	_ =	sdelay $0x3  }
0xd7: {  	s21 =	rddreg [dreg:$0x6]  }
0xd8: {  	s23 =	rddreg [dreg:$0x5];
	s21 =	sadd.s32 s22, s21;
	[tilespmem:v2+s9+$0x0] =	vst.idx.add.f32.msk $0xffff, v1  }
0xd9: {  	[tilespmem:s29], [sflag:$0x2] =	stream.linear.gather [hbm4b:s21+s2], $0x50, $0x38;
	[tilespmem:$0x1E380] =	vst v63  }
0xda: {  	s23 =	sadd.s32 s22, s23  }
0xdb: {  	[tilespmem:s30], [sflag:$0x2] =	stream.linear.gather [hbm4b:s23+s2], $0x50, $0x38;
	[tilespmem:$0x1E380] =	vst v63  }
0xdc: {  	_ =	swait.ge [sflag:s3], $0x50  }
0xdd: {  	[sflag:s3] =	ssyncset.done $0x0  }
0xde: {  	[sflag:s3] =	ssyncadd.s32 $0xFFFFFFB0  }
0xdf: {  	_ =	swait.ge [sflag:s3], $0x50  }
0xe0: {  	[sflag:s3] =	ssyncset.done $0x0  }
0xe1: {  	[sflag:s3] =	ssyncadd.s32 $0xFFFFFFB0  }
0xe2: {  	_ =	swait.ge [sflag:s18], $0x2800  }
0xe3: {  	[sflag:s18] =	ssyncset.done $0x0  }
0xe4: {  	[sflag:s18] =	ssyncadd.s32 $0xFFFFD800  }
0xe5: {  	[tilespmem:s7], [sflag:$0x6] =	stream.indirect.gather [hbm4b:s4+s31], $0x80, s29, s31, $0xb8;
	[tilespmem:$0x1E380] =	vst v63  }
0xe6: {  	_ =	swait.ge [sflag:s8], $0x2800  }
0xe7: {  	[sflag:s8] =	ssyncset.done $0x0  }
0xe8: {  	[sflag:s8] =	ssyncadd.s32 $0xFFFFD800  }
0xe9: {  	[spmem:s1] =	stream.indirect.scatter.add.f32 [tilespmem:s0], [sflag:$0x7], $0x80, s28, s31, $0xb8;
	[tilespmem:$0x1E380] =	vst v63  }
0xea: {  	v1 =	vld [tilespmem:$0x200];
	_ =	sdelay $0x4  }
0xeb: {  	v2 =	vld [tilespmem:$0x0];
	_ =	sdelay $0x2  }
0xec: {  	v1 =	vld.idx.msk [tilespmem:v1+s26+$0x0], $0xffff;
	_ =	sdelay $0x4  }
0xed: {  	[tilespmem:v2+s9+$0x0] =	vst.idx.add.f32.msk $0xffff, v1  }
0xee: {  	v1 =	vld [tilespmem:$0x210];
	_ =	sdelay $0x4  }
0xef: {  	v2 =	vld [tilespmem:$0x10];
	_ =	sdelay $0x2  }
0xf0: {  	v1 =	vld.idx.msk [tilespmem:v1+s26+$0x0], $0xffff;
	_ =	sdelay $0x4  }
0xf1: {  	[tilespmem:v2+s9+$0x0] =	vst.idx.add.f32.msk $0xffff, v1  }
0xf2: {  	v1 =	vld [tilespmem:$0x220];
	_ =	sdelay $0x4  }
0xf3: {  	v2 =	vld [tilespmem:$0x20];
	_ =	sdelay $0x2  }
0xf4: {  	v1 =	vld.idx.msk [tilespmem:v1+s26+$0x0], $0xffff;
	_ =	sdelay $0x4  }
0xf5: {  	[tilespmem:v2+s9+$0x0] =	vst.idx.add.f32.msk $0xffff, v1  }
0xf6: {  	v1 =	vld [tilespmem:$0x230];
	_ =	sdelay $0x4  }
0xf7: {  	v2 =	vld [tilespmem:$0x30];
	_ =	sdelay $0x2  }
0xf8: {  	v1 =	vld.idx.msk [tilespmem:v1+s26+$0x0], $0xffff;
	_ =	sdelay $0x4  }
0xf9: {  	[tilespmem:v2+s9+$0x0] =	vst.idx.add.f32.msk $0xffff, v1  }
0xfa: {  	v1 =	vld [tilespmem:$0x240];
	_ =	sdelay $0x4  }
0xfb: {  	v2 =	vld [tilespmem:$0x40];
	_ =	sdelay $0x2  }
0xfc: {  	v1 =	vld.idx.msk [tilespmem:v1+s26+$0x0], $0xffff;
	_ =	sdelay $0x2  }
0xfd: {  	p0 =	sne.s32 s22, $0x488  }
.Ltmp1:
0xfe: {  	s21 =	rddreg [dreg:$0x4];
	(pc) =	sbr.rel @p0 .LBB2_4-.Ltmp1, $4  }
0xff: {  	s23 =	rddreg [dreg:$0x3];
	s21 =	sadd.s32 s22, s21;
	[tilespmem:v2+s9+$0x0] =	vst.idx.add.f32.msk $0xffff, v1  }
0x100: {  	[tilespmem:s10], [sflag:$0x3] =	stream.linear.gather [hbm4b:s21+s2], $0x50, $0x38;
	[tilespmem:$0x1E380] =	vst v63  }
0x101: {  	s24 =	sadd.s32 $0x140, s24;
	s23 =	sadd.s32 s22, s23;
	s22 =	sadd.s32 $0x28, s22  }
0x102: {  	[tilespmem:s11], [sflag:$0x3] =	stream.linear.gather [hbm4b:s23+s2], $0x50, $0x38;
	[tilespmem:$0x1E380] =	vst v63  }
0x103: {  	_ =	swait.ge [sflag:s12], $0x50  }
0x104: {  	[sflag:s12] =	ssyncset.done $0x0  }
0x105: {  	[sflag:s12] =	ssyncadd.s32 $0xFFFFFFB0  }
0x106: {  	_ =	swait.ge [sflag:s12], $0x50  }
0x107: {  	[sflag:s12] =	ssyncset.done $0x0  }
0x108: {  	[sflag:s12] =	ssyncadd.s32 $0xFFFFFFB0  }
0x109: {  	_ =	swait.ge [sflag:s13], $0x2800  }
0x10a: {  	[sflag:s13] =	ssyncset.done $0x0  }
0x10b: {  	[sflag:s13] =	ssyncadd.s32 $0xFFFFD800  }
0x10c: {  	[tilespmem:s0], [sflag:$0x5] =	stream.indirect.gather [hbm4b:s4+s31], $0x80, s10, s31, $0xb8;
	[tilespmem:$0x1E380] =	vst v63  }
0x10d: {  	_ =	swait.ge [sflag:s14], $0x2800  }
0x10e: {  	[sflag:s14] =	ssyncset.done $0x0  }
0x10f: {  	[sflag:s14] =	ssyncadd.s32 $0xFFFFD800  }
0x110: {  	[spmem:s1] =	stream.indirect.scatter.add.f32 [tilespmem:s7], [sflag:$0x8], $0x80, s30, s31, $0xb8;
	[tilespmem:$0x1E380] =	vst v63  }
0x111: {  	v1 =	vld [tilespmem:$0x280];
	_ =	sdelay $0x4  }
0x112: {  	v2 =	vld [tilespmem:$0x80];
	_ =	sdelay $0x2  }
0x113: {  	v1 =	vld.idx.msk [tilespmem:v1+s26+$0x0], $0xffff;
	_ =	sdelay $0x4  }
0x114: {  	[tilespmem:v2+s9+$0x0] =	vst.idx.add.f32.msk $0xffff, v1  }
0x115: {  	v1 =	vld [tilespmem:$0x290];
	_ =	sdelay $0x4  }
0x116: {  	v2 =	vld [tilespmem:$0x90];
	_ =	sdelay $0x2  }
0x117: {  	v1 =	vld.idx.msk [tilespmem:v1+s26+$0x0], $0xffff;
	_ =	sdelay $0x4  }
0x118: {  	[tilespmem:v2+s9+$0x0] =	vst.idx.add.f32.msk $0xffff, v1  }
0x119: {  	v1 =	vld [tilespmem:$0x2A0];
	_ =	sdelay $0x4  }
0x11a: {  	v2 =	vld [tilespmem:$0xA0];
	_ =	sdelay $0x2  }
0x11b: {  	v1 =	vld.idx.msk [tilespmem:v1+s26+$0x0], $0xffff;
	_ =	sdelay $0x4  }
0x11c: {  	[tilespmem:v2+s9+$0x0] =	vst.idx.add.f32.msk $0xffff, v1  }
0x11d: {  	v1 =	vld [tilespmem:$0x2B0];
	_ =	sdelay $0x4  }
0x11e: {  	v2 =	vld [tilespmem:$0xB0];
	_ =	sdelay $0x2  }
0x11f: {  	v1 =	vld.idx.msk [tilespmem:v1+s26+$0x0], $0xffff;
	_ =	sdelay $0x4  }
0x120: {  	[tilespmem:v2+s9+$0x0] =	vst.idx.add.f32.msk $0xffff, v1  }
0x121: {  	v1 =	vld [tilespmem:$0x2C0];
	_ =	sdelay $0x4  }
0x122: {  	v2 =	vld [tilespmem:$0xC0];
	_ =	sdelay $0x2  }
0x123: {  	v1 =	vld.idx.msk [tilespmem:v1+s26+$0x0], $0xffff;
	_ =	sdelay $0x4  }
0x124: {  	s21 =	rddreg [dreg:$0x11];
	[tilespmem:v2+s9+$0x0] =	vst.idx.add.f32.msk $0xffff, v1  }
0x125: {  	[tilespmem:s15], [sflag:$0x4] =	stream.linear.gather [hbm4b:s21+s2], $0x50, $0x38;
	[tilespmem:$0x1E380] =	vst v63  }
0x126: {  	s24 =	rddreg [dreg:$0x12]  }
0x127: {  	[tilespmem:s16], [sflag:$0x4] =	stream.linear.gather [hbm4b:s24+s2], $0x50, $0x38;
	[tilespmem:$0x1E380] =	vst v63  }
0x128: {  	_ =	swait.ge [sflag:s17], $0x50  }
0x129: {  	[sflag:s17] =	ssyncset.done $0x0  }
0x12a: {  	[sflag:s17] =	ssyncadd.s32 $0xFFFFFFB0  }
0x12b: {  	_ =	swait.ge [sflag:s17], $0x50  }
0x12c: {  	[sflag:s17] =	ssyncset.done $0x0  }
0x12d: {  	[sflag:s17] =	ssyncadd.s32 $0xFFFFFFB0  }
0x12e: {  	_ =	swait.ge [sflag:s18], $0x2800  }
0x12f: {  	[sflag:s18] =	ssyncset.done $0x0  }
0x130: {  	[sflag:s18] =	ssyncadd.s32 $0xFFFFD800  }
0x131: {  	[tilespmem:s7], [sflag:$0x6] =	stream.indirect.gather [hbm4b:s4+s31], $0x80, s15, s31, $0xb8;
	[tilespmem:$0x1E380] =	vst v63  }
0x132: {  	_ =	swait.ge [sflag:s8], $0x2800  }
0x133: {  	[sflag:s8] =	ssyncset.done $0x0  }
0x134: {  	[sflag:s8] =	ssyncadd.s32 $0xFFFFD800  }
0x135: {  	[spmem:s1] =	stream.indirect.scatter.add.f32 [tilespmem:s0], [sflag:$0x7], $0x80, s11, s31, $0xb8;
	[tilespmem:$0x1E380] =	vst v63  }
0x136: {  	v1 =	vld [tilespmem:$0x300];
	_ =	sdelay $0x4  }
0x137: {  	v2 =	vld [tilespmem:$0x100];
	_ =	sdelay $0x2  }
0x138: {  	v1 =	vld.idx.msk [tilespmem:v1+s26+$0x0], $0xffff;
	_ =	sdelay $0x4  }
0x139: {  	[tilespmem:v2+s9+$0x0] =	vst.idx.add.f32.msk $0xffff, v1  }
0x13a: {  	v1 =	vld [tilespmem:$0x310];
	_ =	sdelay $0x4  }
0x13b: {  	v2 =	vld [tilespmem:$0x110];
	_ =	sdelay $0x2  }
0x13c: {  	v1 =	vld.idx.msk [tilespmem:v1+s26+$0x0], $0xffff;
	_ =	sdelay $0x4  }
0x13d: {  	[tilespmem:v2+s9+$0x0] =	vst.idx.add.f32.msk $0xffff, v1  }
0x13e: {  	v1 =	vld [tilespmem:$0x320];
	_ =	sdelay $0x4  }
0x13f: {  	v2 =	vld [tilespmem:$0x120];
	_ =	sdelay $0x2  }
0x140: {  	v1 =	vld.idx.msk [tilespmem:v1+s26+$0x0], $0xffff;
	_ =	sdelay $0x4  }
0x141: {  	[tilespmem:v2+s9+$0x0] =	vst.idx.add.f32.msk $0xffff, v1  }
0x142: {  	v1 =	vld [tilespmem:$0x330];
	_ =	sdelay $0x4  }
0x143: {  	v2 =	vld [tilespmem:$0x130];
	_ =	sdelay $0x2  }
0x144: {  	v1 =	vld.idx.msk [tilespmem:v1+s26+$0x0], $0xffff;
	_ =	sdelay $0x4  }
0x145: {  	[tilespmem:v2+s9+$0x0] =	vst.idx.add.f32.msk $0xffff, v1  }
0x146: {  	v1 =	vld [tilespmem:$0x340];
	_ =	sdelay $0x4  }
0x147: {  	v2 =	vld [tilespmem:$0x140];
	_ =	sdelay $0x2  }
0x148: {  	v1 =	vld.idx.msk [tilespmem:v1+s26+$0x0], $0xffff;
	_ =	sdelay $0x4  }
0x149: {  	s22 =	rddreg [dreg:$0x14];
	[tilespmem:v2+s9+$0x0] =	vst.idx.add.f32.msk $0xffff, v1  }
0x14a: {  	[tilespmem:s2], [sflag:$0x1] =	stream.linear.gather [hbm4b:s22+s2], $0x50, $0x38;
	[tilespmem:$0x1E380] =	vst v63  }
0x14b: {  	s23 =	rddreg [dreg:$0x15]  }
0x14c: {  	[tilespmem:s28], [sflag:$0x1] =	stream.linear.gather [hbm4b:s23+s2], $0x50, $0x38;
	[tilespmem:$0x1E380] =	vst v63  }
0x14d: {  	_ =	swait.ge [sflag:s19], $0x50  }
0x14e: {  	[sflag:s19] =	ssyncset.done $0x0  }
0x14f: {  	[sflag:s19] =	ssyncadd.s32 $0xFFFFFFB0  }
0x150: {  	_ =	swait.ge [sflag:s19], $0x50  }
0x151: {  	[sflag:s19] =	ssyncset.done $0x0  }
0x152: {  	[sflag:s19] =	ssyncadd.s32 $0xFFFFFFB0  }
0x153: {  	_ =	swait.ge [sflag:s13], $0x2800  }
0x154: {  	[sflag:s13] =	ssyncset.done $0x0  }
0x155: {  	[sflag:s13] =	ssyncadd.s32 $0xFFFFD800  }
0x156: {  	[tilespmem:s0], [sflag:$0x5] =	stream.indirect.gather [hbm4b:s4+s31], $0x80, s2, s31, $0xb8;
	[tilespmem:$0x1E380] =	vst v63  }
0x157: {  	_ =	swait.ge [sflag:s14], $0x2800  }
0x158: {  	[sflag:s14] =	ssyncset.done $0x0  }
0x159: {  	[sflag:s14] =	ssyncadd.s32 $0xFFFFD800  }
0x15a: {  	[spmem:s1] =	stream.indirect.scatter.add.f32 [tilespmem:s7], [sflag:$0x8], $0x80, s16, s31, $0xb8;
	[tilespmem:$0x1E380] =	vst v63  }
0x15b: {  	v1 =	vld [tilespmem:$0x380];
	_ =	sdelay $0x4  }
0x15c: {  	v2 =	vld [tilespmem:$0x180];
	_ =	sdelay $0x2  }
0x15d: {  	v1 =	vld.idx.msk [tilespmem:v1+s26+$0x0], $0xffff;
	_ =	sdelay $0x4  }
0x15e: {  	[tilespmem:v2+s9+$0x0] =	vst.idx.add.f32.msk $0xffff, v1  }
0x15f: {  	v1 =	vld [tilespmem:$0x390];
	_ =	sdelay $0x4  }
0x160: {  	v2 =	vld [tilespmem:$0x190];
	_ =	sdelay $0x2  }
0x161: {  	v1 =	vld.idx.msk [tilespmem:v1+s26+$0x0], $0xffff;
	_ =	sdelay $0x4  }
0x162: {  	[tilespmem:v2+s9+$0x0] =	vst.idx.add.f32.msk $0xffff, v1  }
0x163: {  	v1 =	vld [tilespmem:$0x3A0];
	_ =	sdelay $0x4  }
0x164: {  	v2 =	vld [tilespmem:$0x1A0];
	_ =	sdelay $0x2  }
0x165: {  	v1 =	vld.idx.msk [tilespmem:v1+s26+$0x0], $0xffff;
	_ =	sdelay $0x4  }
0x166: {  	[tilespmem:v2+s9+$0x0] =	vst.idx.add.f32.msk $0xffff, v1  }
0x167: {  	v1 =	vld [tilespmem:$0x3B0];
	_ =	sdelay $0x4  }
0x168: {  	v2 =	vld [tilespmem:$0x1B0];
	_ =	sdelay $0x2  }
0x169: {  	v1 =	vld.idx.msk [tilespmem:v1+s26+$0x0], $0xffff;
	_ =	sdelay $0x4  }
0x16a: {  	[tilespmem:v2+s9+$0x0] =	vst.idx.add.f32.msk $0xffff, v1  }
0x16b: {  	v1 =	vld [tilespmem:$0x3C0];
	_ =	sdelay $0x4  }
0x16c: {  	v2 =	vld [tilespmem:$0x1C0];
	_ =	sdelay $0x2  }
0x16d: {  	v1 =	vld.idx.msk [tilespmem:v1+s26+$0x0], $0xffff;
	_ =	sdelay $0x4  }
0x16e: {  	[tilespmem:v2+s9+$0x0] =	vst.idx.add.f32.msk $0xffff, v1  }
0x16f: {  	_ =	swait.ge [sflag:s8], $0x2800  }
0x170: {  	[sflag:s8] =	ssyncset.done $0x0  }
0x171: {  	[sflag:s8] =	ssyncadd.s32 $0xFFFFD800  }
0x172: {  	[spmem:s1] =	stream.indirect.scatter.add.f32 [tilespmem:s0], [sflag:$0x7], $0x80, s28, s31, $0xb8;
	[tilespmem:$0x1E380] =	vst v63  }
0x173: {  	v1 =	vld [tilespmem:$0x200];
	_ =	sdelay $0x4  }
0x174: {  	v2 =	vld [tilespmem:$0x0];
	_ =	sdelay $0x2  }
0x175: {  	v1 =	vld.idx.msk [tilespmem:v1+s26+$0x0], $0xffff;
	_ =	sdelay $0x4  }
0x176: {  	[tilespmem:v2+s9+$0x0] =	vst.idx.add.f32.msk $0xffff, v1  }
0x177: {  	v1 =	vld [tilespmem:$0x210];
	_ =	sdelay $0x4  }
0x178: {  	v2 =	vld [tilespmem:$0x10];
	_ =	sdelay $0x2  }
0x179: {  	v1 =	vld.idx.msk [tilespmem:v1+s26+$0x0], $0xffff;
	_ =	sdelay $0x4  }
0x17a: {  	[tilespmem:v2+s9+$0x0] =	vst.idx.add.f32.msk $0xffff, v1  }
0x17b: {  	v1 =	vld [tilespmem:$0x220];
	_ =	sdelay $0x4  }
0x17c: {  	v2 =	vld [tilespmem:$0x20];
	_ =	sdelay $0x2  }
0x17d: {  	v1 =	vld.idx.msk [tilespmem:v1+s26+$0x0], $0xffff;
	_ =	sdelay $0x4  }
0x17e: {  	[tilespmem:v2+s9+$0x0] =	vst.idx.add.f32.msk $0xffff, v1  }
0x17f: {  	v1 =	vld [tilespmem:$0x230];
	_ =	sdelay $0x4  }
0x180: {  	v2 =	vld [tilespmem:$0x30];
	_ =	sdelay $0x2  }
0x181: {  	v1 =	vld.idx.msk [tilespmem:v1+s26+$0x0], $0xffff;
	_ =	sdelay $0x4  }
0x182: {  	[tilespmem:v2+s9+$0x0] =	vst.idx.add.f32.msk $0xffff, v1  }
0x183: {  	v1 =	vld [tilespmem:$0x240];
	_ =	sdelay $0x4  }
0x184: {  	v2 =	vld [tilespmem:$0x40];
	_ =	sdelay $0x2  }
0x185: {  	v1 =	vld.idx.msk [tilespmem:v1+s26+$0x0], $0xffff;
	_ =	sdelay $0x4  }
0x186: {  	[tilespmem:v2+s9+$0x0] =	vst.idx.add.f32.msk $0xffff, v1  }
0x187: {  	_ =	swait.ge [sflag:s13], $0x2800  }
0x188: {  	[sflag:s13] =	ssyncset.done $0x0  }
0x189: {  	[sflag:s13] =	ssyncadd.s32 $0xFFFFD800  }
0x18a: {  	_ =	swait.ge [sflag:s18], $0x2800  }
0x18b: {  	[sflag:s18] =	ssyncset.done $0x0  }
0x18c: {  	[sflag:s18] =	ssyncadd.s32 $0xFFFFD800  }
0x18d: {  	[bflag:$0x0] =	sbarrier.arrive $0xFFFF  }
0x18e: {  	s24 =	rddreg [dreg:$0x16]  }
0x18f: {  	s22 =	rddreg [dreg:$0x19]  }
0x190: {  	s23 =	rddreg [dreg:$0x1b]  }
0x191: {  	[hbm:s24], [sflag:s22] =	dma.local [spmem:s23], $0x2800  }
0x192: {  	_ =	swait.ge [sflag:s25], $0x2800  }
0x193: {  	[sflag:s25] =	ssyncset.done $0x0  }
0x194: {  	s23 =	rddreg [dreg:$0x17];
	[sflag:s25] =	ssyncadd.s32 $0xFFFFD800  }
0x195: {  	[hbm4b:s23+s2] =	stream.linear.scatter [tilespmem:s9], [sflag:$0x9], $0x2800, $0x38;
	[tilespmem:$0x1E380] =	vst v63  }
0x196: {  	_ =	swait.ge [sflag:s25], $0x2800  }
0x197: {  	s20 =	sadd.s32 $0x1, s20;
	s24 =	rddreg [dreg:$0x18]  }
0x198: {  	p0 =	sne.s32 s20, s24  }
.Ltmp2:
0x199: {  	_ = 	snop;
	(pc) =	sbr.rel @p0 .LBB2_1-.Ltmp2, $3  }
0x19a: {  	_ =	sdelay $0x1  }
0x19b: {  	[sflag:s25] =	ssyncset.done $0x0  }
0x19c: {  	[sflag:s25] =	ssyncadd.s32 $0xFFFFD800  }
0x19d: {  	_ =	sfence.sel $0x180000  }
0x19e: {  	[bflag:$0x0] =	sbarrier.arrive $0xFFFF  }
0x19f: {  	_ =	strace $0x9000004A  }
0x1a0: {  	s0 =	stileid.u32;
	[bflag:$0x2] =	sbarrier.arrive $0xFFFF  }
0x1a1: {  	p0 =	sne.s32 s0, $0x0;
	s0 =	rddreg [dreg:$0x2]  }
0x1a2: {  	s0 =	sadd.s32 @!p0 $0x100000, s0  }
0x1a3: {  	[sflag:s0] =	ssyncadd.tile.s32 @!p0 $0x1;
	_ =	shalt  }
.Lfunc_end2:
_tile_overlayer_lowered:
.L_overlay_start_2:
0x1a4: {  	(tag) =	ssettag $0x2  }
0x1a5: {  	s0 =	rddreg [dreg:$0x0];
	s2 =	stileid.u32  }
0x1a6: {  	s1 =	rddreg [dreg:$0x1];
	p0 =	sne.s32 s2, $0x0  }
0x1a7: {  	s3 =	rddreg [dreg:$0x2];
	[bflag:$0x3] =	sbarrier.arrive $0xFFFF;
	s2 =	simm.s32 @!p0 $0x1C09  }
0x1a8: {  	[timem:s3], [sflag:s2] =	dma.local @!p0 [hbm:s0], s1  }
0x1a9: {  	s0 =	simm.s32 @!p0 $0x9  }
0x1aa: {  	_ =	swait.ge @!p0 [sflag:s0], s1  }
0x1ab: {  	s1 =	ssub.s32 @!p0 $0x0, s1;
	[sflag:s0] =	ssyncset.done @!p0 $0x0  }
0x1ac: {  	[sflag:s0] =	ssyncadd.s32 @!p0 s1  }
0x1ad: {  	[bflag:$0x3] =	sbarrier.arrive $0xFFFF  }
0x1ae: {  	_ =	shalt  }

// kernel: kernel.14.cloned.1.call-start
scs
__scs_entry_jumppad:
0x0: {  	(pc) =	sbr.rel $0x88, $3  }
0x1: {  	(tag) =	ssettag $0x0;
	lr =	simm.s32 $0x1  }
0x2: {  	[smem:$0x3F95] =	sst lr;
	_ =	strace $0xD0000000  }
0x3: {  	_ = 	snop  }
0x4: {  	_ = 	snop  }
0x5: {  	_ = 	snop  }
0x6: {  	_ = 	snop  }
0x7: {  	_ = 	snop  }
__scs_overlays_trampoline_lowered:
0x8: {  	[smem:$0x3FA4] =	sst s0  }
0x9: {  	[smem:$0x3FA5] =	sst s1  }
0xa: {  	[smem:$0x3FA6] =	sst s2  }
0xb: {  	[smem:$0x3FA7] =	sst s3  }
0xc: {  	[smem:$0x3FA8] =	sst s4  }
0xd: {  	[smem:$0x3FA9] =	sst s5  }
0xe: {  	[smem:$0x3FAA] =	sst s6  }
0xf: {  	[smem:$0x3FAB] =	sst s7  }
0x10: {  	[smem:$0x3FAC] =	sst s8  }
0x11: {  	[smem:$0x3FAD] =	sst s9;
	s0 =	simm.s32 @!p0 $0x0  }
0x12: {  	s1 =	sld [smem:$0x3F93];
	s0 =	simm.s32 @p0 $0x1  }
0x13: {  	[smem:$0x3FAE] =	sst s0;
	s0 =	simm.s32 @!p1 $0x0  }
0x14: {  	s2 =	sld [smem:$0x3F92];
	s0 =	simm.s32 @p1 $0x1  }
0x15: {  	[smem:$0x3FAF] =	sst s0;
	s0 =	simm.s32 @!p2 $0x0  }
0x16: {  	s3 =	sld [smem:$0x3FDB];
	s0 =	simm.s32 @p2 $0x1  }
0x17: {  	s4 =	simm.s32 $0x1BF5;
	[smem:$0x3FB1] =	sst s0  }
0x18: {  	s0 =	sld [smem:$0x3F94];
	_ =	swait.ge [sflag:s4], $0x0  }
0x19: {  	s7 =	sld [smem:$0x3F95]  }
0x1a: {  	s8 =	sadd.s32 $0xFFFFE003, lr  }
0x1b: {  	s9 =	sadd.s32 $0xFFFFFEF7, lr;
	s5 =	simm.s32 $0xFFFFFFFF;
	p2 =	slt.u32 s8, $0xFFFFF086  }
0x1c: {  	p1 =	slt.u32 s9, $0xF7A;
	s5 =	simm.s32 @!p2 $0x0  }
0x1d: {  	s5 =	simm.s32 @p1 $0x1;
	p0 =	seq.s32 s7, s2  }
0x1e: {  	s7 =	smul.u32 @!p0 $0xF7A, s2;
	p2 =	seq.s32 @!p0 s5, $0x0  }
0x1f: {  	s9 =	smul.u32 $0xF7A, s1;
	s8 =	simm.s32 @!p0 $0x1BF5;
	p2 =	por !p2, p0  }
0x20: {  	[sflag:s8] =	ssyncset.s32 @!p0 $0xFFFFF086;
	s6 =	sadd.s32 @!p0 s3, s7;
	s7 =	simm.s32 @!p0 $0x108  }
0x21: {  	s3 =	sadd.s32 s3, s9;
	s6 =	sadd.s32 @!p0 $0x88, s6;
	s7 =	simm.s32 @p2 $0x1082  }
0x22: {  	[simem:s7], [sflag:s8] =	dma.local @!p0 [hbm:s6], $0xF7A  }
0x23: {  	s9 =	sor.u32 $0xD0000000, s2;
	s6 =	simm.s32 $0x108;
	_ =	swait.ge @!p0 [sflag:s8], $0x0  }
0x24: {  	s3 =	sadd.s32 $0x88, s3;
	s6 =	simm.s32 @!p1 $0x1082;
	[sflag:s4] =	ssyncset.s32 $0xFFFFF086  }
0x25: {  	[simem:s6], [sflag:s4] =	dma.local [hbm:s3], $0xF7A  }
0x26: {  	[smem:$0x3F95] =	sst s1;
	(tag) =	ssettag s2;
	_ =	strace s9  }
0x27: {  	s1 =	sld [smem:$0x3FA5]  }
0x28: {  	s2 =	sld [smem:$0x3FA6]  }
0x29: {  	s4 =	sld [smem:$0x3FA8]  }
0x2a: {  	p0 =	seq.s32 s5, $0x0;
	s5 =	sld [smem:$0x3FA9]  }
0x2b: {  	s6 =	sld [smem:$0x3FAA]  }
0x2c: {  	s7 =	sld [smem:$0x3FAB]  }
0x2d: {  	s3 =	simm.s32 $0x108;
	s8 =	sld [smem:$0x3FAC]  }
0x2e: {  	s3 =	simm.s32 @!p0 $0x1082;
	s9 =	sld [smem:$0x3FAD]  }
0x2f: {  	lr =	sadd.s32 s0, s3;
	s0 =	sld [smem:$0x3FA4]  }
0x30: {  	s3 =	sld [smem:$0x3FA7]  }
0x31: {  	[smem:$0x3FB0] =	sst s10  }
0x32: {  	s10 =	sld [smem:$0x3FAE];
	_ =	sdelay $0x3  }
0x33: {  	p0 =	seq.s32 s10, $0x1;
	s10 =	sld [smem:$0x3FB0];
	_ =	sdelay $0x3  }
0x34: {  	[smem:$0x3FB0] =	sst s10  }
0x35: {  	s10 =	sld [smem:$0x3FAF];
	_ =	sdelay $0x3  }
0x36: {  	p1 =	seq.s32 s10, $0x1;
	s10 =	sld [smem:$0x3FB0];
	_ =	sdelay $0x3  }
0x37: {  	[smem:$0x3FB0] =	sst s10  }
0x38: {  	s10 =	sld [smem:$0x3FB1]  }
0x39: {  	_ = 	snop;
	(pc) =	sbr.ind lr, $3  }
0x3a: {  	_ = 	snop  }
0x3b: {  	_ = 	snop  }
0x3c: {  	p2 =	seq.s32 s10, $0x1;
	s10 =	sld [smem:$0x3FB0]  }
0x3d: {  	_ =	shalt  }
0x3e: {  	_ =	shalt  }
0x3f: {  	_ =	shalt  }
0x40: {  	_ =	shalt  }
0x41: {  	_ =	shalt  }
0x42: {  	_ =	shalt  }
0x43: {  	_ =	shalt  }
0x44: {  	_ =	shalt  }
0x45: {  	_ =	shalt  }
0x46: {  	_ =	shalt  }
0x47: {  	_ =	shalt  }
0x48: {  	_ =	shalt  }
0x49: {  	_ =	shalt  }
0x4a: {  	_ =	shalt  }
0x4b: {  	_ =	shalt  }
0x4c: {  	_ =	shalt  }
0x4d: {  	_ =	shalt  }
0x4e: {  	_ =	shalt  }
0x4f: {  	_ =	shalt  }
0x50: {  	_ =	shalt  }
0x51: {  	_ =	shalt  }
0x52: {  	_ =	shalt  }
0x53: {  	_ =	shalt  }
0x54: {  	_ =	shalt  }
0x55: {  	_ =	shalt  }
0x56: {  	_ =	shalt  }
0x57: {  	_ =	shalt  }
0x58: {  	_ =	shalt  }
0x59: {  	_ =	shalt  }
0x5a: {  	_ =	shalt  }
0x5b: {  	_ =	shalt  }
0x5c: {  	_ =	shalt  }
0x5d: {  	_ =	shalt  }
0x5e: {  	_ =	shalt  }
0x5f: {  	_ =	shalt  }
0x60: {  	_ =	shalt  }
0x61: {  	_ =	shalt  }
0x62: {  	_ =	shalt  }
0x63: {  	_ =	shalt  }
0x64: {  	_ =	shalt  }
0x65: {  	_ =	shalt  }
0x66: {  	_ =	shalt  }
0x67: {  	_ =	shalt  }
0x68: {  	_ =	shalt  }
0x69: {  	_ =	shalt  }
0x6a: {  	_ =	shalt  }
0x6b: {  	_ =	shalt  }
0x6c: {  	_ =	shalt  }
0x6d: {  	_ =	shalt  }
0x6e: {  	_ =	shalt  }
0x6f: {  	_ =	shalt  }
0x70: {  	_ =	shalt  }
0x71: {  	_ =	shalt  }
0x72: {  	_ =	shalt  }
0x73: {  	_ =	shalt  }
0x74: {  	_ =	shalt  }
0x75: {  	_ =	shalt  }
0x76: {  	_ =	shalt  }
0x77: {  	_ =	shalt  }
0x78: {  	_ =	shalt  }
0x79: {  	_ =	shalt  }
0x7a: {  	_ =	shalt  }
0x7b: {  	_ =	shalt  }
0x7c: {  	_ =	shalt  }
0x7d: {  	_ =	shalt  }
0x7e: {  	_ =	shalt  }
0x7f: {  	_ =	shalt  }
0x80: {  	_ =	shalt  }
0x81: {  	_ =	shalt  }
0x82: {  	_ =	shalt  }
0x83: {  	_ =	shalt  }
0x84: {  	_ =	shalt  }
0x85: {  	_ =	shalt  }
0x86: {  	_ =	shalt  }
0x87: {  	_ =	shalt  }
.Lfunc_end0:
.L_simem_size_0:
called_computation.2_lowered:
.L_overlay_start_0:
0x88: {  	s2 =	sld [smem:$0x3FD9]  }
0x89: {  	s3 =	sld [smem:$0x3FFE];
	_ =	sdelay $0x1  }
0x8a: {  	s1 =	srdreg.scid  }
0x8b: {  	s0 =	sand.u32 $0x1, s1  }
0x8c: {  	s16 =	sshll.u32 s0, $0xA;
	s2 =	sadd.s32 s3, s2  }
0x8d: {  	s2 =	sadd.s32 s2, s16  }
0x8e: {  	[smem:$0x3FBC] =	sst s2  }
0x8f: {  	_ = 	snop  }
0x90: {  	(tm) =	ssettm $0x1  }
0x91: {  	s17 =	sld [smem:$0x3FFB];
	_ =	sdelay $0x3  }
0x92: {  	_ =	strace s17  }
0x93: {  	s2 =	sld [smem:$0x3FFC];
	_ =	sdelay $0x3  }
0x94: {  	_ =	strace s2  }
0x95: {  	s2 =	sld [smem:$0x3FFD];
	_ =	sdelay $0x3  }
0x96: {  	_ =	strace s2  }
0x97: {  	_ =	strace $0x8FFFFFFF  }
0x98: {  	s18 =	sld [smem:$0x3FDB];
	_ =	sdelay $0x1  }
0x99: {  	s19 =	simm.s32 $_scs_section_size  }
0x9a: {  	s4 =	simm.s32 $_size__tile_overlayer_lowered;
	s5 =	simm.s32 $_tile_overlayer_lowered  }
0x9b: {  	s22 =	simm.s32 $0x1BFF;
	s21 =	sshll.u32 s5, $0x1;
	s2 =	sadd.s32 s19, s18  }
0x9c: {  	s6 =	simm.s32 $0x0;
	s20 =	sshll.u32 s4, $0x1;
	s4 =	sadd.s32 s21, s2  }
0x9d: {  	[timem:s6], [sflag:s22] =	dma.local [hbm:s4], s20  }
0x9e: {  	_ =	swait.ge [sflag:s22], s20  }
0x9f: {  	s3 =	ssub.s32 $0x0, s20;
	[sflag:s22] =	ssyncset.done $0x0  }
0xa0: {  	[sflag:s22] =	ssyncadd.s32 s3;
	_ =	sdelay $0x1  }
0xa1: {  	s23 =	simm.s32 $0x1B8B  }
0xa2: {  	_ =	swait.ge [sflag:s23], $0x1  }
0xa3: {  	[sflag:s23] =	ssyncset.done $0x0  }
0xa4: {  	s25 =	simm.s32 $0x1B8E;
	s24 =	sld [smem:$0x3FFE];
	[sflag:s23] =	ssyncadd.s32 $0xFFFFFFFF  }
0xa5: {  	s26 =	simm.s32 $execute0_lowered;
	[smem:$0x3FD2] =	sst s25  }
0xa6: {  	s4 =	sshll.u32 s26, $0x1;
	_ =	strace $0x8000004C;
	[dreg:$0x1] =	wrdreg $0xFFFFFFFF  }
0xa7: {  	s28 =	simm.s32 $_size_execute0_lowered;
	s2 =	sadd.s32 s2, s4;
	[dreg:$0x0] =	wrdreg $0x0  }
0xa8: {  	s4 =	sshll.u32 s28, $0x1;
	[dreg:$0x2] =	wrdreg s2  }
0xa9: {  	[dreg:$0x3] =	wrdreg s4  }
0xaa: {  	[dreg:$0x4] =	wrdreg $0xC0  }
0xab: {  	_ =	task [dreg:s6], $0x5FFFF  }
0xac: {  	[dreg:$0x1] =	wrdreg $0xFFFFFFFF  }
0xad: {  	[dreg:$0x0] =	wrdreg $0x60  }
0xae: {  	[dreg:$0x2] =	wrdreg s24  }
0xaf: {  	[dreg:$0x3] =	wrdreg $0x54000  }
0xb0: {  	[dreg:$0x4] =	wrdreg $0x9  }
0xb1: {  	_ =	task.clear_ibuf [dreg:s6], $0x5FFFF;
	_ =	strace $0x9000004C  }
0xb2: {  	s29 =	simm.s32 $0x9;
	_ =	strace $0x8000004E  }
0xb3: {  	_ =	swait.ge [sflag:s29], $0x1  }
0xb4: {  	[sflag:s29] =	ssyncadd.s32 $0xFFFFFFFF  }
0xb5: {  	_ =	strace $0x9000004E  }
0xb6: {  	_ =	sfence  }
0xb7: {  	s30 =	sld [smem:$0x0];
	_ =	sdelay $0x2  }
0xb8: {  	s31 =	sshll.u32 s1, $0xD;
	s1 =	sshrl.u32 s1, $0x2  }
0xb9: {  	s3 =	sand.u32 $0x4000, s31;
	s1 =	sadd.s32 s1, s30  }
0xba: {  	s0 =	sor.u32 s3, s0;
	s1 =	sshll.u32 s1, $0x11  }
0xbb: {  	s0 =	sor.u32 s1, s0  }
0xbc: {  	s0 =	sadd.s32 $0x8F2B, s0  }
0xbd: {  	[sflag:s0] =	ssyncadd.remote.s32 $0x1  }
0xbe: {  	_ =	sfence.sel $0xFFFF  }
0xbf: {  	[dreg:$0x0] =	wrdreg $0xFFFFFFFF;
	(pc) =	sbr.abs _section_cstart, $3  }
0xc0: {  	[dreg:$0x1] =	wrdreg $0xFFFFFFFF  }
0xc1: {  	_ =	task.clear_ibuf [dreg:s6], $0x2FFFF;
	_ =	strace $0x9FFFFFFF  }
0xc2: {  	(tm) =	ssettm $0x7FFFFFFF  }
0xc3: {  	_ =	shalt  }
tec
execute0_lowered:
.L_overlay_start_1:
0x0: {  	(tag) =	ssettag $0x1  }
0x1: {  	s0 =	rddreg [dreg:$0x0]  }
0x2: {  	s1 =	rddreg [dreg:$0x1]  }
0x3: {  	s3 =	simm.s32 $0x0;
	s2 =	srdreg.scid;
	s13 =	stileid.u32  }
0x4: {  	s28 =	simm.s32 $0x50;
	s29 =	simm.s32 $0x400;
	s30 =	simm.s32 $0x2  }
0x5: {  	s31 =	simm.s32 $0x2C00;
	[smem:$0x7FF] =	sst s3;
	s8 =	smul.u32 $0x14000, s13  }
0x6: {  	s2 =	sand.u32 $0x1, s2;
	s4 =	sadd.s32 $0x16600, s0;
	s11 =	smul.u32 $0x50000, s13  }
0x7: {  	s5 =	sadd.s32 $0x2A00, s0;
	s6 =	sadd.s32 $0xC800, s0;
	s18 =	smul.u32 $0x2800, s13  }
0x8: {  	s9 =	sadd.s32 $0x3EC00, s0;
	s15 =	sshll.u32 s13, $0x1;
	s25 =	smul.u32 $0x4E20, s13  }
0x9: {  	s7 =	smul.u32 $0x140000, s2;
	_ =	strace $0x8000004D;
	s10 =	ssub.s32 $0x2, s2  }
0xa: {  	p0 =	seq.s32 s2, $0x0;
	s12 =	sshrl.u32 s10, $0x1;
	s17 =	sshrl.u32 s11, $0x2  }
0xb: {  	s9 =	smov.u32 @p0 s4;
	s7 =	sadd.s32 s8, s7;
	s8 =	sor.u32 s2, s15  }
0xc: {  	s16 =	ssub.s32 s10, s12;
	s10 =	sadd.s32 s17, s1;
	s2 =	smul.u32 $0x2710, s2  }
0xd: {  	s17 =	sshll.u32 s13, $0x6;
	s13 =	simm.s32 $0x4;
	s7 =	sshrl.u32 s7, $0x3  }
0xe: {  	s8 =	smul.u32 $0x2710, s8;
	[dreg:$0x9] =	wrdreg s10;
	s10 =	simm.s32 $0x6  }
0xf: {  	s0 =	sadd.s32 s7, s0;
	s2 =	sadd.s32 s2, s25;
	s7 =	smax.u32 s16, $0x1  }
0x10: {  	s16 =	sadd.s32 s9, s18;
	s9 =	simm.s32 $0x7;
	s8 =	sshrl.u32 s8, $0x3  }
0x11: {  	s0 =	sadd.s32 $0x66C00, s0;
	s15 =	sadd.s32 $0x1E0, s2;
	[dreg:$0x15] =	wrdreg s7  }
0x12: {  	[dreg:$0x16] =	wrdreg s16;
	s7 =	simm.s32 $0x300;
	s16 =	simm.s32 $0x0  }
0x13: {  	s19 =	sadd.s32 s5, s8;
	s20 =	sadd.s32 $0xA, s8;
	[dreg:$0x14] =	wrdreg s0  }
0x14: {  	s21 =	sadd.s32 s6, s8;
	s23 =	sadd.s32 $0x14, s8;
	[dreg:$0xa] =	wrdreg s19  }
0x15: {  	s26 =	sadd.s32 $0x4CE, s8;
	[dreg:$0xb] =	wrdreg s21;
	s22 =	sadd.s32 s5, s20  }
0x16: {  	s8 =	sadd.s32 $0x4D8, s8;
	s11 =	sadd.s32 s6, s20;
	[dreg:$0xc] =	wrdreg s22  }
0x17: {  	s0 =	sshrl.u32 s15, $0x3;
	s24 =	sadd.s32 s5, s23;
	[dreg:$0xd] =	wrdreg s11  }
0x18: {  	s15 =	simm.s32 $0x1;
	s12 =	sadd.s32 s6, s23;
	[dreg:$0xe] =	wrdreg s24  }
0x19: {  	s14 =	sadd.s32 s5, s26;
	s18 =	sadd.s32 s0, s6;
	[dreg:$0xf] =	wrdreg s12  }
0x1a: {  	s19 =	sadd.s32 $0x190, s2;
	s0 =	sadd.s32 s0, s5;
	[dreg:$0x10] =	wrdreg s14  }
0x1b: {  	s12 =	sadd.s32 s6, s26;
	s14 =	sadd.s32 s5, s8;
	[dreg:$0x3] =	wrdreg s18  }
0x1c: {  	s8 =	sadd.s32 s6, s8;
	s20 =	sshrl.u32 s19, $0x3;
	[dreg:$0x4] =	wrdreg s0  }
0x1d: {  	s22 =	sadd.s32 $0xF0, s2;
	s19 =	sor.u32 $0x1C09, s17;
	[dreg:$0x11] =	wrdreg s12  }
0x1e: {  	s2 =	sadd.s32 $0x140, s2;
	s0 =	simm.s32 $0x5;
	[dreg:$0x12] =	wrdreg s14  }
0x1f: {  	s11 =	simm.s32 $0x180;
	[dreg:$0x13] =	wrdreg s8;
	s21 =	sadd.s32 s20, s6  }
0x20: {  	s23 =	sadd.s32 s20, s5;
	s24 =	sshrl.u32 s22, $0x3;
	[dreg:$0x18] =	wrdreg s2  }
0x21: {  	s2 =	simm.s32 $0x100;
	s8 =	simm.s32 $0x3;
	[dreg:$0x17] =	wrdreg s19  }
0x22: {  	s12 =	simm.s32 $0x380;
	s14 =	simm.s32 $0x8;
	[dreg:$0x5] =	wrdreg s21  }
0x23: {  	[dreg:$0x6] =	wrdreg s23;
	s25 =	sadd.s32 s24, s6;
	s26 =	sadd.s32 s24, s5  }
0x24: {  	s23 =	simm.s32 $0x9;
	s24 =	simm.s32 $0x200;
	[dreg:$0x7] =	wrdreg s25  }
0x25: {  	[dreg:$0x8] =	wrdreg s26;
	s25 =	simm.s32 $0x80;
	s26 =	simm.s32 $0x280  }
.LBB2_1:
0x26: {  	s17 =	rddreg [dreg:$0x9]  }
0x27: {  	s18 =	rddreg [dreg:$0x16];
	s17 =	sshrl.u32 s17, $0x3  }
0x28: {  	[spmem:s17], [sflag:s19] =	dma.local [hbm:s18], $0x2800  }
0x29: {  	_ =	swait.ge [sflag:s23], $0x2800  }
0x2a: {  	[sflag:s23] =	ssyncset.done $0x0  }
0x2b: {  	[sflag:s23] =	ssyncadd.s32 $0xFFFFD800  }
0x2c: {  	[bflag:$0x0] =	sbarrier.arrive $0xFFFF  }
0x2d: {  	s19 =	rddreg [dreg:$0xa]  }
0x2e: {  	[tilespmem:s3], [sflag:$0x9] =	stream.linear.gather [hbm4b:s19+s3], $0x50, $0x38;
	[tilespmem:$0x19400] =	vst v63  }
0x2f: {  	_ =	swait.ge [sflag:s23], $0x50  }
0x30: {  	[sflag:s23] =	ssyncset.done $0x0  }
0x31: {  	s20 =	rddreg [dreg:$0xb];
	[sflag:s23] =	ssyncadd.s32 $0xFFFFFFB0  }
0x32: {  	[tilespmem:s24], [sflag:$0x9] =	stream.linear.gather [hbm4b:s20+s3], $0x50, $0x38;
	[tilespmem:$0x19400] =	vst v63  }
0x33: {  	_ =	swait.ge [sflag:s23], $0x50  }
0x34: {  	[sflag:s23] =	ssyncset.done $0x0  }
0x35: {  	s21 =	rddreg [dreg:$0xc];
	[sflag:s23] =	ssyncadd.s32 $0xFFFFFFB0  }
0x36: {  	[tilespmem:s25], [sflag:$0x2] =	stream.linear.gather [hbm4b:s21+s3], $0x50, $0x38;
	[tilespmem:$0x19400] =	vst v63  }
0x37: {  	s22 =	rddreg [dreg:$0xd]  }
0x38: {  	[tilespmem:s26], [sflag:$0x2] =	stream.linear.gather [hbm4b:s22+s3], $0x50, $0x38;
	[tilespmem:$0x19400] =	vst v63  }
0x39: {  	_ = 	snop  }
0x3a: {  	[tilespmem:s29], [sflag:$0x5] =	stream.indirect.gather [hbm4b:s4+s28], $0x80, s3, s28, $0xb8;
	[tilespmem:$0x19400] =	vst v63  }
0x3b: {  	_ =	swait.ge [sflag:s30], $0x50  }
0x3c: {  	[sflag:s30] =	ssyncset.done $0x0  }
0x3d: {  	[sflag:s30] =	ssyncadd.s32 $0xFFFFFFB0  }
0x3e: {  	_ =	swait.ge [sflag:s30], $0x50  }
0x3f: {  	[sflag:s30] =	ssyncset.done $0x0  }
0x40: {  	[sflag:s30] =	ssyncadd.s32 $0xFFFFFFB0  }
0x41: {  	[tilespmem:s31], [sflag:$0x6] =	stream.indirect.gather [hbm4b:s4+s28], $0x80, s25, s28, $0xb8;
	[tilespmem:$0x19400] =	vst v63  }
0x42: {  	_ =	swait.ge [sflag:s0], $0x2800  }
0x43: {  	[sflag:s0] =	ssyncset.done $0x0  }
0x44: {  	[sflag:s0] =	ssyncadd.s32 $0xFFFFD800  }
0x45: {  	[spmem:s1] =	stream.indirect.scatter.add.f32 [tilespmem:s29], [sflag:$0x7], $0x80, s24, s28, $0xb8;
	[tilespmem:$0x19400] =	vst v63  }
0x46: {  	s19 =	rddreg [dreg:$0xe]  }
0x47: {  	[tilespmem:s2], [sflag:$0x3] =	stream.linear.gather [hbm4b:s19+s3], $0x50, $0x38;
	[tilespmem:$0x19400] =	vst v63  }
0x48: {  	s20 =	rddreg [dreg:$0xf]  }
0x49: {  	[tilespmem:s7], [sflag:$0x3] =	stream.linear.gather [hbm4b:s20+s3], $0x50, $0x38;
	[tilespmem:$0x19400] =	vst v63  }
0x4a: {  	_ =	swait.ge [sflag:s8], $0x50  }
0x4b: {  	[sflag:s8] =	ssyncset.done $0x0  }
0x4c: {  	[sflag:s8] =	ssyncadd.s32 $0xFFFFFFB0  }
0x4d: {  	_ =	swait.ge [sflag:s8], $0x50  }
0x4e: {  	[sflag:s8] =	ssyncset.done $0x0  }
0x4f: {  	[sflag:s8] =	ssyncadd.s32 $0xFFFFFFB0  }
0x50: {  	_ =	swait.ge [sflag:s9], $0x2800  }
0x51: {  	[sflag:s9] =	ssyncset.done $0x0  }
0x52: {  	[sflag:s9] =	ssyncadd.s32 $0xFFFFD800  }
0x53: {  	[tilespmem:s29], [sflag:$0x5] =	stream.indirect.gather [hbm4b:s4+s28], $0x80, s2, s28, $0xb8;
	[tilespmem:$0x19400] =	vst v63  }
0x54: {  	_ =	swait.ge [sflag:s10], $0x2800  }
0x55: {  	[sflag:s10] =	ssyncset.done $0x0  }
0x56: {  	s21 =	rddreg [dreg:$0x8];
	[sflag:s10] =	ssyncadd.s32 $0xFFFFD800  }
0x57: {  	[spmem:s1] =	stream.indirect.scatter.add.f32 [tilespmem:s31], [sflag:$0x8], $0x80, s26, s28, $0xb8;
	[tilespmem:$0x19400] =	vst v63  }
0x58: {  	s22 =	rddreg [dreg:$0x7];
	s18 =	sadd.s32 $0x0, s21  }
0x59: {  	[tilespmem:s11], [sflag:$0x4] =	stream.linear.gather [hbm4b:s18+s3], $0x50, $0x38;
	[tilespmem:$0x19400] =	vst v63  }
0x5a: {  	s19 =	sadd.s32 $0x0, s22  }
0x5b: {  	[tilespmem:s12], [sflag:$0x4] =	stream.linear.gather [hbm4b:s19+s3], $0x50, $0x38;
	[tilespmem:$0x19400] =	vst v63  }
0x5c: {  	_ =	swait.ge [sflag:s13], $0x50  }
0x5d: {  	[sflag:s13] =	ssyncset.done $0x0  }
0x5e: {  	[sflag:s13] =	ssyncadd.s32 $0xFFFFFFB0  }
0x5f: {  	_ =	swait.ge [sflag:s13], $0x50  }
0x60: {  	[sflag:s13] =	ssyncset.done $0x0  }
0x61: {  	[sflag:s13] =	ssyncadd.s32 $0xFFFFFFB0  }
0x62: {  	_ =	swait.ge [sflag:s14], $0x2800  }
0x63: {  	[sflag:s14] =	ssyncset.done $0x0  }
0x64: {  	[sflag:s14] =	ssyncadd.s32 $0xFFFFD800  }
0x65: {  	[tilespmem:s31], [sflag:$0x6] =	stream.indirect.gather [hbm4b:s4+s28], $0x80, s11, s28, $0xb8;
	[tilespmem:$0x19400] =	vst v63  }
0x66: {  	_ =	swait.ge [sflag:s0], $0x2800  }
0x67: {  	[sflag:s0] =	ssyncset.done $0x0;
	s21 =	rddreg [dreg:$0x18]  }
0x68: {  	[sflag:s0] =	ssyncadd.s32 $0xFFFFD800;
	s20 =	sshrl.u32 s21, $0x3  }
0x69: {  	[spmem:s1] =	stream.indirect.scatter.add.f32 [tilespmem:s29], [sflag:$0x7], $0x80, s7, s28, $0xb8;
	[tilespmem:$0x19400] =	vst v63  }
0x6a: {  	s22 =	sadd.s32 s5, s20  }
0x6b: {  	[tilespmem:s3], [sflag:$0x1] =	stream.linear.gather [hbm4b:s22+s3], $0x50, $0x38;
	[tilespmem:$0x19400] =	vst v63  }
0x6c: {  	s18 =	sadd.s32 s6, s20  }
0x6d: {  	[tilespmem:s24], [sflag:$0x1] =	stream.linear.gather [hbm4b:s18+s3], $0x50, $0x38;
	[tilespmem:$0x19400] =	vst v63  }
0x6e: {  	_ =	swait.ge [sflag:s15], $0x50  }
0x6f: {  	[sflag:s15] =	ssyncset.done $0x0  }
0x70: {  	[sflag:s15] =	ssyncadd.s32 $0xFFFFFFB0  }
0x71: {  	_ =	swait.ge [sflag:s15], $0x50  }
0x72: {  	[sflag:s15] =	ssyncset.done $0x0  }
0x73: {  	[sflag:s15] =	ssyncadd.s32 $0xFFFFFFB0  }
0x74: {  	_ =	swait.ge [sflag:s9], $0x2800  }
0x75: {  	[sflag:s9] =	ssyncset.done $0x0  }
0x76: {  	[sflag:s9] =	ssyncadd.s32 $0xFFFFD800  }
0x77: {  	[tilespmem:s29], [sflag:$0x5] =	stream.indirect.gather [hbm4b:s4+s28], $0x80, s3, s28, $0xb8;
	[tilespmem:$0x19400] =	vst v63  }
0x78: {  	_ =	swait.ge [sflag:s10], $0x2800  }
0x79: {  	[sflag:s10] =	ssyncset.done $0x0  }
0x7a: {  	s20 =	rddreg [dreg:$0x6];
	[sflag:s10] =	ssyncadd.s32 $0xFFFFD800  }
0x7b: {  	[spmem:s1] =	stream.indirect.scatter.add.f32 [tilespmem:s31], [sflag:$0x8], $0x80, s12, s28, $0xb8;
	[tilespmem:$0x19400] =	vst v63  }
0x7c: {  	s22 =	rddreg [dreg:$0x5];
	s18 =	sadd.s32 $0x0, s20  }
0x7d: {  	[tilespmem:s25], [sflag:$0x2] =	stream.linear.gather [hbm4b:s18+s3], $0x50, $0x38;
	[tilespmem:$0x19400] =	vst v63  }
0x7e: {  	s19 =	sadd.s32 $0x0, s22  }
0x7f: {  	[tilespmem:s26], [sflag:$0x2] =	stream.linear.gather [hbm4b:s19+s3], $0x50, $0x38;
	[tilespmem:$0x19400] =	vst v63  }
0x80: {  	_ =	swait.ge [sflag:s30], $0x50  }
0x81: {  	[sflag:s30] =	ssyncset.done $0x0  }
0x82: {  	[sflag:s30] =	ssyncadd.s32 $0xFFFFFFB0  }
0x83: {  	_ =	swait.ge [sflag:s30], $0x50  }
0x84: {  	[sflag:s30] =	ssyncset.done $0x0  }
0x85: {  	[sflag:s30] =	ssyncadd.s32 $0xFFFFFFB0  }
0x86: {  	_ =	swait.ge [sflag:s14], $0x2800  }
0x87: {  	[sflag:s14] =	ssyncset.done $0x0  }
0x88: {  	[sflag:s14] =	ssyncadd.s32 $0xFFFFD800  }
0x89: {  	[tilespmem:s31], [sflag:$0x6] =	stream.indirect.gather [hbm4b:s4+s28], $0x80, s25, s28, $0xb8;
	[tilespmem:$0x19400] =	vst v63  }
0x8a: {  	_ =	swait.ge [sflag:s0], $0x2800  }
0x8b: {  	[sflag:s0] =	ssyncset.done $0x0  }
0x8c: {  	s20 =	rddreg [dreg:$0x4];
	[sflag:s0] =	ssyncadd.s32 $0xFFFFD800  }
0x8d: {  	[spmem:s1] =	stream.indirect.scatter.add.f32 [tilespmem:s29], [sflag:$0x7], $0x80, s24, s28, $0xb8;
	[tilespmem:$0x19400] =	vst v63  }
0x8e: {  	s22 =	rddreg [dreg:$0x3];
	s18 =	sadd.s32 $0x0, s20  }
0x8f: {  	[tilespmem:s2], [sflag:$0x3] =	stream.linear.gather [hbm4b:s18+s3], $0x50, $0x38;
	[tilespmem:$0x19400] =	vst v63  }
0x90: {  	s19 =	sadd.s32 $0x140, s21;
	s20 =	sadd.s32 $0x0, s22;
	s18 =	simm.s32 $0x28  }
.LBB2_2:
0x91: {  	[tilespmem:s7], [sflag:$0x3] =	stream.linear.gather [hbm4b:s20+s3], $0x50, $0x38;
	[tilespmem:$0x19400] =	vst v63  }
0x92: {  	_ =	swait.ge [sflag:s8], $0x50  }
0x93: {  	[sflag:s8] =	ssyncset.done $0x0  }
0x94: {  	[sflag:s8] =	ssyncadd.s32 $0xFFFFFFB0  }
0x95: {  	_ =	swait.ge [sflag:s8], $0x50  }
0x96: {  	[sflag:s8] =	ssyncset.done $0x0  }
0x97: {  	[sflag:s8] =	ssyncadd.s32 $0xFFFFFFB0  }
0x98: {  	_ =	swait.ge [sflag:s9], $0x2800  }
0x99: {  	[sflag:s9] =	ssyncset.done $0x0  }
0x9a: {  	[sflag:s9] =	ssyncadd.s32 $0xFFFFD800  }
0x9b: {  	[tilespmem:s29], [sflag:$0x5] =	stream.indirect.gather [hbm4b:s4+s28], $0x80, s2, s28, $0xb8;
	[tilespmem:$0x19400] =	vst v63  }
0x9c: {  	_ =	swait.ge [sflag:s10], $0x2800  }
0x9d: {  	[sflag:s10] =	ssyncset.done $0x0  }
0x9e: {  	s20 =	smov.u32 s18;
	s21 =	rddreg [dreg:$0x8];
	[sflag:s10] =	ssyncadd.s32 $0xFFFFD800  }
0x9f: {  	[spmem:s1] =	stream.indirect.scatter.add.f32 [tilespmem:s31], [sflag:$0x8], $0x80, s26, s28, $0xb8;
	[tilespmem:$0x19400] =	vst v63  }
0xa0: {  	s22 =	rddreg [dreg:$0x7];
	s21 =	sadd.s32 s20, s21  }
0xa1: {  	[tilespmem:s11], [sflag:$0x4] =	stream.linear.gather [hbm4b:s21+s3], $0x50, $0x38;
	[tilespmem:$0x19400] =	vst v63  }
0xa2: {  	s22 =	sadd.s32 s20, s22  }
0xa3: {  	[tilespmem:s12], [sflag:$0x4] =	stream.linear.gather [hbm4b:s22+s3], $0x50, $0x38;
	[tilespmem:$0x19400] =	vst v63  }
0xa4: {  	_ =	swait.ge [sflag:s13], $0x50  }
0xa5: {  	[sflag:s13] =	ssyncset.done $0x0  }
0xa6: {  	[sflag:s13] =	ssyncadd.s32 $0xFFFFFFB0  }
0xa7: {  	_ =	swait.ge [sflag:s13], $0x50  }
0xa8: {  	[sflag:s13] =	ssyncset.done $0x0  }
0xa9: {  	[sflag:s13] =	ssyncadd.s32 $0xFFFFFFB0  }
0xaa: {  	_ =	swait.ge [sflag:s14], $0x2800  }
0xab: {  	[sflag:s14] =	ssyncset.done $0x0  }
0xac: {  	[sflag:s14] =	ssyncadd.s32 $0xFFFFD800  }
0xad: {  	[tilespmem:s31], [sflag:$0x6] =	stream.indirect.gather [hbm4b:s4+s28], $0x80, s11, s28, $0xb8;
	[tilespmem:$0x19400] =	vst v63  }
0xae: {  	_ =	swait.ge [sflag:s0], $0x2800  }
0xaf: {  	[sflag:s0] =	ssyncset.done $0x0  }
0xb0: {  	s21 =	sshrl.u32 s19, $0x3;
	[sflag:s0] =	ssyncadd.s32 $0xFFFFD800  }
0xb1: {  	[spmem:s1] =	stream.indirect.scatter.add.f32 [tilespmem:s29], [sflag:$0x7], $0x80, s7, s28, $0xb8;
	[tilespmem:$0x19400] =	vst v63  }
0xb2: {  	s22 =	sadd.s32 s5, s21  }
0xb3: {  	[tilespmem:s3], [sflag:$0x1] =	stream.linear.gather [hbm4b:s22+s3], $0x50, $0x38;
	[tilespmem:$0x19400] =	vst v63  }
0xb4: {  	s21 =	sadd.s32 s6, s21  }
0xb5: {  	[tilespmem:s24], [sflag:$0x1] =	stream.linear.gather [hbm4b:s21+s3], $0x50, $0x38;
	[tilespmem:$0x19400] =	vst v63  }
0xb6: {  	_ =	swait.ge [sflag:s15], $0x50  }
0xb7: {  	[sflag:s15] =	ssyncset.done $0x0  }
0xb8: {  	[sflag:s15] =	ssyncadd.s32 $0xFFFFFFB0  }
0xb9: {  	_ =	swait.ge [sflag:s15], $0x50  }
0xba: {  	[sflag:s15] =	ssyncset.done $0x0  }
0xbb: {  	[sflag:s15] =	ssyncadd.s32 $0xFFFFFFB0  }
0xbc: {  	_ =	swait.ge [sflag:s9], $0x2800  }
0xbd: {  	[sflag:s9] =	ssyncset.done $0x0  }
0xbe: {  	[sflag:s9] =	ssyncadd.s32 $0xFFFFD800  }
0xbf: {  	[tilespmem:s29], [sflag:$0x5] =	stream.indirect.gather [hbm4b:s4+s28], $0x80, s3, s28, $0xb8;
	[tilespmem:$0x19400] =	vst v63  }
0xc0: {  	_ =	swait.ge [sflag:s10], $0x2800  }
0xc1: {  	[sflag:s10] =	ssyncset.done $0x0  }
0xc2: {  	s21 =	rddreg [dreg:$0x6];
	[sflag:s10] =	ssyncadd.s32 $0xFFFFD800  }
0xc3: {  	[spmem:s1] =	stream.indirect.scatter.add.f32 [tilespmem:s31], [sflag:$0x8], $0x80, s12, s28, $0xb8;
	[tilespmem:$0x19400] =	vst v63  }
0xc4: {  	s22 =	rddreg [dreg:$0x5];
	s21 =	sadd.s32 s20, s21  }
0xc5: {  	[tilespmem:s25], [sflag:$0x2] =	stream.linear.gather [hbm4b:s21+s3], $0x50, $0x38;
	[tilespmem:$0x19400] =	vst v63  }
0xc6: {  	s22 =	sadd.s32 s20, s22  }
0xc7: {  	[tilespmem:s26], [sflag:$0x2] =	stream.linear.gather [hbm4b:s22+s3], $0x50, $0x38;
	[tilespmem:$0x19400] =	vst v63  }
0xc8: {  	_ =	swait.ge [sflag:s30], $0x50  }
0xc9: {  	[sflag:s30] =	ssyncset.done $0x0  }
0xca: {  	[sflag:s30] =	ssyncadd.s32 $0xFFFFFFB0  }
0xcb: {  	_ =	swait.ge [sflag:s30], $0x50  }
0xcc: {  	[sflag:s30] =	ssyncset.done $0x0  }
0xcd: {  	[sflag:s30] =	ssyncadd.s32 $0xFFFFFFB0  }
0xce: {  	_ =	swait.ge [sflag:s14], $0x2800  }
0xcf: {  	[sflag:s14] =	ssyncset.done $0x0  }
0xd0: {  	[sflag:s14] =	ssyncadd.s32 $0xFFFFD800  }
0xd1: {  	[tilespmem:s31], [sflag:$0x6] =	stream.indirect.gather [hbm4b:s4+s28], $0x80, s25, s28, $0xb8;
	[tilespmem:$0x19400] =	vst v63  }
0xd2: {  	p0 =	sne.s32 s18, $0x488;
	_ =	swait.ge [sflag:s0], $0x2800  }
.Ltmp0:
0xd3: {  	[sflag:s0] =	ssyncset.done $0x0;
	s21 =	rddreg [dreg:$0x4];
	(pc) =	sbr.rel @p0 .LBB2_2-.Ltmp0, $4  }
0xd4: {  	s18 =	sadd.s32 $0x28, s18;
	s22 =	rddreg [dreg:$0x3];
	[sflag:s0] =	ssyncadd.s32 $0xFFFFD800  }
0xd5: {  	[spmem:s1] =	stream.indirect.scatter.add.f32 [tilespmem:s29], [sflag:$0x7], $0x80, s24, s28, $0xb8;
	[tilespmem:$0x19400] =	vst v63  }
0xd6: {  	s19 =	sadd.s32 $0x140, s19;
	s21 =	sadd.s32 s20, s21;
	s20 =	sadd.s32 s20, s22  }
0xd7: {  	[tilespmem:s2], [sflag:$0x3] =	stream.linear.gather [hbm4b:s21+s3], $0x50, $0x38;
	[tilespmem:$0x19400] =	vst v63  }
0xd8: {  	[tilespmem:s7], [sflag:$0x3] =	stream.linear.gather [hbm4b:s20+s3], $0x50, $0x38;
	[tilespmem:$0x19400] =	vst v63  }
0xd9: {  	_ =	swait.ge [sflag:s8], $0x50  }
0xda: {  	[sflag:s8] =	ssyncset.done $0x0  }
0xdb: {  	[sflag:s8] =	ssyncadd.s32 $0xFFFFFFB0  }
0xdc: {  	_ =	swait.ge [sflag:s8], $0x50  }
0xdd: {  	[sflag:s8] =	ssyncset.done $0x0  }
0xde: {  	[sflag:s8] =	ssyncadd.s32 $0xFFFFFFB0  }
0xdf: {  	_ =	swait.ge [sflag:s9], $0x2800  }
0xe0: {  	[sflag:s9] =	ssyncset.done $0x0  }
0xe1: {  	[sflag:s9] =	ssyncadd.s32 $0xFFFFD800  }
0xe2: {  	[tilespmem:s29], [sflag:$0x5] =	stream.indirect.gather [hbm4b:s4+s28], $0x80, s2, s28, $0xb8;
	[tilespmem:$0x19400] =	vst v63  }
0xe3: {  	_ =	swait.ge [sflag:s10], $0x2800  }
0xe4: {  	[sflag:s10] =	ssyncset.done $0x0  }
0xe5: {  	[sflag:s10] =	ssyncadd.s32 $0xFFFFD800  }
0xe6: {  	[spmem:s1] =	stream.indirect.scatter.add.f32 [tilespmem:s31], [sflag:$0x8], $0x80, s26, s28, $0xb8;
	[tilespmem:$0x19400] =	vst v63  }
0xe7: {  	s18 =	rddreg [dreg:$0x10]  }
0xe8: {  	[tilespmem:s11], [sflag:$0x4] =	stream.linear.gather [hbm4b:s18+s3], $0x50, $0x38;
	[tilespmem:$0x19400] =	vst v63  }
0xe9: {  	s22 =	rddreg [dreg:$0x11]  }
0xea: {  	[tilespmem:s12], [sflag:$0x4] =	stream.linear.gather [hbm4b:s22+s3], $0x50, $0x38;
	[tilespmem:$0x19400] =	vst v63  }
0xeb: {  	_ =	swait.ge [sflag:s13], $0x50  }
0xec: {  	[sflag:s13] =	ssyncset.done $0x0  }
0xed: {  	[sflag:s13] =	ssyncadd.s32 $0xFFFFFFB0  }
0xee: {  	_ =	swait.ge [sflag:s13], $0x50  }
0xef: {  	[sflag:s13] =	ssyncset.done $0x0  }
0xf0: {  	[sflag:s13] =	ssyncadd.s32 $0xFFFFFFB0  }
0xf1: {  	_ =	swait.ge [sflag:s14], $0x2800  }
0xf2: {  	[sflag:s14] =	ssyncset.done $0x0  }
0xf3: {  	[sflag:s14] =	ssyncadd.s32 $0xFFFFD800  }
0xf4: {  	[tilespmem:s31], [sflag:$0x6] =	stream.indirect.gather [hbm4b:s4+s28], $0x80, s11, s28, $0xb8;
	[tilespmem:$0x19400] =	vst v63  }
0xf5: {  	_ =	swait.ge [sflag:s0], $0x2800  }
0xf6: {  	[sflag:s0] =	ssyncset.done $0x0  }
0xf7: {  	[sflag:s0] =	ssyncadd.s32 $0xFFFFD800  }
0xf8: {  	[spmem:s1] =	stream.indirect.scatter.add.f32 [tilespmem:s29], [sflag:$0x7], $0x80, s7, s28, $0xb8;
	[tilespmem:$0x19400] =	vst v63  }
0xf9: {  	s19 =	rddreg [dreg:$0x12]  }
0xfa: {  	[tilespmem:s3], [sflag:$0x1] =	stream.linear.gather [hbm4b:s19+s3], $0x50, $0x38;
	[tilespmem:$0x19400] =	vst v63  }
0xfb: {  	s20 =	rddreg [dreg:$0x13]  }
0xfc: {  	[tilespmem:s24], [sflag:$0x1] =	stream.linear.gather [hbm4b:s20+s3], $0x50, $0x38;
	[tilespmem:$0x19400] =	vst v63  }
0xfd: {  	_ =	swait.ge [sflag:s15], $0x50  }
0xfe: {  	[sflag:s15] =	ssyncset.done $0x0  }
0xff: {  	[sflag:s15] =	ssyncadd.s32 $0xFFFFFFB0  }
0x100: {  	_ =	swait.ge [sflag:s15], $0x50  }
0x101: {  	[sflag:s15] =	ssyncset.done $0x0  }
0x102: {  	[sflag:s15] =	ssyncadd.s32 $0xFFFFFFB0  }
0x103: {  	_ =	swait.ge [sflag:s9], $0x2800  }
0x104: {  	[sflag:s9] =	ssyncset.done $0x0  }
0x105: {  	[sflag:s9] =	ssyncadd.s32 $0xFFFFD800  }
0x106: {  	[tilespmem:s29], [sflag:$0x5] =	stream.indirect.gather [hbm4b:s4+s28], $0x80, s3, s28, $0xb8;
	[tilespmem:$0x19400] =	vst v63  }
0x107: {  	_ =	swait.ge [sflag:s10], $0x2800  }
0x108: {  	[sflag:s10] =	ssyncset.done $0x0  }
0x109: {  	[sflag:s10] =	ssyncadd.s32 $0xFFFFD800  }
0x10a: {  	[spmem:s1] =	stream.indirect.scatter.add.f32 [tilespmem:s31], [sflag:$0x8], $0x80, s12, s28, $0xb8;
	[tilespmem:$0x19400] =	vst v63  }
0x10b: {  	_ =	swait.ge [sflag:s0], $0x2800  }
0x10c: {  	[sflag:s0] =	ssyncset.done $0x0  }
0x10d: {  	[sflag:s0] =	ssyncadd.s32 $0xFFFFD800  }
0x10e: {  	[spmem:s1] =	stream.indirect.scatter.add.f32 [tilespmem:s29], [sflag:$0x7], $0x80, s24, s28, $0xb8;
	[tilespmem:$0x19400] =	vst v63  }
0x10f: {  	_ =	swait.ge [sflag:s9], $0x2800  }
0x110: {  	[sflag:s9] =	ssyncset.done $0x0  }
0x111: {  	[sflag:s9] =	ssyncadd.s32 $0xFFFFD800  }
0x112: {  	_ =	swait.ge [sflag:s14], $0x2800  }
0x113: {  	[sflag:s14] =	ssyncset.done $0x0  }
0x114: {  	[sflag:s14] =	ssyncadd.s32 $0xFFFFD800  }
0x115: {  	[bflag:$0x0] =	sbarrier.arrive $0xFFFF  }
0x116: {  	s21 =	rddreg [dreg:$0x14]  }
0x117: {  	s19 =	rddreg [dreg:$0x17]  }
0x118: {  	[hbm:s21], [sflag:s19] =	dma.local [spmem:s17], $0x2800  }
0x119: {  	_ =	swait.ge [sflag:s23], $0x2800  }
0x11a: {  	s16 =	sadd.s32 $0x1, s16;
	s22 =	rddreg [dreg:$0x15]  }
0x11b: {  	p0 =	sne.s32 s16, s22  }
.Ltmp1:
0x11c: {  	_ = 	snop;
	(pc) =	sbr.rel @p0 .LBB2_1-.Ltmp1, $3  }
0x11d: {  	_ =	sdelay $0x1  }
0x11e: {  	[sflag:s23] =	ssyncset.done $0x0  }
0x11f: {  	[sflag:s23] =	ssyncadd.s32 $0xFFFFD800  }
0x120: {  	_ =	sfence.sel $0x180000  }
0x121: {  	[bflag:$0x0] =	sbarrier.arrive $0xFFFF  }
0x122: {  	_ =	strace $0x9000004D  }
0x123: {  	s0 =	stileid.u32;
	[bflag:$0x2] =	sbarrier.arrive $0xFFFF  }
0x124: {  	p0 =	sne.s32 s0, $0x0;
	s0 =	rddreg [dreg:$0x2]  }
0x125: {  	s0 =	sadd.s32 @!p0 $0x100000, s0  }
0x126: {  	[sflag:s0] =	ssyncadd.tile.s32 @!p0 $0x1;
	_ =	shalt  }
.Lfunc_end2:
_tile_overlayer_lowered:
.L_overlay_start_2:
0x127: {  	(tag) =	ssettag $0x2  }
0x128: {  	s0 =	rddreg [dreg:$0x0];
	s2 =	stileid.u32  }
0x129: {  	s1 =	rddreg [dreg:$0x1];
	p0 =	sne.s32 s2, $0x0  }
0x12a: {  	s3 =	rddreg [dreg:$0x2];
	[bflag:$0x3] =	sbarrier.arrive $0xFFFF;
	s2 =	simm.s32 @!p0 $0x1C09  }
0x12b: {  	[timem:s3], [sflag:s2] =	dma.local @!p0 [hbm:s0], s1  }
0x12c: {  	s0 =	simm.s32 @!p0 $0x9  }
0x12d: {  	_ =	swait.ge @!p0 [sflag:s0], s1  }
0x12e: {  	s1 =	ssub.s32 @!p0 $0x0, s1;
	[sflag:s0] =	ssyncset.done @!p0 $0x0  }
0x12f: {  	[sflag:s0] =	ssyncadd.s32 @!p0 s1  }
0x130: {  	[bflag:$0x3] =	sbarrier.arrive $0xFFFF  }
0x131: {  	_ =	shalt  }

// kernel: kernel.8.cloned.1.call-start
scs
__scs_entry_jumppad:
0x0: {  	(pc) =	sbr.rel $0x88, $3  }
0x1: {  	(tag) =	ssettag $0x0;
	lr =	simm.s32 $0x1  }
0x2: {  	[smem:$0x3F95] =	sst lr;
	_ =	strace $0xD0000000  }
0x3: {  	_ = 	snop  }
0x4: {  	_ = 	snop  }
0x5: {  	_ = 	snop  }
0x6: {  	_ = 	snop  }
0x7: {  	_ = 	snop  }
__scs_overlays_trampoline_lowered:
0x8: {  	[smem:$0x3FA4] =	sst s0  }
0x9: {  	[smem:$0x3FA5] =	sst s1  }
0xa: {  	[smem:$0x3FA6] =	sst s2  }
0xb: {  	[smem:$0x3FA7] =	sst s3  }
0xc: {  	[smem:$0x3FA8] =	sst s4  }
0xd: {  	[smem:$0x3FA9] =	sst s5  }
0xe: {  	[smem:$0x3FAA] =	sst s6  }
0xf: {  	[smem:$0x3FAB] =	sst s7  }
0x10: {  	[smem:$0x3FAC] =	sst s8  }
0x11: {  	[smem:$0x3FAD] =	sst s9;
	s0 =	simm.s32 @!p0 $0x0  }
0x12: {  	s1 =	sld [smem:$0x3F93];
	s0 =	simm.s32 @p0 $0x1  }
0x13: {  	[smem:$0x3FAE] =	sst s0;
	s0 =	simm.s32 @!p1 $0x0  }
0x14: {  	s2 =	sld [smem:$0x3F92];
	s0 =	simm.s32 @p1 $0x1  }
0x15: {  	[smem:$0x3FAF] =	sst s0;
	s0 =	simm.s32 @!p2 $0x0  }
0x16: {  	s3 =	sld [smem:$0x3FDB];
	s0 =	simm.s32 @p2 $0x1  }
0x17: {  	s4 =	simm.s32 $0x1BF5;
	[smem:$0x3FB1] =	sst s0  }
0x18: {  	s0 =	sld [smem:$0x3F94];
	_ =	swait.ge [sflag:s4], $0x0  }
0x19: {  	s7 =	sld [smem:$0x3F95]  }
0x1a: {  	s8 =	sadd.s32 $0xFFFFE003, lr  }
0x1b: {  	s9 =	sadd.s32 $0xFFFFFEF7, lr;
	s5 =	simm.s32 $0xFFFFFFFF;
	p2 =	slt.u32 s8, $0xFFFFF086  }
0x1c: {  	p1 =	slt.u32 s9, $0xF7A;
	s5 =	simm.s32 @!p2 $0x0  }
0x1d: {  	s5 =	simm.s32 @p1 $0x1;
	p0 =	seq.s32 s7, s2  }
0x1e: {  	s7 =	smul.u32 @!p0 $0xF7A, s2;
	p2 =	seq.s32 @!p0 s5, $0x0  }
0x1f: {  	s9 =	smul.u32 $0xF7A, s1;
	s8 =	simm.s32 @!p0 $0x1BF5;
	p2 =	por !p2, p0  }
0x20: {  	[sflag:s8] =	ssyncset.s32 @!p0 $0xFFFFF086;
	s6 =	sadd.s32 @!p0 s3, s7;
	s7 =	simm.s32 @!p0 $0x108  }
0x21: {  	s3 =	sadd.s32 s3, s9;
	s6 =	sadd.s32 @!p0 $0x88, s6;
	s7 =	simm.s32 @p2 $0x1082  }
0x22: {  	[simem:s7], [sflag:s8] =	dma.local @!p0 [hbm:s6], $0xF7A  }
0x23: {  	s9 =	sor.u32 $0xD0000000, s2;
	s6 =	simm.s32 $0x108;
	_ =	swait.ge @!p0 [sflag:s8], $0x0  }
0x24: {  	s3 =	sadd.s32 $0x88, s3;
	s6 =	simm.s32 @!p1 $0x1082;
	[sflag:s4] =	ssyncset.s32 $0xFFFFF086  }
0x25: {  	[simem:s6], [sflag:s4] =	dma.local [hbm:s3], $0xF7A  }
0x26: {  	[smem:$0x3F95] =	sst s1;
	(tag) =	ssettag s2;
	_ =	strace s9  }
0x27: {  	s1 =	sld [smem:$0x3FA5]  }
0x28: {  	s2 =	sld [smem:$0x3FA6]  }
0x29: {  	s4 =	sld [smem:$0x3FA8]  }
0x2a: {  	p0 =	seq.s32 s5, $0x0;
	s5 =	sld [smem:$0x3FA9]  }
0x2b: {  	s6 =	sld [smem:$0x3FAA]  }
0x2c: {  	s7 =	sld [smem:$0x3FAB]  }
0x2d: {  	s3 =	simm.s32 $0x108;
	s8 =	sld [smem:$0x3FAC]  }
0x2e: {  	s3 =	simm.s32 @!p0 $0x1082;
	s9 =	sld [smem:$0x3FAD]  }
0x2f: {  	lr =	sadd.s32 s0, s3;
	s0 =	sld [smem:$0x3FA4]  }
0x30: {  	s3 =	sld [smem:$0x3FA7]  }
0x31: {  	[smem:$0x3FB0] =	sst s10  }
0x32: {  	s10 =	sld [smem:$0x3FAE];
	_ =	sdelay $0x3  }
0x33: {  	p0 =	seq.s32 s10, $0x1;
	s10 =	sld [smem:$0x3FB0];
	_ =	sdelay $0x3  }
0x34: {  	[smem:$0x3FB0] =	sst s10  }
0x35: {  	s10 =	sld [smem:$0x3FAF];
	_ =	sdelay $0x3  }
0x36: {  	p1 =	seq.s32 s10, $0x1;
	s10 =	sld [smem:$0x3FB0];
	_ =	sdelay $0x3  }
0x37: {  	[smem:$0x3FB0] =	sst s10  }
0x38: {  	s10 =	sld [smem:$0x3FB1]  }
0x39: {  	_ = 	snop;
	(pc) =	sbr.ind lr, $3  }
0x3a: {  	_ = 	snop  }
0x3b: {  	_ = 	snop  }
0x3c: {  	p2 =	seq.s32 s10, $0x1;
	s10 =	sld [smem:$0x3FB0]  }
0x3d: {  	_ =	shalt  }
0x3e: {  	_ =	shalt  }
0x3f: {  	_ =	shalt  }
0x40: {  	_ =	shalt  }
0x41: {  	_ =	shalt  }
0x42: {  	_ =	shalt  }
0x43: {  	_ =	shalt  }
0x44: {  	_ =	shalt  }
0x45: {  	_ =	shalt  }
0x46: {  	_ =	shalt  }
0x47: {  	_ =	shalt  }
0x48: {  	_ =	shalt  }
0x49: {  	_ =	shalt  }
0x4a: {  	_ =	shalt  }
0x4b: {  	_ =	shalt  }
0x4c: {  	_ =	shalt  }
0x4d: {  	_ =	shalt  }
0x4e: {  	_ =	shalt  }
0x4f: {  	_ =	shalt  }
0x50: {  	_ =	shalt  }
0x51: {  	_ =	shalt  }
0x52: {  	_ =	shalt  }
0x53: {  	_ =	shalt  }
0x54: {  	_ =	shalt  }
0x55: {  	_ =	shalt  }
0x56: {  	_ =	shalt  }
0x57: {  	_ =	shalt  }
0x58: {  	_ =	shalt  }
0x59: {  	_ =	shalt  }
0x5a: {  	_ =	shalt  }
0x5b: {  	_ =	shalt  }
0x5c: {  	_ =	shalt  }
0x5d: {  	_ =	shalt  }
0x5e: {  	_ =	shalt  }
0x5f: {  	_ =	shalt  }
0x60: {  	_ =	shalt  }
0x61: {  	_ =	shalt  }
0x62: {  	_ =	shalt  }
0x63: {  	_ =	shalt  }
0x64: {  	_ =	shalt  }
0x65: {  	_ =	shalt  }
0x66: {  	_ =	shalt  }
0x67: {  	_ =	shalt  }
0x68: {  	_ =	shalt  }
0x69: {  	_ =	shalt  }
0x6a: {  	_ =	shalt  }
0x6b: {  	_ =	shalt  }
0x6c: {  	_ =	shalt  }
0x6d: {  	_ =	shalt  }
0x6e: {  	_ =	shalt  }
0x6f: {  	_ =	shalt  }
0x70: {  	_ =	shalt  }
0x71: {  	_ =	shalt  }
0x72: {  	_ =	shalt  }
0x73: {  	_ =	shalt  }
0x74: {  	_ =	shalt  }
0x75: {  	_ =	shalt  }
0x76: {  	_ =	shalt  }
0x77: {  	_ =	shalt  }
0x78: {  	_ =	shalt  }
0x79: {  	_ =	shalt  }
0x7a: {  	_ =	shalt  }
0x7b: {  	_ =	shalt  }
0x7c: {  	_ =	shalt  }
0x7d: {  	_ =	shalt  }
0x7e: {  	_ =	shalt  }
0x7f: {  	_ =	shalt  }
0x80: {  	_ =	shalt  }
0x81: {  	_ =	shalt  }
0x82: {  	_ =	shalt  }
0x83: {  	_ =	shalt  }
0x84: {  	_ =	shalt  }
0x85: {  	_ =	shalt  }
0x86: {  	_ =	shalt  }
0x87: {  	_ =	shalt  }
.Lfunc_end0:
.L_simem_size_0:
called_computation_lowered:
.L_overlay_start_0:
0x88: {  	s2 =	sld [smem:$0x3FD9]  }
0x89: {  	s3 =	sld [smem:$0x3FFE];
	_ =	sdelay $0x1  }
0x8a: {  	s1 =	srdreg.scid  }
0x8b: {  	s0 =	sand.u32 $0x1, s1  }
0x8c: {  	s16 =	sshll.u32 s0, $0xA;
	s2 =	sadd.s32 s3, s2  }
0x8d: {  	s2 =	sadd.s32 s2, s16  }
0x8e: {  	[smem:$0x3FBC] =	sst s2  }
0x8f: {  	_ = 	snop  }
0x90: {  	(tm) =	ssettm $0x1  }
0x91: {  	s17 =	sld [smem:$0x3FFB];
	_ =	sdelay $0x3  }
0x92: {  	_ =	strace s17  }
0x93: {  	s2 =	sld [smem:$0x3FFC];
	_ =	sdelay $0x3  }
0x94: {  	_ =	strace s2  }
0x95: {  	s2 =	sld [smem:$0x3FFD];
	_ =	sdelay $0x3  }
0x96: {  	_ =	strace s2  }
0x97: {  	_ =	strace $0x8FFFFFFF  }
0x98: {  	s18 =	sld [smem:$0x3FDB];
	_ =	sdelay $0x1  }
0x99: {  	s19 =	simm.s32 $_scs_section_size  }
0x9a: {  	s4 =	simm.s32 $_size__tile_overlayer_lowered;
	s5 =	simm.s32 $_tile_overlayer_lowered  }
0x9b: {  	s22 =	simm.s32 $0x1BFF;
	s21 =	sshll.u32 s5, $0x1;
	s2 =	sadd.s32 s19, s18  }
0x9c: {  	s6 =	simm.s32 $0x0;
	s20 =	sshll.u32 s4, $0x1;
	s4 =	sadd.s32 s21, s2  }
0x9d: {  	[timem:s6], [sflag:s22] =	dma.local [hbm:s4], s20  }
0x9e: {  	_ =	swait.ge [sflag:s22], s20  }
0x9f: {  	s3 =	ssub.s32 $0x0, s20;
	[sflag:s22] =	ssyncset.done $0x0  }
0xa0: {  	[sflag:s22] =	ssyncadd.s32 s3;
	_ =	sdelay $0x1  }
0xa1: {  	s23 =	simm.s32 $0x1B8B  }
0xa2: {  	_ =	swait.ge [sflag:s23], $0x1  }
0xa3: {  	[sflag:s23] =	ssyncset.done $0x0  }
0xa4: {  	s25 =	simm.s32 $0x1B8E;
	s24 =	sld [smem:$0x3FFE];
	[sflag:s23] =	ssyncadd.s32 $0xFFFFFFFF  }
0xa5: {  	s26 =	simm.s32 $execute0_lowered;
	[smem:$0x3FD2] =	sst s25  }
0xa6: {  	s4 =	sshll.u32 s26, $0x1;
	_ =	strace $0x80000046;
	[dreg:$0x1] =	wrdreg $0xFFFFFFFF  }
0xa7: {  	s28 =	simm.s32 $_size_execute0_lowered;
	s2 =	sadd.s32 s2, s4;
	[dreg:$0x0] =	wrdreg $0x0  }
0xa8: {  	s4 =	sshll.u32 s28, $0x1;
	[dreg:$0x2] =	wrdreg s2  }
0xa9: {  	[dreg:$0x3] =	wrdreg s4  }
0xaa: {  	[dreg:$0x4] =	wrdreg $0xC0  }
0xab: {  	_ =	task [dreg:s6], $0x5FFFF  }
0xac: {  	[dreg:$0x1] =	wrdreg $0xFFFFFFFF  }
0xad: {  	[dreg:$0x0] =	wrdreg $0x60  }
0xae: {  	[dreg:$0x2] =	wrdreg s24  }
0xaf: {  	[dreg:$0x3] =	wrdreg $0x9  }
0xb0: {  	_ =	task.clear_ibuf [dreg:s6], $0x4FFFF;
	_ =	strace $0x90000046  }
0xb1: {  	s29 =	simm.s32 $0x9;
	_ =	strace $0x80000048  }
0xb2: {  	_ =	swait.ge [sflag:s29], $0x1  }
0xb3: {  	[sflag:s29] =	ssyncadd.s32 $0xFFFFFFFF  }
0xb4: {  	_ =	strace $0x90000048  }
0xb5: {  	_ =	sfence  }
0xb6: {  	s30 =	sld [smem:$0x0];
	_ =	sdelay $0x2  }
0xb7: {  	s31 =	sshll.u32 s1, $0xD;
	s1 =	sshrl.u32 s1, $0x2  }
0xb8: {  	s3 =	sand.u32 $0x4000, s31;
	s1 =	sadd.s32 s1, s30  }
0xb9: {  	s0 =	sor.u32 s3, s0;
	s1 =	sshll.u32 s1, $0x11  }
0xba: {  	s0 =	sor.u32 s1, s0  }
0xbb: {  	s0 =	sadd.s32 $0x8F2B, s0  }
0xbc: {  	[sflag:s0] =	ssyncadd.remote.s32 $0x1  }
0xbd: {  	_ =	sfence.sel $0xFFFF  }
0xbe: {  	[dreg:$0x0] =	wrdreg $0xFFFFFFFF;
	(pc) =	sbr.abs _section_cstart, $3  }
0xbf: {  	[dreg:$0x1] =	wrdreg $0xFFFFFFFF  }
0xc0: {  	_ =	task.clear_ibuf [dreg:s6], $0x2FFFF;
	_ =	strace $0x9FFFFFFF  }
0xc1: {  	(tm) =	ssettm $0x7FFFFFFF  }
tec
execute0_lowered:
.L_overlay_start_1:
0x0: {  	(tag) =	ssettag $0x1  }
0x1: {  	s1 =	srdreg.scid;
	s0 =	stileid.u32  }
0x2: {  	s4 =	rddreg [dreg:$0x0];
	s3 =	sand.u32 $0x1, s1;
	s30 =	sshll.u32 s0, $0x1  }
0x3: {  	s2 =	simm.s32 $0x0;
	s8 =	simm.s32 $0x0;
	s5 =	sor.u32 s3, s30  }
0x4: {  	s1 =	rddreg [dreg:$0x1];
	s3 =	ssub.s32 $0x2, s3;
	s6 =	smul.u32 $0x4F0, s5  }
0x5: {  	[smem:$0x7FF] =	sst s2;
	s5 =	smul.u32 $0x500, s5;
	s7 =	sshrl.u32 s3, $0x1  }
0x6: {  	_ =	strace $0x80000047;
	s31 =	ssub.s32 s3, s7;
	s7 =	simm.s32 $0x2780  }
0x7: {  	s6 =	sadd.s32 s6, s4;
	s4 =	sadd.s32 s5, s4;
	s5 =	smax.u32 s31, $0x1  }
0x8: {  	v0 =	vimm.f32 $0.0e+00;
	v1 =	vimm.f32 $1.000000000e+00;
	s3 =	sadd.s32 $0x16600, s6;
	s4 =	sadd.s32 $0x20400, s4;
	s6 =	simm.s32 $0x1  }
.LBB2_1:
0x9: {  	[tilespmem:s2], [sflag:$0x1] =	stream.linear.gather [hbm4b:s3+s2], $0x2780, $0x38;
	[tilespmem:$0x4F80] =	vst v63  }
0xa: {  	_ =	swait.ge [sflag:s6], $0x2780  }
0xb: {  	[sflag:s6] =	ssyncset.done $0x0  }
0xc: {  	s9 =	simm.s32 $0x0;
	[sflag:s6] =	ssyncadd.s32 $0xFFFFD880  }
.LBB2_2:
0xd: {  	p0 =	sne.s32 s9, $0x9FC0  }
.Ltmp0:
0xe: {  	_ = 	snop;
	(pc) =	sbr.rel @p0 .LBB2_2-.Ltmp0, $3  }
0xf: {  	_ =	sdelay $0x1  }
0x10: {  	s10 =	sshra.s32 s9, $0x2  }
0x11: {  	s9 =	sadd.s32 $0x40, s9;
	[tilespmem:s10+$0x2780] =	vst v0  }
0x12: {  	s10 =	simm.s32 $0x0;
	s9 =	simm.s32 $0x40  }
.LBB2_4:
0x13: {  	p0 =	sne.s32 s9, $0x9C00;
	v2 =	vld [tilespmem:s10+$0x0];
	_ =	sdelay $0x3  }
.Ltmp1:
0x14: {  	(pc) =	sbr.rel @p0 .LBB2_4-.Ltmp1, $2  }
0x15: {  	_ =	sdelay $0x2  }
0x16: {  	s10 =	sshra.s32 s9, $0x2;
	s9 =	sadd.s32 $0x40, s9;
	[tilespmem:v2+s7+$0x0] =	vst.idx.add.f32.msk $0xffff, v1  }
0x17: {  	v2 =	vld [tilespmem:s10+$0x0];
	_ =	sdelay $0x5  }
0x18: {  	s8 =	sadd.s32 $0x1, s8  }
0x19: {  	p0 =	sne.s32 s8, s5  }
.Ltmp2:
0x1a: {  	[tilespmem:v2+s7+$0x0] =	vst.idx.add.f32.msk $0xffff, v1;
	(pc) =	sbr.rel @p0 .LBB2_1-.Ltmp2, $4  }
0x1b: {  	[hbm4b:s4+s2] =	stream.linear.scatter [tilespmem:s7], [sflag:$0x1], $0x2800, $0x38;
	[tilespmem:$0x4F80] =	vst v63  }
0x1c: {  	_ =	swait.ge [sflag:s6], $0x2800  }
0x1d: {  	[sflag:s6] =	ssyncset.done $0x0  }
0x1e: {  	[sflag:s6] =	ssyncadd.s32 $0xFFFFD800  }
0x1f: {  	_ =	sfence.sel $0x180000  }
0x20: {  	[bflag:$0x0] =	sbarrier.arrive $0xFFFF  }
0x21: {  	p0 =	sne.s32 s0, $0x0;
	_ =	strace $0x90000047  }
0x22: {  	s0 =	sadd.s32 @!p0 $0x100000, s1;
	[bflag:$0x2] =	sbarrier.arrive $0xFFFF  }
0x23: {  	[sflag:s0] =	ssyncadd.tile.s32 @!p0 $0x1;
	_ =	shalt  }
.Lfunc_end2:
_tile_overlayer_lowered:
.L_overlay_start_2:
0x24: {  	(tag) =	ssettag $0x2  }
0x25: {  	s0 =	rddreg [dreg:$0x0];
	s2 =	stileid.u32  }
0x26: {  	s1 =	rddreg [dreg:$0x1];
	p0 =	sne.s32 s2, $0x0  }
0x27: {  	s3 =	rddreg [dreg:$0x2];
	[bflag:$0x3] =	sbarrier.arrive $0xFFFF;
	s2 =	simm.s32 @!p0 $0x1C01  }
0x28: {  	[timem:s3], [sflag:s2] =	dma.local @!p0 [hbm:s0], s1  }
0x29: {  	s0 =	simm.s32 @!p0 $0x1  }
0x2a: {  	_ =	swait.ge @!p0 [sflag:s0], s1  }
0x2b: {  	s1 =	ssub.s32 @!p0 $0x0, s1;
	[sflag:s0] =	ssyncset.done @!p0 $0x0  }
0x2c: {  	[sflag:s0] =	ssyncadd.s32 @!p0 s1  }
0x2d: {  	[bflag:$0x3] =	sbarrier.arrive $0xFFFF  }
0x2e: {  	_ =	shalt  }

</sc_bundles>
